<compile_context>
chip_gen: v7x
topology: tpu7x:2x2x1
jax: 0.10.2.dev20260603
libtpu: 0.0.44.dev20260713+nightly
codegen_flags: <defaults>
</compile_context>

<pallas_src>
import functools

import jax
import jax.numpy as jnp
from jax import lax
from jax.experimental import pallas as pl
from jax.experimental.pallas import tpu as pltpu
from jax.experimental.pallas import tpu_sc as plsc

N_NODES = 10000
N_EDGES = 320000
HID = 128
N_STEPS = 3

ROW_BLK = 5000
GRID = N_NODES // ROW_BLK

NC = 2
NS = 16
NW = NC * NS
CHUNK = 120
TILE_CHUNKS = 88
QC = 8
NQ = TILE_CHUNKS // QC
E_PAD = NW * TILE_CHUNKS * CHUNK
NBUF = 3
N_PAD = 10112
ROWS_PER_TILE = N_PAD // NS

def _dot(a, b):
    return jnp.dot(a.astype(jnp.bfloat16), b.astype(jnp.bfloat16),
                   preferred_element_type=jnp.float32)



def _embed_body(x_ref, wembt, bemb, wgt, bg, h_ref, m_ref):
    x = x_ref[...]
    h = _dot(x, wembt[...]) + bemb[...]
    h_ref[...] = h
    m_ref[...] = _dot(h, wgt[...]) + bg[...]


def _gru_core(a0_ref, a1_ref, h_ref, wiht, bih, whht, bhh):
    a = a0_ref[0] + a1_ref[0]
    h = h_ref[...]
    gi = _dot(a, wiht[...]) + bih[...]
    gh = _dot(h, whht[...]) + bhh[...]
    r = jax.nn.sigmoid(gi[:, :HID] + gh[:, :HID])
    z = jax.nn.sigmoid(gi[:, HID:2 * HID] + gh[:, HID:2 * HID])
    n = jnp.tanh(gi[:, 2 * HID:] + r * gh[:, 2 * HID:])
    return (1.0 - z) * n + z * h


def _gru_mid_body(a0_ref, a1_ref, h_ref, wiht, bih, whht, bhh, wgt, bg,
                  ho_ref, mo_ref):
    hn = _gru_core(a0_ref, a1_ref, h_ref, wiht, bih, whht, bhh)
    ho_ref[...] = hn
    mo_ref[...] = _dot(hn, wgt[...]) + bg[...]


def _gru_last_body(a0_ref, a1_ref, h_ref, wiht, bih, whht, bhh, woutt, bout,
                   out_ref):
    hn = _gru_core(a0_ref, a1_ref, h_ref, wiht, bih, whht, bhh)
    out_ref[...] = jnp.tanh(_dot(hn, woutt[...]) + bout[...])


def _row_spec(cols):
    return pl.BlockSpec((ROW_BLK, cols), lambda i: (i, 0))


def _full_spec(r, c):
    return pl.BlockSpec((r, c), lambda i: (0, 0))


def _part_spec(which):
    return pl.BlockSpec((1, ROW_BLK, HID), lambda i, w=which: (w, i, 0))


_f32 = jnp.float32


def _embed_call(x, wembt, bemb, wgt, bg):
    return pl.pallas_call(
        _embed_body,
        grid=(GRID,),
        in_specs=[
            _row_spec(HID),
            _full_spec(HID, HID), _full_spec(1, HID),
            _full_spec(HID, HID), _full_spec(1, HID),
        ],
        out_specs=[_row_spec(HID), _row_spec(HID)],
        out_shape=[
            jax.ShapeDtypeStruct((N_NODES, HID), _f32),
            jax.ShapeDtypeStruct((N_NODES, HID), _f32),
        ],
    )(x, wembt, bemb, wgt, bg)


def _gru_mid_call(parts, h, wiht, bih, whht, bhh, wgt, bg):
    return pl.pallas_call(
        _gru_mid_body,
        grid=(GRID,),
        in_specs=[
            _part_spec(0), _part_spec(1),
            _row_spec(HID),
            _full_spec(HID, 3 * HID), _full_spec(1, 3 * HID),
            _full_spec(HID, 3 * HID), _full_spec(1, 3 * HID),
            _full_spec(HID, HID), _full_spec(1, HID),
        ],
        out_specs=[_row_spec(HID), _row_spec(HID)],
        out_shape=[
            jax.ShapeDtypeStruct((N_NODES, HID), _f32),
            jax.ShapeDtypeStruct((N_NODES, HID), _f32),
        ],
    )(parts, parts, h, wiht, bih, whht, bhh, wgt, bg)


def _gru_last_call(parts, h, wiht, bih, whht, bhh, woutt, bout):
    return pl.pallas_call(
        _gru_last_body,
        grid=(GRID,),
        in_specs=[
            _part_spec(0), _part_spec(1),
            _row_spec(HID),
            _full_spec(HID, 3 * HID), _full_spec(1, 3 * HID),
            _full_spec(HID, 3 * HID), _full_spec(1, 3 * HID),
            _full_spec(HID, HID), _full_spec(1, HID),
        ],
        out_specs=_row_spec(HID),
        out_shape=jax.ShapeDtypeStruct((N_NODES, HID), _f32),
    )(parts, parts, h, wiht, bih, whht, bhh, woutt, bout)



@functools.partial(
    pl.kernel,
    out_type=jax.ShapeDtypeStruct((NC, N_PAD, HID), _f32),
    mesh=plsc.VectorSubcoreMesh(core_axis_name="c", subcore_axis_name="s"),
    scratch_types=[
        pltpu.VMEM((2, QC, CHUNK), jnp.int32),
        pltpu.VMEM((2, QC, CHUNK), jnp.int32),
        pltpu.VMEM((NBUF, CHUNK, HID), _f32),
        pltpu.VMEM_SHARED((N_PAD, HID), _f32),
        pltpu.SemaphoreType.DMA((NBUF,)),
        pltpu.SemaphoreType.DMA((NBUF,)),
        pltpu.SemaphoreType.DMA((2,)),
        pltpu.SemaphoreType.DMA((2,)),
    ],
)
def _msg_pass(m_hbm, srcs_hbm, dsts_hbm, zeros_hbm, out_hbm,
              src_t, dst_t, rows_v, a_sh, gsem, ssem, sisem, disem):
    c = lax.axis_index("c")
    s = lax.axis_index("s")
    wid = c * NS + s

    def _idx_copies(q):
        qb = q % 2
        off = pl.multiple_of(q * QC, 8)
        return (
            pltpu.make_async_copy(srcs_hbm.at[wid, pl.ds(off, QC)],
                                  src_t.at[qb], sisem.at[qb]),
            pltpu.make_async_copy(dsts_hbm.at[wid, pl.ds(off, QC)],
                                  dst_t.at[qb], disem.at[qb]),
        )

    def idx_start(q):
        for cp in _idx_copies(q):
            cp.start()

    def idx_wait(q):
        for cp in _idx_copies(q):
            cp.wait()

    def _gather_copy(cc):
        b = cc % NBUF
        return pltpu.make_async_copy(m_hbm.at[src_t.at[(cc // QC) % 2,
                                                       cc % QC]],
                                     rows_v.at[b], gsem.at[b])

    def _scatter_copy(cc):
        b = cc % NBUF
        return pltpu.make_async_copy(rows_v.at[b],
                                     a_sh.at[dst_t.at[(cc // QC) % 2,
                                                      cc % QC]],
                                     ssem.at[b])

    idx_start(0)
    idx_start(1)
    idx_wait(0)
    _gather_copy(0).start()
    _gather_copy(1).start()
    pltpu.sync_copy(zeros_hbm.at[pl.ds(s * ROWS_PER_TILE, ROWS_PER_TILE)],
                    a_sh.at[pl.ds(s * ROWS_PER_TILE, ROWS_PER_TILE)])
    plsc.subcore_barrier()

    @pl.loop(0, NQ)
    def _(q):
        @pl.loop(0, QC)
        def _(tt):
            cc = q * QC + tt

            @pl.when(jnp.logical_and(tt == 1,
                                     jnp.logical_and(q >= 1, q + 1 < NQ)))
            def _():
                idx_start(q + 1)

            @pl.when(jnp.logical_and(tt == QC - 2, q + 1 < NQ))
            def _():
                idx_wait(q + 1)

            _gather_copy(cc).wait()
            _scatter_copy(cc).start(add=True)

            @pl.when(cc >= 1)
            def _():
                _scatter_copy(cc - 1).wait()

            @pl.when(cc + 2 < TILE_CHUNKS)
            def _():
                _gather_copy(cc + 2).start()

    _scatter_copy(TILE_CHUNKS - 1).wait()
    plsc.subcore_barrier()
    pltpu.sync_copy(a_sh.at[pl.ds(s * ROWS_PER_TILE, ROWS_PER_TILE)],
                    out_hbm.at[c, pl.ds(s * ROWS_PER_TILE, ROWS_PER_TILE)])



def kernel(x, edge_index, W_emb, b_emb, W_g, b_g, W_ih, W_hh, b_ih, b_hh,
           W_out, b_out):
    n_extra = E_PAD - N_EDGES
    pad_iota = jnp.arange(n_extra, dtype=jnp.int32)
    src = jnp.concatenate(
        [edge_index[0], pad_iota % N_NODES]
    ).reshape(NW, TILE_CHUNKS, CHUNK)
    dst = jnp.concatenate(
        [edge_index[1], N_NODES + pad_iota % (N_PAD - N_NODES)]
    ).reshape(NW, TILE_CHUNKS, CHUNK)
    zeros = jnp.zeros((N_PAD, HID), _f32)

    wembt = W_emb.T
    wgt = W_g.T
    wiht = W_ih.T
    whht = W_hh.T
    woutt = W_out.T
    bemb = b_emb.reshape(1, HID)
    bg = b_g.reshape(1, HID)
    bih = b_ih.reshape(1, 3 * HID)
    bhh = b_hh.reshape(1, 3 * HID)
    bout = b_out.reshape(1, HID)

    h, m = _embed_call(x, wembt, bemb, wgt, bg)
    for step in range(N_STEPS):
        parts = _msg_pass(m, src, dst, zeros)
        if step < N_STEPS - 1:
            h, m = _gru_mid_call(parts, h, wiht, bih, whht, bhh, wgt, bg)
        else:
            return _gru_last_call(parts, h, wiht, bih, whht, bhh, woutt, bout)

# --- scband reference (transcript-rebuilt; emitter-appended) ---
"""Pipeline reference for scband-gnn-6949257085000 (READ-ONLY COPY).

The authoritative reference and input builder live on the scoring server;
editing this copy changes nothing except your own understanding.
"""

import jax, jax.numpy as jnp
import numpy as np

N = 10000
E = 320000
IN_DIM = 128
HID = 128
OUT_DIM = 128
N_STEPS = 3


def setup_inputs(seed: int = 0) -> dict:
    key = jax.random.key(seed)
    ks = jax.random.split(key, 12)
    x = jax.random.normal(ks[0], (N, IN_DIM), dtype=jnp.float32)
    edge_index = jax.random.randint(ks[1], (2, E), 0, N, dtype=jnp.int32)
    s_in = 1.0 / np.sqrt(IN_DIM)
    s_h = 1.0 / np.sqrt(HID)
    W_emb = jax.random.normal(ks[2], (HID, IN_DIM), dtype=jnp.float32) * s_in
    b_emb = jax.random.normal(ks[3], (HID,), dtype=jnp.float32) * s_in
    W_g = jax.random.normal(ks[4], (HID, HID), dtype=jnp.float32) * s_h
    b_g = jax.random.normal(ks[5], (HID,), dtype=jnp.float32) * s_h
    W_ih = jax.random.normal(ks[6], (3 * HID, HID), dtype=jnp.float32) * s_h
    W_hh = jax.random.normal(ks[7], (3 * HID, HID), dtype=jnp.float32) * s_h
    b_ih = jax.random.normal(ks[8], (3 * HID,), dtype=jnp.float32) * s_h
    b_hh = jax.random.normal(ks[9], (3 * HID,), dtype=jnp.float32) * s_h
    W_out = jax.random.normal(ks[10], (OUT_DIM, HID), dtype=jnp.float32) * s_h
    b_out = jax.random.normal(ks[11], (OUT_DIM,), dtype=jnp.float32) * s_h
    return {
        "x": x,
        "edge_index": edge_index,
        "W_emb": W_emb,
        "b_emb": b_emb,
        "W_g": W_g,
        "b_g": b_g,
        "W_ih": W_ih,
        "W_hh": W_hh,
        "b_ih": b_ih,
        "b_hh": b_hh,
        "W_out": W_out,
        "b_out": b_out,
    }


def gru_cell(a, h, W_ih, W_hh, b_ih, b_hh):
    # PyTorch nn.GRUCell semantics, gate order (r, z, n)
    gi = a @ W_ih.T + b_ih
    gh = h @ W_hh.T + b_hh
    i_r, i_z, i_n = jnp.split(gi, 3, axis=-1)
    h_r, h_z, h_n = jnp.split(gh, 3, axis=-1)
    r = jax.nn.sigmoid(i_r + h_r)
    z = jax.nn.sigmoid(i_z + h_z)
    n = jnp.tanh(i_n + r * h_n)
    return (1.0 - z) * n + z * h


def reference(x, edge_index, W_emb, b_emb, W_g, b_g, W_ih, W_hh, b_ih, b_hh, W_out, b_out):
    # h = embedding(pos)
    h = x @ W_emb.T + b_emb
    src = edge_index[0]
    dst = edge_index[1]
    n_nodes = x.shape[0]
    # DGL GatedGraphConv with n_steps=3, n_etypes=1 (all etypes zero)
    for _ in range(N_STEPS):
        m = h @ W_g.T + b_g            # linears[0](feat) on all nodes
        msgs = jnp.take(m, src, axis=0)  # copy_u gather over edges
        a = jax.ops.segment_sum(msgs, dst, num_segments=n_nodes)  # sum reduce at dst
        h = gru_cell(a, h, W_ih, W_hh, b_ih, b_hh)
    out = h @ W_out.T + b_out
    return jnp.tanh(out)

if __name__ == "__main__":
    import jax
    _d = setup_inputs()
    print(jax.jit(kernel)(*tuple(_d.values())))

</pallas_src>

<mosaic_0001>
#map = affine_map<(d0, d1) -> (0, 0)>
#map1 = affine_map<(d0, d1) -> (0, 0, 0)>
module attributes {stable_mosaic.version = 14 : i64} {
  func.func @_msg_pass(%arg0: i32, %arg1: i32, %arg2: memref<10000x128xf32, #tpu.memory_space<hbm>>, %arg3: memref<32x88x120xi32, #tpu.memory_space<hbm>>, %arg4: memref<32x88x120xi32, #tpu.memory_space<hbm>>, %arg5: memref<10112x128xf32, #tpu.memory_space<hbm>>, %arg6: memref<2x10112x128xf32, #tpu.memory_space<hbm>>, %arg7: memref<2x8x120xi32, #tpu.memory_space<vmem>>, %arg8: memref<2x8x120xi32, #tpu.memory_space<vmem>>, %arg9: memref<3x120x128xf32, #tpu.memory_space<vmem>>, %arg10: memref<10112x128xf32, #tpu.memory_space<vmem_shared>>, %arg11: memref<3x!tpu.dma_semaphore, #tpu.memory_space<semaphore_mem>>, %arg12: memref<3x!tpu.dma_semaphore, #tpu.memory_space<semaphore_mem>>, %arg13: memref<2x!tpu.dma_semaphore, #tpu.memory_space<semaphore_mem>>, %arg14: memref<2x!tpu.dma_semaphore, #tpu.memory_space<semaphore_mem>>) attributes {dimension_semantics = [#tpu.dimension_semantics<core_parallel>, #tpu.dimension_semantics<subcore_parallel>], iteration_bounds = array<i64: 2, 16>, scalar_prefetch = 0 : i64, scratch_operands = 8 : i64, tpu.core_type = #tpu.core_type<sc_vector_subcore>, window_params = [{transform_indices = #map}, {transform_indices = #map1}, {transform_indices = #map1}, {transform_indices = #map}, {transform_indices = #map1}]} {
    %mul3A = arith.constant 16 : i32
    %mul3A_0 = arith.muli %arg0, %mul3A : i32
    %add3A = arith.addi %mul3A_0, %arg1 : i32
    %multiple_of3A = arith.constant 0 : i32
    %multiple_of3A_1 = tpu.assume_multiple %multiple_of3A, 8 : i32
    %dma_start3A = arith.constant 0 : i32
    %dma_start3A_2 = arith.constant 0 : i32
    %dma_start3A_3 = arith.constant 0 : i32
    %dma_start3A_4 = arith.constant 0 : i32
    %dma_start3A_5 = tpu.memref_slice %arg7[%dma_start3A, %dma_start3A_3, %dma_start3A_4] : memref<2x8x120xi32, #tpu.memory_space<vmem>> -> memref<1x8x120xi32, #tpu.memory_space<vmem>>
    %dma_start3A_6 = tpu.memref_squeeze %dma_start3A_5 : memref<1x8x120xi32, #tpu.memory_space<vmem>> -> memref<8x120xi32, #tpu.memory_space<vmem>>
    %dma_start3A_7 = arith.constant 0 : i32
    %dma_start3A_8 = tpu.memref_slice %arg3[%add3A, %multiple_of3A_1, %dma_start3A_7] : memref<32x88x120xi32, #tpu.memory_space<hbm>> -> memref<1x8x120xi32, #tpu.memory_space<hbm>>
    %dma_start3A_9 = tpu.memref_squeeze %dma_start3A_8 : memref<1x8x120xi32, #tpu.memory_space<hbm>> -> memref<8x120xi32, #tpu.memory_space<hbm>>
    %dma_start3A_10 = tpu.memref_slice %arg13[%dma_start3A_2] : memref<2x!tpu.dma_semaphore, #tpu.memory_space<semaphore_mem>> -> memref<1x!tpu.dma_semaphore, #tpu.memory_space<semaphore_mem>>
    %dma_start3A_11 = tpu.memref_squeeze %dma_start3A_10 : memref<1x!tpu.dma_semaphore, #tpu.memory_space<semaphore_mem>> -> memref<!tpu.dma_semaphore, #tpu.memory_space<semaphore_mem>>
    %dma_start3A_12 = arith.constant 0 : i32
    %dma_start3A_13 = arith.constant 0 : i32
    %dma_start3A_14 = tpu.memref_slice %arg7[%dma_start3A, %dma_start3A_12, %dma_start3A_13] : memref<2x8x120xi32, #tpu.memory_space<vmem>> -> memref<1x8x120xi32, #tpu.memory_space<vmem>>
    %dma_start3A_15 = tpu.memref_squeeze %dma_start3A_14 : memref<1x8x120xi32, #tpu.memory_space<vmem>> -> memref<8x120xi32, #tpu.memory_space<vmem>>
    %dma_start3A_16 = arith.constant 0 : i32
    %dma_start3A_17 = tpu.memref_slice %arg3[%add3A, %multiple_of3A_1, %dma_start3A_16] : memref<32x88x120xi32, #tpu.memory_space<hbm>> -> memref<1x8x120xi32, #tpu.memory_space<hbm>>
    %dma_start3A_18 = tpu.memref_squeeze %dma_start3A_17 : memref<1x8x120xi32, #tpu.memory_space<hbm>> -> memref<8x120xi32, #tpu.memory_space<hbm>>
    tpu.enqueue_dma source(%dma_start3A_18 : memref<8x120xi32, #tpu.memory_space<hbm>>) target(%dma_start3A_15 : memref<8x120xi32, #tpu.memory_space<vmem>>) target_semaphore(%dma_start3A_11 : memref<!tpu.dma_semaphore, #tpu.memory_space<semaphore_mem>>)
    %dma_start3A_19 = arith.constant 0 : i32
    %dma_start3A_20 = arith.constant 0 : i32
    %dma_start3A_21 = arith.constant 0 : i32
    %dma_start3A_22 = arith.constant 0 : i32
    %dma_start3A_23 = tpu.memref_slice %arg8[%dma_start3A_19, %dma_start3A_21, %dma_start3A_22] : memref<2x8x120xi32, #tpu.memory_space<vmem>> -> memref<1x8x120xi32, #tpu.memory_space<vmem>>
    %dma_start3A_24 = tpu.memref_squeeze %dma_start3A_23 : memref<1x8x120xi32, #tpu.memory_space<vmem>> -> memref<8x120xi32, #tpu.memory_space<vmem>>
    %dma_start3A_25 = arith.constant 0 : i32
    %dma_start3A_26 = tpu.memref_slice %arg4[%add3A, %multiple_of3A_1, %dma_start3A_25] : memref<32x88x120xi32, #tpu.memory_space<hbm>> -> memref<1x8x120xi32, #tpu.memory_space<hbm>>
    %dma_start3A_27 = tpu.memref_squeeze %dma_start3A_26 : memref<1x8x120xi32, #tpu.memory_space<hbm>> -> memref<8x120xi32, #tpu.memory_space<hbm>>
    %dma_start3A_28 = tpu.memref_slice %arg14[%dma_start3A_20] : memref<2x!tpu.dma_semaphore, #tpu.memory_space<semaphore_mem>> -> memref<1x!tpu.dma_semaphore, #tpu.memory_space<semaphore_mem>>
    %dma_start3A_29 = tpu.memref_squeeze %dma_start3A_28 : memref<1x!tpu.dma_semaphore, #tpu.memory_space<semaphore_mem>> -> memref<!tpu.dma_semaphore, #tpu.memory_space<semaphore_mem>>
    %dma_start3A_30 = arith.constant 0 : i32
    %dma_start3A_31 = arith.constant 0 : i32
    %dma_start3A_32 = tpu.memref_slice %arg8[%dma_start3A_19, %dma_start3A_30, %dma_start3A_31] : memref<2x8x120xi32, #tpu.memory_space<vmem>> -> memref<1x8x120xi32, #tpu.memory_space<vmem>>
    %dma_start3A_33 = tpu.memref_squeeze %dma_start3A_32 : memref<1x8x120xi32, #tpu.memory_space<vmem>> -> memref<8x120xi32, #tpu.memory_space<vmem>>
    %dma_start3A_34 = arith.constant 0 : i32
    %dma_start3A_35 = tpu.memref_slice %arg4[%add3A, %multiple_of3A_1, %dma_start3A_34] : memref<32x88x120xi32, #tpu.memory_space<hbm>> -> memref<1x8x120xi32, #tpu.memory_space<hbm>>
    %dma_start3A_36 = tpu.memref_squeeze %dma_start3A_35 : memref<1x8x120xi32, #tpu.memory_space<hbm>> -> memref<8x120xi32, #tpu.memory_space<hbm>>
    tpu.enqueue_dma source(%dma_start3A_36 : memref<8x120xi32, #tpu.memory_space<hbm>>) target(%dma_start3A_33 : memref<8x120xi32, #tpu.memory_space<vmem>>) target_semaphore(%dma_start3A_29 : memref<!tpu.dma_semaphore, #tpu.memory_space<semaphore_mem>>)
    %multiple_of3A_37 = arith.constant 8 : i32
    %multiple_of3A_38 = tpu.assume_multiple %multiple_of3A_37, 8 : i32
    %dma_start3A_39 = arith.constant 1 : i32
    %dma_start3A_40 = arith.constant 1 : i32
    %dma_start3A_41 = arith.constant 0 : i32
    %dma_start3A_42 = arith.constant 0 : i32
    %dma_start3A_43 = tpu.memref_slice %arg7[%dma_start3A_39, %dma_start3A_41, %dma_start3A_42] : memref<2x8x120xi32, #tpu.memory_space<vmem>> -> memref<1x8x120xi32, #tpu.memory_space<vmem>>
    %dma_start3A_44 = tpu.memref_squeeze %dma_start3A_43 : memref<1x8x120xi32, #tpu.memory_space<vmem>> -> memref<8x120xi32, #tpu.memory_space<vmem>>
    %dma_start3A_45 = arith.constant 0 : i32
    %dma_start3A_46 = tpu.memref_slice %arg3[%add3A, %multiple_of3A_38, %dma_start3A_45] : memref<32x88x120xi32, #tpu.memory_space<hbm>> -> memref<1x8x120xi32, #tpu.memory_space<hbm>>
    %dma_start3A_47 = tpu.memref_squeeze %dma_start3A_46 : memref<1x8x120xi32, #tpu.memory_space<hbm>> -> memref<8x120xi32, #tpu.memory_space<hbm>>
    %dma_start3A_48 = tpu.memref_slice %arg13[%dma_start3A_40] : memref<2x!tpu.dma_semaphore, #tpu.memory_space<semaphore_mem>> -> memref<1x!tpu.dma_semaphore, #tpu.memory_space<semaphore_mem>>
    %dma_start3A_49 = tpu.memref_squeeze %dma_start3A_48 : memref<1x!tpu.dma_semaphore, #tpu.memory_space<semaphore_mem>> -> memref<!tpu.dma_semaphore, #tpu.memory_space<semaphore_mem>>
    %dma_start3A_50 = arith.constant 0 : i32
    %dma_start3A_51 = arith.constant 0 : i32
    %dma_start3A_52 = tpu.memref_slice %arg7[%dma_start3A_39, %dma_start3A_50, %dma_start3A_51] : memref<2x8x120xi32, #tpu.memory_space<vmem>> -> memref<1x8x120xi32, #tpu.memory_space<vmem>>
    %dma_start3A_53 = tpu.memref_squeeze %dma_start3A_52 : memref<1x8x120xi32, #tpu.memory_space<vmem>> -> memref<8x120xi32, #tpu.memory_space<vmem>>
    %dma_start3A_54 = arith.constant 0 : i32
    %dma_start3A_55 = tpu.memref_slice %arg3[%add3A, %multiple_of3A_38, %dma_start3A_54] : memref<32x88x120xi32, #tpu.memory_space<hbm>> -> memref<1x8x120xi32, #tpu.memory_space<hbm>>
    %dma_start3A_56 = tpu.memref_squeeze %dma_start3A_55 : memref<1x8x120xi32, #tpu.memory_space<hbm>> -> memref<8x120xi32, #tpu.memory_space<hbm>>
    tpu.enqueue_dma source(%dma_start3A_56 : memref<8x120xi32, #tpu.memory_space<hbm>>) target(%dma_start3A_53 : memref<8x120xi32, #tpu.memory_space<vmem>>) target_semaphore(%dma_start3A_49 : memref<!tpu.dma_semaphore, #tpu.memory_space<semaphore_mem>>)
    %dma_start3A_57 = arith.constant 1 : i32
    %dma_start3A_58 = arith.constant 1 : i32
    %dma_start3A_59 = arith.constant 0 : i32
    %dma_start3A_60 = arith.constant 0 : i32
    %dma_start3A_61 = tpu.memref_slice %arg8[%dma_start3A_57, %dma_start3A_59, %dma_start3A_60] : memref<2x8x120xi32, #tpu.memory_space<vmem>> -> memref<1x8x120xi32, #tpu.memory_space<vmem>>
    %dma_start3A_62 = tpu.memref_squeeze %dma_start3A_61 : memref<1x8x120xi32, #tpu.memory_space<vmem>> -> memref<8x120xi32, #tpu.memory_space<vmem>>
    %dma_start3A_63 = arith.constant 0 : i32
    %dma_start3A_64 = tpu.memref_slice %arg4[%add3A, %multiple_of3A_38, %dma_start3A_63] : memref<32x88x120xi32, #tpu.memory_space<hbm>> -> memref<1x8x120xi32, #tpu.memory_space<hbm>>
    %dma_start3A_65 = tpu.memref_squeeze %dma_start3A_64 : memref<1x8x120xi32, #tpu.memory_space<hbm>> -> memref<8x120xi32, #tpu.memory_space<hbm>>
    %dma_start3A_66 = tpu.memref_slice %arg14[%dma_start3A_58] : memref<2x!tpu.dma_semaphore, #tpu.memory_space<semaphore_mem>> -> memref<1x!tpu.dma_semaphore, #tpu.memory_space<semaphore_mem>>
    %dma_start3A_67 = tpu.memref_squeeze %dma_start3A_66 : memref<1x!tpu.dma_semaphore, #tpu.memory_space<semaphore_mem>> -> memref<!tpu.dma_semaphore, #tpu.memory_space<semaphore_mem>>
    %dma_start3A_68 = arith.constant 0 : i32
    %dma_start3A_69 = arith.constant 0 : i32
    %dma_start3A_70 = tpu.memref_slice %arg8[%dma_start3A_57, %dma_start3A_68, %dma_start3A_69] : memref<2x8x120xi32, #tpu.memory_space<vmem>> -> memref<1x8x120xi32, #tpu.memory_space<vmem>>
    %dma_start3A_71 = tpu.memref_squeeze %dma_start3A_70 : memref<1x8x120xi32, #tpu.memory_space<vmem>> -> memref<8x120xi32, #tpu.memory_space<vmem>>
    %dma_start3A_72 = arith.constant 0 : i32
    %dma_start3A_73 = tpu.memref_slice %arg4[%add3A, %multiple_of3A_38, %dma_start3A_72] : memref<32x88x120xi32, #tpu.memory_space<hbm>> -> memref<1x8x120xi32, #tpu.memory_space<hbm>>
    %dma_start3A_74 = tpu.memref_squeeze %dma_start3A_73 : memref<1x8x120xi32, #tpu.memory_space<hbm>> -> memref<8x120xi32, #tpu.memory_space<hbm>>
    tpu.enqueue_dma source(%dma_start3A_74 : memref<8x120xi32, #tpu.memory_space<hbm>>) target(%dma_start3A_71 : memref<8x120xi32, #tpu.memory_space<vmem>>) target_semaphore(%dma_start3A_67 : memref<!tpu.dma_semaphore, #tpu.memory_space<semaphore_mem>>)
    %multiple_of3A_75 = arith.constant 0 : i32
    %multiple_of3A_76 = tpu.assume_multiple %multiple_of3A_75, 8 : i32
    %dma_wait3A = arith.constant 0 : i32
    %dma_wait3A_77 = arith.constant 0 : i32
    %dma_wait3A_78 = arith.constant 0 : i32
    %dma_wait3A_79 = arith.constant 0 : i32
    %dma_wait3A_80 = tpu.memref_slice %arg7[%dma_wait3A, %dma_wait3A_78, %dma_wait3A_79] : memref<2x8x120xi32, #tpu.memory_space<vmem>> -> memref<1x8x120xi32, #tpu.memory_space<vmem>>
    %dma_wait3A_81 = tpu.memref_squeeze %dma_wait3A_80 : memref<1x8x120xi32, #tpu.memory_space<vmem>> -> memref<8x120xi32, #tpu.memory_space<vmem>>
    %dma_wait3A_82 = arith.constant 0 : i32
    %dma_wait3A_83 = tpu.memref_slice %arg3[%add3A, %multiple_of3A_76, %dma_wait3A_82] : memref<32x88x120xi32, #tpu.memory_space<hbm>> -> memref<1x8x120xi32, #tpu.memory_space<hbm>>
    %dma_wait3A_84 = tpu.memref_squeeze %dma_wait3A_83 : memref<1x8x120xi32, #tpu.memory_space<hbm>> -> memref<8x120xi32, #tpu.memory_space<hbm>>
    %dma_wait3A_85 = tpu.memref_slice %arg13[%dma_wait3A_77] : memref<2x!tpu.dma_semaphore, #tpu.memory_space<semaphore_mem>> -> memref<1x!tpu.dma_semaphore, #tpu.memory_space<semaphore_mem>>
    %dma_wait3A_86 = tpu.memref_squeeze %dma_wait3A_85 : memref<1x!tpu.dma_semaphore, #tpu.memory_space<semaphore_mem>> -> memref<!tpu.dma_semaphore, #tpu.memory_space<semaphore_mem>>
    %dma_wait3A_87 = arith.constant 0 : i32
    %dma_wait3A_88 = arith.constant 0 : i32
    %dma_wait3A_89 = tpu.memref_slice %arg7[%dma_wait3A, %dma_wait3A_87, %dma_wait3A_88] : memref<2x8x120xi32, #tpu.memory_space<vmem>> -> memref<1x8x120xi32, #tpu.memory_space<vmem>>
    %dma_wait3A_90 = tpu.memref_squeeze %dma_wait3A_89 : memref<1x8x120xi32, #tpu.memory_space<vmem>> -> memref<8x120xi32, #tpu.memory_space<vmem>>
    %dma_wait3A_91 = arith.constant 0 : i32
    %dma_wait3A_92 = tpu.memref_slice %arg3[%add3A, %multiple_of3A_76, %dma_wait3A_91] : memref<32x88x120xi32, #tpu.memory_space<hbm>> -> memref<1x8x120xi32, #tpu.memory_space<hbm>>
    %dma_wait3A_93 = tpu.memref_squeeze %dma_wait3A_92 : memref<1x8x120xi32, #tpu.memory_space<hbm>> -> memref<8x120xi32, #tpu.memory_space<hbm>>
    tpu.wait_dma2 semaphore(%dma_wait3A_86 : memref<!tpu.dma_semaphore, #tpu.memory_space<semaphore_mem>>) src(%dma_wait3A_93 : memref<8x120xi32, #tpu.memory_space<hbm>>) dst(%dma_wait3A_90 : memref<8x120xi32, #tpu.memory_space<vmem>>)
    %dma_wait3A_94 = arith.constant 0 : i32
    %dma_wait3A_95 = arith.constant 0 : i32
    %dma_wait3A_96 = arith.constant 0 : i32
    %dma_wait3A_97 = arith.constant 0 : i32
    %dma_wait3A_98 = tpu.memref_slice %arg8[%dma_wait3A_94, %dma_wait3A_96, %dma_wait3A_97] : memref<2x8x120xi32, #tpu.memory_space<vmem>> -> memref<1x8x120xi32, #tpu.memory_space<vmem>>
    %dma_wait3A_99 = tpu.memref_squeeze %dma_wait3A_98 : memref<1x8x120xi32, #tpu.memory_space<vmem>> -> memref<8x120xi32, #tpu.memory_space<vmem>>
    %dma_wait3A_100 = arith.constant 0 : i32
    %dma_wait3A_101 = tpu.memref_slice %arg4[%add3A, %multiple_of3A_76, %dma_wait3A_100] : memref<32x88x120xi32, #tpu.memory_space<hbm>> -> memref<1x8x120xi32, #tpu.memory_space<hbm>>
    %dma_wait3A_102 = tpu.memref_squeeze %dma_wait3A_101 : memref<1x8x120xi32, #tpu.memory_space<hbm>> -> memref<8x120xi32, #tpu.memory_space<hbm>>
    %dma_wait3A_103 = tpu.memref_slice %arg14[%dma_wait3A_95] : memref<2x!tpu.dma_semaphore, #tpu.memory_space<semaphore_mem>> -> memref<1x!tpu.dma_semaphore, #tpu.memory_space<semaphore_mem>>
    %dma_wait3A_104 = tpu.memref_squeeze %dma_wait3A_103 : memref<1x!tpu.dma_semaphore, #tpu.memory_space<semaphore_mem>> -> memref<!tpu.dma_semaphore, #tpu.memory_space<semaphore_mem>>
    %dma_wait3A_105 = arith.constant 0 : i32
    %dma_wait3A_106 = arith.constant 0 : i32
    %dma_wait3A_107 = tpu.memref_slice %arg8[%dma_wait3A_94, %dma_wait3A_105, %dma_wait3A_106] : memref<2x8x120xi32, #tpu.memory_space<vmem>> -> memref<1x8x120xi32, #tpu.memory_space<vmem>>
    %dma_wait3A_108 = tpu.memref_squeeze %dma_wait3A_107 : memref<1x8x120xi32, #tpu.memory_space<vmem>> -> memref<8x120xi32, #tpu.memory_space<vmem>>
    %dma_wait3A_109 = arith.constant 0 : i32
    %dma_wait3A_110 = tpu.memref_slice %arg4[%add3A, %multiple_of3A_76, %dma_wait3A_109] : memref<32x88x120xi32, #tpu.memory_space<hbm>> -> memref<1x8x120xi32, #tpu.memory_space<hbm>>
    %dma_wait3A_111 = tpu.memref_squeeze %dma_wait3A_110 : memref<1x8x120xi32, #tpu.memory_space<hbm>> -> memref<8x120xi32, #tpu.memory_space<hbm>>
    tpu.wait_dma2 semaphore(%dma_wait3A_104 : memref<!tpu.dma_semaphore, #tpu.memory_space<semaphore_mem>>) src(%dma_wait3A_111 : memref<8x120xi32, #tpu.memory_space<hbm>>) dst(%dma_wait3A_108 : memref<8x120xi32, #tpu.memory_space<vmem>>)
    %dma_start3A_112 = arith.constant 0 : i32
    %dma_start3A_113 = arith.constant 0 : i32
    %dma_start3A_114 = arith.constant 0 : i32
    %dma_start3A_115 = arith.constant 0 : i32
    %dma_start3A_116 = arith.constant 0 : i32
    %dma_start3A_117 = arith.constant 0 : i32
    %dma_start3A_118 = tpu.memref_slice %arg9[%dma_start3A_114, %dma_start3A_116, %dma_start3A_117] : memref<3x120x128xf32, #tpu.memory_space<vmem>> -> memref<1x120x128xf32, #tpu.memory_space<vmem>>
    %dma_start3A_119 = tpu.memref_squeeze %dma_start3A_118 : memref<1x120x128xf32, #tpu.memory_space<vmem>> -> memref<120x128xf32, #tpu.memory_space<vmem>>
    %dma_start3A_120 = arith.constant 0 : i32
    %dma_start3A_121 = tpu.memref_slice %arg7[%dma_start3A_112, %dma_start3A_113, %dma_start3A_120] : memref<2x8x120xi32, #tpu.memory_space<vmem>> -> memref<1x1x120xi32, #tpu.memory_space<vmem>>
    %dma_start3A_122 = tpu.memref_squeeze %dma_start3A_121 : memref<1x1x120xi32, #tpu.memory_space<vmem>> -> memref<120xi32, #tpu.memory_space<vmem>>
    %dma_start3A_123 = arith.constant 0 : i32
    %dma_start3A_124 = arith.constant 0 : i32
    %dma_start3A_125 = tpu.memref_slice %arg2[%dma_start3A_123, %dma_start3A_124] : memref<10000x128xf32, #tpu.memory_space<hbm>> -> memref<10000x128xf32, #tpu.memory_space<hbm>>
    %dma_start3A_126 = tpu.memref_slice %arg11[%dma_start3A_115] : memref<3x!tpu.dma_semaphore, #tpu.memory_space<semaphore_mem>> -> memref<1x!tpu.dma_semaphore, #tpu.memory_space<semaphore_mem>>
    %dma_start3A_127 = tpu.memref_squeeze %dma_start3A_126 : memref<1x!tpu.dma_semaphore, #tpu.memory_space<semaphore_mem>> -> memref<!tpu.dma_semaphore, #tpu.memory_space<semaphore_mem>>
    tpu.enqueue_indirect_dma source(%dma_start3A_125 : memref<10000x128xf32, #tpu.memory_space<hbm>>) target(%dma_start3A_119 : memref<120x128xf32, #tpu.memory_space<vmem>>) offsets(%dma_start3A_122 : memref<120xi32, #tpu.memory_space<vmem>>) semaphore(%dma_start3A_127 : memref<!tpu.dma_semaphore, #tpu.memory_space<semaphore_mem>>)
    %dma_start3A_128 = arith.constant 0 : i32
    %dma_start3A_129 = arith.constant 1 : i32
    %dma_start3A_130 = arith.constant 1 : i32
    %dma_start3A_131 = arith.constant 1 : i32
    %dma_start3A_132 = arith.constant 0 : i32
    %dma_start3A_133 = arith.constant 0 : i32
    %dma_start3A_134 = tpu.memref_slice %arg9[%dma_start3A_130, %dma_start3A_132, %dma_start3A_133] : memref<3x120x128xf32, #tpu.memory_space<vmem>> -> memref<1x120x128xf32, #tpu.memory_space<vmem>>
    %dma_start3A_135 = tpu.memref_squeeze %dma_start3A_134 : memref<1x120x128xf32, #tpu.memory_space<vmem>> -> memref<120x128xf32, #tpu.memory_space<vmem>>
    %dma_start3A_136 = arith.constant 0 : i32
    %dma_start3A_137 = tpu.memref_slice %arg7[%dma_start3A_128, %dma_start3A_129, %dma_start3A_136] : memref<2x8x120xi32, #tpu.memory_space<vmem>> -> memref<1x1x120xi32, #tpu.memory_space<vmem>>
    %dma_start3A_138 = tpu.memref_squeeze %dma_start3A_137 : memref<1x1x120xi32, #tpu.memory_space<vmem>> -> memref<120xi32, #tpu.memory_space<vmem>>
    %dma_start3A_139 = arith.constant 0 : i32
    %dma_start3A_140 = arith.constant 0 : i32
    %dma_start3A_141 = tpu.memref_slice %arg2[%dma_start3A_139, %dma_start3A_140] : memref<10000x128xf32, #tpu.memory_space<hbm>> -> memref<10000x128xf32, #tpu.memory_space<hbm>>
    %dma_start3A_142 = tpu.memref_slice %arg11[%dma_start3A_131] : memref<3x!tpu.dma_semaphore, #tpu.memory_space<semaphore_mem>> -> memref<1x!tpu.dma_semaphore, #tpu.memory_space<semaphore_mem>>
    %dma_start3A_143 = tpu.memref_squeeze %dma_start3A_142 : memref<1x!tpu.dma_semaphore, #tpu.memory_space<semaphore_mem>> -> memref<!tpu.dma_semaphore, #tpu.memory_space<semaphore_mem>>
    tpu.enqueue_indirect_dma source(%dma_start3A_141 : memref<10000x128xf32, #tpu.memory_space<hbm>>) target(%dma_start3A_135 : memref<120x128xf32, #tpu.memory_space<vmem>>) offsets(%dma_start3A_138 : memref<120xi32, #tpu.memory_space<vmem>>) semaphore(%dma_start3A_143 : memref<!tpu.dma_semaphore, #tpu.memory_space<semaphore_mem>>)
    %mul3A_144 = arith.constant 632 : i32
    %mul3A_145 = arith.muli %arg1, %mul3A_144 : i32
    %mul3A_146 = arith.constant 632 : i32
    %mul3A_147 = arith.muli %arg1, %mul3A_146 : i32
    "tpu.region"() ({
      %run_scoped3A = tpu.sem_alloc : memref<!tpu.dma_semaphore, #tpu.memory_space<semaphore_mem>>
      %dma_start3A_173 = arith.constant 0 : i32
      %dma_start3A_174 = tpu.memref_slice %arg10[%mul3A_147, %dma_start3A_173] : memref<10112x128xf32, #tpu.memory_space<vmem_shared>> -> memref<632x128xf32, #tpu.memory_space<vmem_shared>>
      %dma_start3A_175 = arith.constant 0 : i32
      %dma_start3A_176 = tpu.memref_slice %arg5[%mul3A_145, %dma_start3A_175] : memref<10112x128xf32, #tpu.memory_space<hbm>> -> memref<632x128xf32, #tpu.memory_space<hbm>>
      tpu.enqueue_dma source(%dma_start3A_176 : memref<632x128xf32, #tpu.memory_space<hbm>>) target(%dma_start3A_174 : memref<632x128xf32, #tpu.memory_space<vmem_shared>>) target_semaphore(%run_scoped3A : memref<!tpu.dma_semaphore, #tpu.memory_space<semaphore_mem>>)
      %dma_wait3A_177 = arith.constant 0 : i32
      %dma_wait3A_178 = tpu.memref_slice %arg10[%mul3A_147, %dma_wait3A_177] : memref<10112x128xf32, #tpu.memory_space<vmem_shared>> -> memref<632x128xf32, #tpu.memory_space<vmem_shared>>
      %dma_wait3A_179 = arith.constant 0 : i32
      %dma_wait3A_180 = tpu.memref_slice %arg5[%mul3A_145, %dma_wait3A_179] : memref<10112x128xf32, #tpu.memory_space<hbm>> -> memref<632x128xf32, #tpu.memory_space<hbm>>
      tpu.wait_dma2 semaphore(%run_scoped3A : memref<!tpu.dma_semaphore, #tpu.memory_space<semaphore_mem>>) src(%dma_wait3A_180 : memref<632x128xf32, #tpu.memory_space<hbm>>) dst(%dma_wait3A_178 : memref<632x128xf32, #tpu.memory_space<vmem_shared>>)
      tpu.yield
    }) : () -> ()
    %barrier3A = arith.constant 0 : index
    tpu.barrier barrier_id(%barrier3A)
    %scan3A = arith.constant 0 : i32
    %scan3A_148 = arith.constant 11 : i32
    %scan3A_149 = arith.addi %scan3A, %scan3A_148 : i32
    %scan3A_150 = arith.constant 1 : i32
    scf.for %scan3A_173 = %scan3A to %scan3A_149 step %scan3A_150  : i32 {
      %mul3A_174 = arith.constant 1 : i32
      %mul3A_175 = arith.muli %scan3A_173, %mul3A_174 : i32
      %add3A_176 = arith.constant 0 : i32
      %add3A_177 = arith.addi %add3A_176, %mul3A_175 : i32
      %scan3A_178 = arith.constant 0 : i32
      %scan3A_179 = arith.constant 8 : i32
      %scan3A_180 = arith.addi %scan3A_178, %scan3A_179 : i32
      %scan3A_181 = arith.constant 1 : i32
      scf.for %scan3A_183 = %scan3A_178 to %scan3A_180 step %scan3A_181  : i32 {
        %mul3A_184 = arith.constant 1 : i32
        %mul3A_185 = arith.muli %scan3A_183, %mul3A_184 : i32
        %add3A_186 = arith.constant 0 : i32
        %add3A_187 = arith.addi %add3A_186, %mul3A_185 : i32
        %mul3A_188 = arith.constant 8 : i32
        %mul3A_189 = arith.muli %add3A_177, %mul3A_188 : i32
        %add3A_190 = arith.addi %mul3A_189, %add3A_187 : i32
        %eq3A = arith.constant 1 : i32
        %eq3A_191 = arith.cmpi eq, %add3A_187, %eq3A : i32
        %ge3A = arith.constant 1 : i32
        %ge3A_192 = arith.cmpi sge, %add3A_177, %ge3A : i32
        %add3A_193 = arith.constant 1 : i32
        %add3A_194 = arith.addi %add3A_177, %add3A_193 : i32
        %lt3A = arith.constant 11 : i32
        %lt3A_195 = arith.cmpi slt, %add3A_194, %lt3A : i32
        %and3A = arith.andi %ge3A_192, %lt3A_195 : i1
        %and3A_196 = arith.andi %eq3A_191, %and3A : i1
        %convert_element_type3A = arith.extui %and3A_196 : i1 to i32
        %cond3A = arith.constant 0 : i32
        %cond3A_197 = arith.cmpi ne, %convert_element_type3A, %cond3A : i32
        scf.if %cond3A_197 {
          %add3A_381 = arith.constant 1 : i32
          %add3A_382 = arith.addi %add3A_177, %add3A_381 : i32
          %jit3A_383 = arith.constant 2 : i32
          %eq3A_384 = arith.constant 0 : i32
          %eq3A_385 = arith.cmpi eq, %jit3A_383, %eq3A_384 : i32
          %jit3A_386 = arith.constant 1 : i32
          %select_n3A_387 = arith.select %eq3A_385, %jit3A_386, %jit3A_383 : i32
          %rem3A_388 = arith.remsi %add3A_382, %select_n3A_387 : i32
          %ne3A_389 = arith.constant 0 : i32
          %ne3A_390 = arith.cmpi ne, %rem3A_388, %ne3A_389 : i32
          %lt3A_391 = arith.constant 0 : i32
          %lt3A_392 = arith.cmpi slt, %rem3A_388, %lt3A_391 : i32
          %lt3A_393 = arith.constant 0 : i32
          %lt3A_394 = arith.cmpi slt, %select_n3A_387, %lt3A_393 : i32
          %ne3A_395 = arith.xori %lt3A_392, %lt3A_394 : i1
          %and3A_396 = arith.andi %ne3A_395, %ne3A_390 : i1
          %add3A_397 = arith.addi %rem3A_388, %select_n3A_387 : i32
          %select_n3A_398 = arith.select %and3A_396, %add3A_397, %rem3A_388 : i32
          %mul3A_399 = arith.constant 8 : i32
          %mul3A_400 = arith.muli %add3A_382, %mul3A_399 : i32
          %multiple_of3A_401 = tpu.assume_multiple %mul3A_400, 8 : i32
          %dma_start3A_402 = arith.constant 0 : i32
          %dma_start3A_403 = arith.constant 0 : i32
          %dma_start3A_404 = tpu.memref_slice %arg7[%select_n3A_398, %dma_start3A_402, %dma_start3A_403] : memref<2x8x120xi32, #tpu.memory_space<vmem>> -> memref<1x8x120xi32, #tpu.memory_space<vmem>>
          %dma_start3A_405 = tpu.memref_squeeze %dma_start3A_404 : memref<1x8x120xi32, #tpu.memory_space<vmem>> -> memref<8x120xi32, #tpu.memory_space<vmem>>
          %dma_start3A_406 = arith.constant 0 : i32
          %dma_start3A_407 = tpu.memref_slice %arg3[%add3A, %multiple_of3A_401, %dma_start3A_406] : memref<32x88x120xi32, #tpu.memory_space<hbm>> -> memref<1x8x120xi32, #tpu.memory_space<hbm>>
          %dma_start3A_408 = tpu.memref_squeeze %dma_start3A_407 : memref<1x8x120xi32, #tpu.memory_space<hbm>> -> memref<8x120xi32, #tpu.memory_space<hbm>>
          %dma_start3A_409 = tpu.memref_slice %arg13[%select_n3A_398] : memref<2x!tpu.dma_semaphore, #tpu.memory_space<semaphore_mem>> -> memref<1x!tpu.dma_semaphore, #tpu.memory_space<semaphore_mem>>
          %dma_start3A_410 = tpu.memref_squeeze %dma_start3A_409 : memref<1x!tpu.dma_semaphore, #tpu.memory_space<semaphore_mem>> -> memref<!tpu.dma_semaphore, #tpu.memory_space<semaphore_mem>>
          %dma_start3A_411 = arith.constant 0 : i32
          %dma_start3A_412 = arith.constant 0 : i32
          %dma_start3A_413 = tpu.memref_slice %arg7[%select_n3A_398, %dma_start3A_411, %dma_start3A_412] : memref<2x8x120xi32, #tpu.memory_space<vmem>> -> memref<1x8x120xi32, #tpu.memory_space<vmem>>
          %dma_start3A_414 = tpu.memref_squeeze %dma_start3A_413 : memref<1x8x120xi32, #tpu.memory_space<vmem>> -> memref<8x120xi32, #tpu.memory_space<vmem>>
          %dma_start3A_415 = arith.constant 0 : i32
          %dma_start3A_416 = tpu.memref_slice %arg3[%add3A, %multiple_of3A_401, %dma_start3A_415] : memref<32x88x120xi32, #tpu.memory_space<hbm>> -> memref<1x8x120xi32, #tpu.memory_space<hbm>>
          %dma_start3A_417 = tpu.memref_squeeze %dma_start3A_416 : memref<1x8x120xi32, #tpu.memory_space<hbm>> -> memref<8x120xi32, #tpu.memory_space<hbm>>
          tpu.enqueue_dma source(%dma_start3A_417 : memref<8x120xi32, #tpu.memory_space<hbm>>) target(%dma_start3A_414 : memref<8x120xi32, #tpu.memory_space<vmem>>) target_semaphore(%dma_start3A_410 : memref<!tpu.dma_semaphore, #tpu.memory_space<semaphore_mem>>)
          %dma_start3A_418 = arith.constant 0 : i32
          %dma_start3A_419 = arith.constant 0 : i32
          %dma_start3A_420 = tpu.memref_slice %arg8[%select_n3A_398, %dma_start3A_418, %dma_start3A_419] : memref<2x8x120xi32, #tpu.memory_space<vmem>> -> memref<1x8x120xi32, #tpu.memory_space<vmem>>
          %dma_start3A_421 = tpu.memref_squeeze %dma_start3A_420 : memref<1x8x120xi32, #tpu.memory_space<vmem>> -> memref<8x120xi32, #tpu.memory_space<vmem>>
          %dma_start3A_422 = arith.constant 0 : i32
          %dma_start3A_423 = tpu.memref_slice %arg4[%add3A, %multiple_of3A_401, %dma_start3A_422] : memref<32x88x120xi32, #tpu.memory_space<hbm>> -> memref<1x8x120xi32, #tpu.memory_space<hbm>>
          %dma_start3A_424 = tpu.memref_squeeze %dma_start3A_423 : memref<1x8x120xi32, #tpu.memory_space<hbm>> -> memref<8x120xi32, #tpu.memory_space<hbm>>
          %dma_start3A_425 = tpu.memref_slice %arg14[%select_n3A_398] : memref<2x!tpu.dma_semaphore, #tpu.memory_space<semaphore_mem>> -> memref<1x!tpu.dma_semaphore, #tpu.memory_space<semaphore_mem>>
          %dma_start3A_426 = tpu.memref_squeeze %dma_start3A_425 : memref<1x!tpu.dma_semaphore, #tpu.memory_space<semaphore_mem>> -> memref<!tpu.dma_semaphore, #tpu.memory_space<semaphore_mem>>
          %dma_start3A_427 = arith.constant 0 : i32
          %dma_start3A_428 = arith.constant 0 : i32
          %dma_start3A_429 = tpu.memref_slice %arg8[%select_n3A_398, %dma_start3A_427, %dma_start3A_428] : memref<2x8x120xi32, #tpu.memory_space<vmem>> -> memref<1x8x120xi32, #tpu.memory_space<vmem>>
          %dma_start3A_430 = tpu.memref_squeeze %dma_start3A_429 : memref<1x8x120xi32, #tpu.memory_space<vmem>> -> memref<8x120xi32, #tpu.memory_space<vmem>>
          %dma_start3A_431 = arith.constant 0 : i32
          %dma_start3A_432 = tpu.memref_slice %arg4[%add3A, %multiple_of3A_401, %dma_start3A_431] : memref<32x88x120xi32, #tpu.memory_space<hbm>> -> memref<1x8x120xi32, #tpu.memory_space<hbm>>
          %dma_start3A_433 = tpu.memref_squeeze %dma_start3A_432 : memref<1x8x120xi32, #tpu.memory_space<hbm>> -> memref<8x120xi32, #tpu.memory_space<hbm>>
          tpu.enqueue_dma source(%dma_start3A_433 : memref<8x120xi32, #tpu.memory_space<hbm>>) target(%dma_start3A_430 : memref<8x120xi32, #tpu.memory_space<vmem>>) target_semaphore(%dma_start3A_426 : memref<!tpu.dma_semaphore, #tpu.memory_space<semaphore_mem>>)
        } else {
        }
        %eq3A_198 = arith.constant 6 : i32
        %eq3A_199 = arith.cmpi eq, %add3A_187, %eq3A_198 : i32
        %add3A_200 = arith.constant 1 : i32
        %add3A_201 = arith.addi %add3A_177, %add3A_200 : i32
        %lt3A_202 = arith.constant 11 : i32
        %lt3A_203 = arith.cmpi slt, %add3A_201, %lt3A_202 : i32
        %and3A_204 = arith.andi %eq3A_199, %lt3A_203 : i1
        %convert_element_type3A_205 = arith.extui %and3A_204 : i1 to i32
        %cond3A_206 = arith.constant 0 : i32
        %cond3A_207 = arith.cmpi ne, %convert_element_type3A_205, %cond3A_206 : i32
        scf.if %cond3A_207 {
          %add3A_381 = arith.constant 1 : i32
          %add3A_382 = arith.addi %add3A_177, %add3A_381 : i32
          %jit3A_383 = arith.constant 2 : i32
          %eq3A_384 = arith.constant 0 : i32
          %eq3A_385 = arith.cmpi eq, %jit3A_383, %eq3A_384 : i32
          %jit3A_386 = arith.constant 1 : i32
          %select_n3A_387 = arith.select %eq3A_385, %jit3A_386, %jit3A_383 : i32
          %rem3A_388 = arith.remsi %add3A_382, %select_n3A_387 : i32
          %ne3A_389 = arith.constant 0 : i32
          %ne3A_390 = arith.cmpi ne, %rem3A_388, %ne3A_389 : i32
          %lt3A_391 = arith.constant 0 : i32
          %lt3A_392 = arith.cmpi slt, %rem3A_388, %lt3A_391 : i32
          %lt3A_393 = arith.constant 0 : i32
          %lt3A_394 = arith.cmpi slt, %select_n3A_387, %lt3A_393 : i32
          %ne3A_395 = arith.xori %lt3A_392, %lt3A_394 : i1
          %and3A_396 = arith.andi %ne3A_395, %ne3A_390 : i1
          %add3A_397 = arith.addi %rem3A_388, %select_n3A_387 : i32
          %select_n3A_398 = arith.select %and3A_396, %add3A_397, %rem3A_388 : i32
          %mul3A_399 = arith.constant 8 : i32
          %mul3A_400 = arith.muli %add3A_382, %mul3A_399 : i32
          %multiple_of3A_401 = tpu.assume_multiple %mul3A_400, 8 : i32
          %dma_wait3A_402 = arith.constant 0 : i32
          %dma_wait3A_403 = arith.constant 0 : i32
          %dma_wait3A_404 = tpu.memref_slice %arg7[%select_n3A_398, %dma_wait3A_402, %dma_wait3A_403] : memref<2x8x120xi32, #tpu.memory_space<vmem>> -> memref<1x8x120xi32, #tpu.memory_space<vmem>>
          %dma_wait3A_405 = tpu.memref_squeeze %dma_wait3A_404 : memref<1x8x120xi32, #tpu.memory_space<vmem>> -> memref<8x120xi32, #tpu.memory_space<vmem>>
          %dma_wait3A_406 = arith.constant 0 : i32
          %dma_wait3A_407 = tpu.memref_slice %arg3[%add3A, %multiple_of3A_401, %dma_wait3A_406] : memref<32x88x120xi32, #tpu.memory_space<hbm>> -> memref<1x8x120xi32, #tpu.memory_space<hbm>>
          %dma_wait3A_408 = tpu.memref_squeeze %dma_wait3A_407 : memref<1x8x120xi32, #tpu.memory_space<hbm>> -> memref<8x120xi32, #tpu.memory_space<hbm>>
          %dma_wait3A_409 = tpu.memref_slice %arg13[%select_n3A_398] : memref<2x!tpu.dma_semaphore, #tpu.memory_space<semaphore_mem>> -> memref<1x!tpu.dma_semaphore, #tpu.memory_space<semaphore_mem>>
          %dma_wait3A_410 = tpu.memref_squeeze %dma_wait3A_409 : memref<1x!tpu.dma_semaphore, #tpu.memory_space<semaphore_mem>> -> memref<!tpu.dma_semaphore, #tpu.memory_space<semaphore_mem>>
          %dma_wait3A_411 = arith.constant 0 : i32
          %dma_wait3A_412 = arith.constant 0 : i32
          %dma_wait3A_413 = tpu.memref_slice %arg7[%select_n3A_398, %dma_wait3A_411, %dma_wait3A_412] : memref<2x8x120xi32, #tpu.memory_space<vmem>> -> memref<1x8x120xi32, #tpu.memory_space<vmem>>
          %dma_wait3A_414 = tpu.memref_squeeze %dma_wait3A_413 : memref<1x8x120xi32, #tpu.memory_space<vmem>> -> memref<8x120xi32, #tpu.memory_space<vmem>>
          %dma_wait3A_415 = arith.constant 0 : i32
          %dma_wait3A_416 = tpu.memref_slice %arg3[%add3A, %multiple_of3A_401, %dma_wait3A_415] : memref<32x88x120xi32, #tpu.memory_space<hbm>> -> memref<1x8x120xi32, #tpu.memory_space<hbm>>
          %dma_wait3A_417 = tpu.memref_squeeze %dma_wait3A_416 : memref<1x8x120xi32, #tpu.memory_space<hbm>> -> memref<8x120xi32, #tpu.memory_space<hbm>>
          tpu.wait_dma2 semaphore(%dma_wait3A_410 : memref<!tpu.dma_semaphore, #tpu.memory_space<semaphore_mem>>) src(%dma_wait3A_417 : memref<8x120xi32, #tpu.memory_space<hbm>>) dst(%dma_wait3A_414 : memref<8x120xi32, #tpu.memory_space<vmem>>)
          %dma_wait3A_418 = arith.constant 0 : i32
          %dma_wait3A_419 = arith.constant 0 : i32
          %dma_wait3A_420 = tpu.memref_slice %arg8[%select_n3A_398, %dma_wait3A_418, %dma_wait3A_419] : memref<2x8x120xi32, #tpu.memory_space<vmem>> -> memref<1x8x120xi32, #tpu.memory_space<vmem>>
          %dma_wait3A_421 = tpu.memref_squeeze %dma_wait3A_420 : memref<1x8x120xi32, #tpu.memory_space<vmem>> -> memref<8x120xi32, #tpu.memory_space<vmem>>
          %dma_wait3A_422 = arith.constant 0 : i32
          %dma_wait3A_423 = tpu.memref_slice %arg4[%add3A, %multiple_of3A_401, %dma_wait3A_422] : memref<32x88x120xi32, #tpu.memory_space<hbm>> -> memref<1x8x120xi32, #tpu.memory_space<hbm>>
          %dma_wait3A_424 = tpu.memref_squeeze %dma_wait3A_423 : memref<1x8x120xi32, #tpu.memory_space<hbm>> -> memref<8x120xi32, #tpu.memory_space<hbm>>
          %dma_wait3A_425 = tpu.memref_slice %arg14[%select_n3A_398] : memref<2x!tpu.dma_semaphore, #tpu.memory_space<semaphore_mem>> -> memref<1x!tpu.dma_semaphore, #tpu.memory_space<semaphore_mem>>
          %dma_wait3A_426 = tpu.memref_squeeze %dma_wait3A_425 : memref<1x!tpu.dma_semaphore, #tpu.memory_space<semaphore_mem>> -> memref<!tpu.dma_semaphore, #tpu.memory_space<semaphore_mem>>
          %dma_wait3A_427 = arith.constant 0 : i32
          %dma_wait3A_428 = arith.constant 0 : i32
          %dma_wait3A_429 = tpu.memref_slice %arg8[%select_n3A_398, %dma_wait3A_427, %dma_wait3A_428] : memref<2x8x120xi32, #tpu.memory_space<vmem>> -> memref<1x8x120xi32, #tpu.memory_space<vmem>>
          %dma_wait3A_430 = tpu.memref_squeeze %dma_wait3A_429 : memref<1x8x120xi32, #tpu.memory_space<vmem>> -> memref<8x120xi32, #tpu.memory_space<vmem>>
          %dma_wait3A_431 = arith.constant 0 : i32
          %dma_wait3A_432 = tpu.memref_slice %arg4[%add3A, %multiple_of3A_401, %dma_wait3A_431] : memref<32x88x120xi32, #tpu.memory_space<hbm>> -> memref<1x8x120xi32, #tpu.memory_space<hbm>>
          %dma_wait3A_433 = tpu.memref_squeeze %dma_wait3A_432 : memref<1x8x120xi32, #tpu.memory_space<hbm>> -> memref<8x120xi32, #tpu.memory_space<hbm>>
          tpu.wait_dma2 semaphore(%dma_wait3A_426 : memref<!tpu.dma_semaphore, #tpu.memory_space<semaphore_mem>>) src(%dma_wait3A_433 : memref<8x120xi32, #tpu.memory_space<hbm>>) dst(%dma_wait3A_430 : memref<8x120xi32, #tpu.memory_space<vmem>>)
        } else {
        }
        %jit3A = arith.constant 3 : i32
        %eq3A_208 = arith.constant 0 : i32
        %eq3A_209 = arith.cmpi eq, %jit3A, %eq3A_208 : i32
        %jit3A_210 = arith.constant 1 : i32
        %select_n3A = arith.select %eq3A_209, %jit3A_210, %jit3A : i32
        %rem3A = arith.remsi %add3A_190, %select_n3A : i32
        %ne3A = arith.constant 0 : i32
        %ne3A_211 = arith.cmpi ne, %rem3A, %ne3A : i32
        %lt3A_212 = arith.constant 0 : i32
        %lt3A_213 = arith.cmpi slt, %rem3A, %lt3A_212 : i32
        %lt3A_214 = arith.constant 0 : i32
        %lt3A_215 = arith.cmpi slt, %select_n3A, %lt3A_214 : i32
        %ne3A_216 = arith.xori %lt3A_213, %lt3A_215 : i1
        %and3A_217 = arith.andi %ne3A_216, %ne3A_211 : i1
        %add3A_218 = arith.addi %rem3A, %select_n3A : i32
        %select_n3A_219 = arith.select %and3A_217, %add3A_218, %rem3A : i32
        %jit3A_220 = arith.constant 8 : i32
        %div3A = arith.divsi %add3A_190, %jit3A_220 : i32
        %sign3A = arith.constant 0 : i32
        %sign3A_221 = arith.cmpi sgt, %add3A_190, %sign3A : i32
        %sign3A_222 = arith.extui %sign3A_221 : i1 to i32
        %sign3A_223 = arith.constant 0 : i32
        %sign3A_224 = arith.cmpi slt, %add3A_190, %sign3A_223 : i32
        %sign3A_225 = arith.extui %sign3A_224 : i1 to i32
        %sign3A_226 = arith.subi %sign3A_222, %sign3A_225 : i32
        %sign3A_227 = arith.constant 0 : i32
        %sign3A_228 = arith.cmpi sgt, %jit3A_220, %sign3A_227 : i32
        %sign3A_229 = arith.extui %sign3A_228 : i1 to i32
        %sign3A_230 = arith.constant 0 : i32
        %sign3A_231 = arith.cmpi slt, %jit3A_220, %sign3A_230 : i32
        %sign3A_232 = arith.extui %sign3A_231 : i1 to i32
        %sign3A_233 = arith.subi %sign3A_229, %sign3A_232 : i32
        %ne3A_234 = arith.cmpi ne, %sign3A_226, %sign3A_233 : i32
        %rem3A_235 = arith.remsi %add3A_190, %jit3A_220 : i32
        %ne3A_236 = arith.constant 0 : i32
        %ne3A_237 = arith.cmpi ne, %rem3A_235, %ne3A_236 : i32
        %and3A_238 = arith.andi %ne3A_234, %ne3A_237 : i1
        %sub3A = arith.constant 1 : i32
        %sub3A_239 = arith.subi %div3A, %sub3A : i32
        %select_n3A_240 = arith.select %and3A_238, %sub3A_239, %div3A : i32
        %jit3A_241 = arith.constant 2 : i32
        %eq3A_242 = arith.constant 0 : i32
        %eq3A_243 = arith.cmpi eq, %jit3A_241, %eq3A_242 : i32
        %jit3A_244 = arith.constant 1 : i32
        %select_n3A_245 = arith.select %eq3A_243, %jit3A_244, %jit3A_241 : i32
        %rem3A_246 = arith.remsi %select_n3A_240, %select_n3A_245 : i32
        %ne3A_247 = arith.constant 0 : i32
        %ne3A_248 = arith.cmpi ne, %rem3A_246, %ne3A_247 : i32
        %lt3A_249 = arith.constant 0 : i32
        %lt3A_250 = arith.cmpi slt, %rem3A_246, %lt3A_249 : i32
        %lt3A_251 = arith.constant 0 : i32
        %lt3A_252 = arith.cmpi slt, %select_n3A_245, %lt3A_251 : i32
        %ne3A_253 = arith.xori %lt3A_250, %lt3A_252 : i1
        %and3A_254 = arith.andi %ne3A_253, %ne3A_248 : i1
        %add3A_255 = arith.addi %rem3A_246, %select_n3A_245 : i32
        %select_n3A_256 = arith.select %and3A_254, %add3A_255, %rem3A_246 : i32
        %jit3A_257 = arith.constant 8 : i32
        %eq3A_258 = arith.constant 0 : i32
        %eq3A_259 = arith.cmpi eq, %jit3A_257, %eq3A_258 : i32
        %jit3A_260 = arith.constant 1 : i32
        %select_n3A_261 = arith.select %eq3A_259, %jit3A_260, %jit3A_257 : i32
        %rem3A_262 = arith.remsi %add3A_190, %select_n3A_261 : i32
        %ne3A_263 = arith.constant 0 : i32
        %ne3A_264 = arith.cmpi ne, %rem3A_262, %ne3A_263 : i32
        %lt3A_265 = arith.constant 0 : i32
        %lt3A_266 = arith.cmpi slt, %rem3A_262, %lt3A_265 : i32
        %lt3A_267 = arith.constant 0 : i32
        %lt3A_268 = arith.cmpi slt, %select_n3A_261, %lt3A_267 : i32
        %ne3A_269 = arith.xori %lt3A_266, %lt3A_268 : i1
        %and3A_270 = arith.andi %ne3A_269, %ne3A_264 : i1
        %add3A_271 = arith.addi %rem3A_262, %select_n3A_261 : i32
        %select_n3A_272 = arith.select %and3A_270, %add3A_271, %rem3A_262 : i32
        %dma_wait3A_273 = arith.constant 0 : i32
        %dma_wait3A_274 = arith.constant 0 : i32
        %dma_wait3A_275 = tpu.memref_slice %arg9[%select_n3A_219, %dma_wait3A_273, %dma_wait3A_274] : memref<3x120x128xf32, #tpu.memory_space<vmem>> -> memref<1x120x128xf32, #tpu.memory_space<vmem>>
        %dma_wait3A_276 = tpu.memref_squeeze %dma_wait3A_275 : memref<1x120x128xf32, #tpu.memory_space<vmem>> -> memref<120x128xf32, #tpu.memory_space<vmem>>
        %dma_wait3A_277 = arith.constant 0 : i32
        %dma_wait3A_278 = tpu.memref_slice %arg7[%select_n3A_256, %select_n3A_272, %dma_wait3A_277] : memref<2x8x120xi32, #tpu.memory_space<vmem>> -> memref<1x1x120xi32, #tpu.memory_space<vmem>>
        %dma_wait3A_279 = tpu.memref_squeeze %dma_wait3A_278 : memref<1x1x120xi32, #tpu.memory_space<vmem>> -> memref<120xi32, #tpu.memory_space<vmem>>
        %dma_wait3A_280 = arith.constant 0 : i32
        %dma_wait3A_281 = arith.constant 0 : i32
        %dma_wait3A_282 = tpu.memref_slice %arg2[%dma_wait3A_280, %dma_wait3A_281] : memref<10000x128xf32, #tpu.memory_space<hbm>> -> memref<10000x128xf32, #tpu.memory_space<hbm>>
        %dma_wait3A_283 = tpu.memref_slice %arg11[%select_n3A_219] : memref<3x!tpu.dma_semaphore, #tpu.memory_space<semaphore_mem>> -> memref<1x!tpu.dma_semaphore, #tpu.memory_space<semaphore_mem>>
        %dma_wait3A_284 = tpu.memref_squeeze %dma_wait3A_283 : memref<1x!tpu.dma_semaphore, #tpu.memory_space<semaphore_mem>> -> memref<!tpu.dma_semaphore, #tpu.memory_space<semaphore_mem>>
        tpu.wait_indirect_dma semaphore(%dma_wait3A_284 : memref<!tpu.dma_semaphore, #tpu.memory_space<semaphore_mem>>) src(%dma_wait3A_282 : memref<10000x128xf32, #tpu.memory_space<hbm>>) dst(%dma_wait3A_276 : memref<120x128xf32, #tpu.memory_space<vmem>>)
        %jit3A_285 = arith.constant 3 : i32
        %eq3A_286 = arith.constant 0 : i32
        %eq3A_287 = arith.cmpi eq, %jit3A_285, %eq3A_286 : i32
        %jit3A_288 = arith.constant 1 : i32
        %select_n3A_289 = arith.select %eq3A_287, %jit3A_288, %jit3A_285 : i32
        %rem3A_290 = arith.remsi %add3A_190, %select_n3A_289 : i32
        %ne3A_291 = arith.constant 0 : i32
        %ne3A_292 = arith.cmpi ne, %rem3A_290, %ne3A_291 : i32
        %lt3A_293 = arith.constant 0 : i32
        %lt3A_294 = arith.cmpi slt, %rem3A_290, %lt3A_293 : i32
        %lt3A_295 = arith.constant 0 : i32
        %lt3A_296 = arith.cmpi slt, %select_n3A_289, %lt3A_295 : i32
        %ne3A_297 = arith.xori %lt3A_294, %lt3A_296 : i1
        %and3A_298 = arith.andi %ne3A_297, %ne3A_292 : i1
        %add3A_299 = arith.addi %rem3A_290, %select_n3A_289 : i32
        %select_n3A_300 = arith.select %and3A_298, %add3A_299, %rem3A_290 : i32
        %jit3A_301 = arith.constant 8 : i32
        %div3A_302 = arith.divsi %add3A_190, %jit3A_301 : i32
        %sign3A_303 = arith.constant 0 : i32
        %sign3A_304 = arith.cmpi sgt, %add3A_190, %sign3A_303 : i32
        %sign3A_305 = arith.extui %sign3A_304 : i1 to i32
        %sign3A_306 = arith.constant 0 : i32
        %sign3A_307 = arith.cmpi slt, %add3A_190, %sign3A_306 : i32
        %sign3A_308 = arith.extui %sign3A_307 : i1 to i32
        %sign3A_309 = arith.subi %sign3A_305, %sign3A_308 : i32
        %sign3A_310 = arith.constant 0 : i32
        %sign3A_311 = arith.cmpi sgt, %jit3A_301, %sign3A_310 : i32
        %sign3A_312 = arith.extui %sign3A_311 : i1 to i32
        %sign3A_313 = arith.constant 0 : i32
        %sign3A_314 = arith.cmpi slt, %jit3A_301, %sign3A_313 : i32
        %sign3A_315 = arith.extui %sign3A_314 : i1 to i32
        %sign3A_316 = arith.subi %sign3A_312, %sign3A_315 : i32
        %ne3A_317 = arith.cmpi ne, %sign3A_309, %sign3A_316 : i32
        %rem3A_318 = arith.remsi %add3A_190, %jit3A_301 : i32
        %ne3A_319 = arith.constant 0 : i32
        %ne3A_320 = arith.cmpi ne, %rem3A_318, %ne3A_319 : i32
        %and3A_321 = arith.andi %ne3A_317, %ne3A_320 : i1
        %sub3A_322 = arith.constant 1 : i32
        %sub3A_323 = arith.subi %div3A_302, %sub3A_322 : i32
        %select_n3A_324 = arith.select %and3A_321, %sub3A_323, %div3A_302 : i32
        %jit3A_325 = arith.constant 2 : i32
        %eq3A_326 = arith.constant 0 : i32
        %eq3A_327 = arith.cmpi eq, %jit3A_325, %eq3A_326 : i32
        %jit3A_328 = arith.constant 1 : i32
        %select_n3A_329 = arith.select %eq3A_327, %jit3A_328, %jit3A_325 : i32
        %rem3A_330 = arith.remsi %select_n3A_324, %select_n3A_329 : i32
        %ne3A_331 = arith.constant 0 : i32
        %ne3A_332 = arith.cmpi ne, %rem3A_330, %ne3A_331 : i32
        %lt3A_333 = arith.constant 0 : i32
        %lt3A_334 = arith.cmpi slt, %rem3A_330, %lt3A_333 : i32
        %lt3A_335 = arith.constant 0 : i32
        %lt3A_336 = arith.cmpi slt, %select_n3A_329, %lt3A_335 : i32
        %ne3A_337 = arith.xori %lt3A_334, %lt3A_336 : i1
        %and3A_338 = arith.andi %ne3A_337, %ne3A_332 : i1
        %add3A_339 = arith.addi %rem3A_330, %select_n3A_329 : i32
        %select_n3A_340 = arith.select %and3A_338, %add3A_339, %rem3A_330 : i32
        %jit3A_341 = arith.constant 8 : i32
        %eq3A_342 = arith.constant 0 : i32
        %eq3A_343 = arith.cmpi eq, %jit3A_341, %eq3A_342 : i32
        %jit3A_344 = arith.constant 1 : i32
        %select_n3A_345 = arith.select %eq3A_343, %jit3A_344, %jit3A_341 : i32
        %rem3A_346 = arith.remsi %add3A_190, %select_n3A_345 : i32
        %ne3A_347 = arith.constant 0 : i32
        %ne3A_348 = arith.cmpi ne, %rem3A_346, %ne3A_347 : i32
        %lt3A_349 = arith.constant 0 : i32
        %lt3A_350 = arith.cmpi slt, %rem3A_346, %lt3A_349 : i32
        %lt3A_351 = arith.constant 0 : i32
        %lt3A_352 = arith.cmpi slt, %select_n3A_345, %lt3A_351 : i32
        %ne3A_353 = arith.xori %lt3A_350, %lt3A_352 : i1
        %and3A_354 = arith.andi %ne3A_353, %ne3A_348 : i1
        %add3A_355 = arith.addi %rem3A_346, %select_n3A_345 : i32
        %select_n3A_356 = arith.select %and3A_354, %add3A_355, %rem3A_346 : i32
        %dma_start3A_357 = arith.constant 0 : i32
        %dma_start3A_358 = arith.constant 0 : i32
        %dma_start3A_359 = tpu.memref_slice %arg9[%select_n3A_300, %dma_start3A_357, %dma_start3A_358] : memref<3x120x128xf32, #tpu.memory_space<vmem>> -> memref<1x120x128xf32, #tpu.memory_space<vmem>>
        %dma_start3A_360 = tpu.memref_squeeze %dma_start3A_359 : memref<1x120x128xf32, #tpu.memory_space<vmem>> -> memref<120x128xf32, #tpu.memory_space<vmem>>
        %dma_start3A_361 = arith.constant 0 : i32
        %dma_start3A_362 = tpu.memref_slice %arg8[%select_n3A_340, %select_n3A_356, %dma_start3A_361] : memref<2x8x120xi32, #tpu.memory_space<vmem>> -> memref<1x1x120xi32, #tpu.memory_space<vmem>>
        %dma_start3A_363 = tpu.memref_squeeze %dma_start3A_362 : memref<1x1x120xi32, #tpu.memory_space<vmem>> -> memref<120xi32, #tpu.memory_space<vmem>>
        %dma_start3A_364 = arith.constant 0 : i32
        %dma_start3A_365 = arith.constant 0 : i32
        %dma_start3A_366 = tpu.memref_slice %arg10[%dma_start3A_364, %dma_start3A_365] : memref<10112x128xf32, #tpu.memory_space<vmem_shared>> -> memref<10112x128xf32, #tpu.memory_space<vmem_shared>>
        %dma_start3A_367 = tpu.memref_slice %arg12[%select_n3A_300] : memref<3x!tpu.dma_semaphore, #tpu.memory_space<semaphore_mem>> -> memref<1x!tpu.dma_semaphore, #tpu.memory_space<semaphore_mem>>
        %dma_start3A_368 = tpu.memref_squeeze %dma_start3A_367 : memref<1x!tpu.dma_semaphore, #tpu.memory_space<semaphore_mem>> -> memref<!tpu.dma_semaphore, #tpu.memory_space<semaphore_mem>>
        tpu.enqueue_indirect_dma source(%dma_start3A_360 : memref<120x128xf32, #tpu.memory_space<vmem>>) target(%dma_start3A_366 : memref<10112x128xf32, #tpu.memory_space<vmem_shared>>) offsets(%dma_start3A_363 : memref<120xi32, #tpu.memory_space<vmem>>) semaphore(%dma_start3A_368 : memref<!tpu.dma_semaphore, #tpu.memory_space<semaphore_mem>>) {add = true}
        %ge3A_369 = arith.constant 1 : i32
        %ge3A_370 = arith.cmpi sge, %add3A_190, %ge3A_369 : i32
        %convert_element_type3A_371 = arith.extui %ge3A_370 : i1 to i32
        %cond3A_372 = arith.constant 0 : i32
        %cond3A_373 = arith.cmpi ne, %convert_element_type3A_371, %cond3A_372 : i32
        scf.if %cond3A_373 {
          %sub3A_381 = arith.constant 1 : i32
          %sub3A_382 = arith.subi %add3A_190, %sub3A_381 : i32
          %jit3A_383 = arith.constant 3 : i32
          %eq3A_384 = arith.constant 0 : i32
          %eq3A_385 = arith.cmpi eq, %jit3A_383, %eq3A_384 : i32
          %jit3A_386 = arith.constant 1 : i32
          %select_n3A_387 = arith.select %eq3A_385, %jit3A_386, %jit3A_383 : i32
          %rem3A_388 = arith.remsi %sub3A_382, %select_n3A_387 : i32
          %ne3A_389 = arith.constant 0 : i32
          %ne3A_390 = arith.cmpi ne, %rem3A_388, %ne3A_389 : i32
          %lt3A_391 = arith.constant 0 : i32
          %lt3A_392 = arith.cmpi slt, %rem3A_388, %lt3A_391 : i32
          %lt3A_393 = arith.constant 0 : i32
          %lt3A_394 = arith.cmpi slt, %select_n3A_387, %lt3A_393 : i32
          %ne3A_395 = arith.xori %lt3A_392, %lt3A_394 : i1
          %and3A_396 = arith.andi %ne3A_395, %ne3A_390 : i1
          %add3A_397 = arith.addi %rem3A_388, %select_n3A_387 : i32
          %select_n3A_398 = arith.select %and3A_396, %add3A_397, %rem3A_388 : i32
          %jit3A_399 = arith.constant 8 : i32
          %div3A_400 = arith.divsi %sub3A_382, %jit3A_399 : i32
          %sign3A_401 = arith.constant 0 : i32
          %sign3A_402 = arith.cmpi sgt, %sub3A_382, %sign3A_401 : i32
          %sign3A_403 = arith.extui %sign3A_402 : i1 to i32
          %sign3A_404 = arith.constant 0 : i32
          %sign3A_405 = arith.cmpi slt, %sub3A_382, %sign3A_404 : i32
          %sign3A_406 = arith.extui %sign3A_405 : i1 to i32
          %sign3A_407 = arith.subi %sign3A_403, %sign3A_406 : i32
          %sign3A_408 = arith.constant 0 : i32
          %sign3A_409 = arith.cmpi sgt, %jit3A_399, %sign3A_408 : i32
          %sign3A_410 = arith.extui %sign3A_409 : i1 to i32
          %sign3A_411 = arith.constant 0 : i32
          %sign3A_412 = arith.cmpi slt, %jit3A_399, %sign3A_411 : i32
          %sign3A_413 = arith.extui %sign3A_412 : i1 to i32
          %sign3A_414 = arith.subi %sign3A_410, %sign3A_413 : i32
          %ne3A_415 = arith.cmpi ne, %sign3A_407, %sign3A_414 : i32
          %rem3A_416 = arith.remsi %sub3A_382, %jit3A_399 : i32
          %ne3A_417 = arith.constant 0 : i32
          %ne3A_418 = arith.cmpi ne, %rem3A_416, %ne3A_417 : i32
          %and3A_419 = arith.andi %ne3A_415, %ne3A_418 : i1
          %sub3A_420 = arith.constant 1 : i32
          %sub3A_421 = arith.subi %div3A_400, %sub3A_420 : i32
          %select_n3A_422 = arith.select %and3A_419, %sub3A_421, %div3A_400 : i32
          %jit3A_423 = arith.constant 2 : i32
          %eq3A_424 = arith.constant 0 : i32
          %eq3A_425 = arith.cmpi eq, %jit3A_423, %eq3A_424 : i32
          %jit3A_426 = arith.constant 1 : i32
          %select_n3A_427 = arith.select %eq3A_425, %jit3A_426, %jit3A_423 : i32
          %rem3A_428 = arith.remsi %select_n3A_422, %select_n3A_427 : i32
          %ne3A_429 = arith.constant 0 : i32
          %ne3A_430 = arith.cmpi ne, %rem3A_428, %ne3A_429 : i32
          %lt3A_431 = arith.constant 0 : i32
          %lt3A_432 = arith.cmpi slt, %rem3A_428, %lt3A_431 : i32
          %lt3A_433 = arith.constant 0 : i32
          %lt3A_434 = arith.cmpi slt, %select_n3A_427, %lt3A_433 : i32
          %ne3A_435 = arith.xori %lt3A_432, %lt3A_434 : i1
          %and3A_436 = arith.andi %ne3A_435, %ne3A_430 : i1
          %add3A_437 = arith.addi %rem3A_428, %select_n3A_427 : i32
          %select_n3A_438 = arith.select %and3A_436, %add3A_437, %rem3A_428 : i32
          %jit3A_439 = arith.constant 8 : i32
          %eq3A_440 = arith.constant 0 : i32
          %eq3A_441 = arith.cmpi eq, %jit3A_439, %eq3A_440 : i32
          %jit3A_442 = arith.constant 1 : i32
          %select_n3A_443 = arith.select %eq3A_441, %jit3A_442, %jit3A_439 : i32
          %rem3A_444 = arith.remsi %sub3A_382, %select_n3A_443 : i32
          %ne3A_445 = arith.constant 0 : i32
          %ne3A_446 = arith.cmpi ne, %rem3A_444, %ne3A_445 : i32
          %lt3A_447 = arith.constant 0 : i32
          %lt3A_448 = arith.cmpi slt, %rem3A_444, %lt3A_447 : i32
          %lt3A_449 = arith.constant 0 : i32
          %lt3A_450 = arith.cmpi slt, %select_n3A_443, %lt3A_449 : i32
          %ne3A_451 = arith.xori %lt3A_448, %lt3A_450 : i1
          %and3A_452 = arith.andi %ne3A_451, %ne3A_446 : i1
          %add3A_453 = arith.addi %rem3A_444, %select_n3A_443 : i32
          %select_n3A_454 = arith.select %and3A_452, %add3A_453, %rem3A_444 : i32
          %dma_wait3A_455 = arith.constant 0 : i32
          %dma_wait3A_456 = arith.constant 0 : i32
          %dma_wait3A_457 = tpu.memref_slice %arg9[%select_n3A_398, %dma_wait3A_455, %dma_wait3A_456] : memref<3x120x128xf32, #tpu.memory_space<vmem>> -> memref<1x120x128xf32, #tpu.memory_space<vmem>>
          %dma_wait3A_458 = tpu.memref_squeeze %dma_wait3A_457 : memref<1x120x128xf32, #tpu.memory_space<vmem>> -> memref<120x128xf32, #tpu.memory_space<vmem>>
          %dma_wait3A_459 = arith.constant 0 : i32
          %dma_wait3A_460 = tpu.memref_slice %arg8[%select_n3A_438, %select_n3A_454, %dma_wait3A_459] : memref<2x8x120xi32, #tpu.memory_space<vmem>> -> memref<1x1x120xi32, #tpu.memory_space<vmem>>
          %dma_wait3A_461 = tpu.memref_squeeze %dma_wait3A_460 : memref<1x1x120xi32, #tpu.memory_space<vmem>> -> memref<120xi32, #tpu.memory_space<vmem>>
          %dma_wait3A_462 = arith.constant 0 : i32
          %dma_wait3A_463 = arith.constant 0 : i32
          %dma_wait3A_464 = tpu.memref_slice %arg10[%dma_wait3A_462, %dma_wait3A_463] : memref<10112x128xf32, #tpu.memory_space<vmem_shared>> -> memref<10112x128xf32, #tpu.memory_space<vmem_shared>>
          %dma_wait3A_465 = tpu.memref_slice %arg12[%select_n3A_398] : memref<3x!tpu.dma_semaphore, #tpu.memory_space<semaphore_mem>> -> memref<1x!tpu.dma_semaphore, #tpu.memory_space<semaphore_mem>>
          %dma_wait3A_466 = tpu.memref_squeeze %dma_wait3A_465 : memref<1x!tpu.dma_semaphore, #tpu.memory_space<semaphore_mem>> -> memref<!tpu.dma_semaphore, #tpu.memory_space<semaphore_mem>>
          tpu.wait_indirect_dma semaphore(%dma_wait3A_466 : memref<!tpu.dma_semaphore, #tpu.memory_space<semaphore_mem>>) src(%dma_wait3A_458 : memref<120x128xf32, #tpu.memory_space<vmem>>) dst(%dma_wait3A_464 : memref<10112x128xf32, #tpu.memory_space<vmem_shared>>)
        } else {
        }
        %add3A_374 = arith.constant 2 : i32
        %add3A_375 = arith.addi %add3A_190, %add3A_374 : i32
        %lt3A_376 = arith.constant 88 : i32
        %lt3A_377 = arith.cmpi slt, %add3A_375, %lt3A_376 : i32
        %convert_element_type3A_378 = arith.extui %lt3A_377 : i1 to i32
        %cond3A_379 = arith.constant 0 : i32
        %cond3A_380 = arith.cmpi ne, %convert_element_type3A_378, %cond3A_379 : i32
        scf.if %cond3A_380 {
          %add3A_381 = arith.constant 2 : i32
          %add3A_382 = arith.addi %add3A_190, %add3A_381 : i32
          %jit3A_383 = arith.constant 3 : i32
          %eq3A_384 = arith.constant 0 : i32
          %eq3A_385 = arith.cmpi eq, %jit3A_383, %eq3A_384 : i32
          %jit3A_386 = arith.constant 1 : i32
          %select_n3A_387 = arith.select %eq3A_385, %jit3A_386, %jit3A_383 : i32
          %rem3A_388 = arith.remsi %add3A_382, %select_n3A_387 : i32
          %ne3A_389 = arith.constant 0 : i32
          %ne3A_390 = arith.cmpi ne, %rem3A_388, %ne3A_389 : i32
          %lt3A_391 = arith.constant 0 : i32
          %lt3A_392 = arith.cmpi slt, %rem3A_388, %lt3A_391 : i32
          %lt3A_393 = arith.constant 0 : i32
          %lt3A_394 = arith.cmpi slt, %select_n3A_387, %lt3A_393 : i32
          %ne3A_395 = arith.xori %lt3A_392, %lt3A_394 : i1
          %and3A_396 = arith.andi %ne3A_395, %ne3A_390 : i1
          %add3A_397 = arith.addi %rem3A_388, %select_n3A_387 : i32
          %select_n3A_398 = arith.select %and3A_396, %add3A_397, %rem3A_388 : i32
          %jit3A_399 = arith.constant 8 : i32
          %div3A_400 = arith.divsi %add3A_382, %jit3A_399 : i32
          %sign3A_401 = arith.constant 0 : i32
          %sign3A_402 = arith.cmpi sgt, %add3A_382, %sign3A_401 : i32
          %sign3A_403 = arith.extui %sign3A_402 : i1 to i32
          %sign3A_404 = arith.constant 0 : i32
          %sign3A_405 = arith.cmpi slt, %add3A_382, %sign3A_404 : i32
          %sign3A_406 = arith.extui %sign3A_405 : i1 to i32
          %sign3A_407 = arith.subi %sign3A_403, %sign3A_406 : i32
          %sign3A_408 = arith.constant 0 : i32
          %sign3A_409 = arith.cmpi sgt, %jit3A_399, %sign3A_408 : i32
          %sign3A_410 = arith.extui %sign3A_409 : i1 to i32
          %sign3A_411 = arith.constant 0 : i32
          %sign3A_412 = arith.cmpi slt, %jit3A_399, %sign3A_411 : i32
          %sign3A_413 = arith.extui %sign3A_412 : i1 to i32
          %sign3A_414 = arith.subi %sign3A_410, %sign3A_413 : i32
          %ne3A_415 = arith.cmpi ne, %sign3A_407, %sign3A_414 : i32
          %rem3A_416 = arith.remsi %add3A_382, %jit3A_399 : i32
          %ne3A_417 = arith.constant 0 : i32
          %ne3A_418 = arith.cmpi ne, %rem3A_416, %ne3A_417 : i32
          %and3A_419 = arith.andi %ne3A_415, %ne3A_418 : i1
          %sub3A_420 = arith.constant 1 : i32
          %sub3A_421 = arith.subi %div3A_400, %sub3A_420 : i32
          %select_n3A_422 = arith.select %and3A_419, %sub3A_421, %div3A_400 : i32
          %jit3A_423 = arith.constant 2 : i32
          %eq3A_424 = arith.constant 0 : i32
          %eq3A_425 = arith.cmpi eq, %jit3A_423, %eq3A_424 : i32
          %jit3A_426 = arith.constant 1 : i32
          %select_n3A_427 = arith.select %eq3A_425, %jit3A_426, %jit3A_423 : i32
          %rem3A_428 = arith.remsi %select_n3A_422, %select_n3A_427 : i32
          %ne3A_429 = arith.constant 0 : i32
          %ne3A_430 = arith.cmpi ne, %rem3A_428, %ne3A_429 : i32
          %lt3A_431 = arith.constant 0 : i32
          %lt3A_432 = arith.cmpi slt, %rem3A_428, %lt3A_431 : i32
          %lt3A_433 = arith.constant 0 : i32
          %lt3A_434 = arith.cmpi slt, %select_n3A_427, %lt3A_433 : i32
          %ne3A_435 = arith.xori %lt3A_432, %lt3A_434 : i1
          %and3A_436 = arith.andi %ne3A_435, %ne3A_430 : i1
          %add3A_437 = arith.addi %rem3A_428, %select_n3A_427 : i32
          %select_n3A_438 = arith.select %and3A_436, %add3A_437, %rem3A_428 : i32
          %jit3A_439 = arith.constant 8 : i32
          %eq3A_440 = arith.constant 0 : i32
          %eq3A_441 = arith.cmpi eq, %jit3A_439, %eq3A_440 : i32
          %jit3A_442 = arith.constant 1 : i32
          %select_n3A_443 = arith.select %eq3A_441, %jit3A_442, %jit3A_439 : i32
          %rem3A_444 = arith.remsi %add3A_382, %select_n3A_443 : i32
          %ne3A_445 = arith.constant 0 : i32
          %ne3A_446 = arith.cmpi ne, %rem3A_444, %ne3A_445 : i32
          %lt3A_447 = arith.constant 0 : i32
          %lt3A_448 = arith.cmpi slt, %rem3A_444, %lt3A_447 : i32
          %lt3A_449 = arith.constant 0 : i32
          %lt3A_450 = arith.cmpi slt, %select_n3A_443, %lt3A_449 : i32
          %ne3A_451 = arith.xori %lt3A_448, %lt3A_450 : i1
          %and3A_452 = arith.andi %ne3A_451, %ne3A_446 : i1
          %add3A_453 = arith.addi %rem3A_444, %select_n3A_443 : i32
          %select_n3A_454 = arith.select %and3A_452, %add3A_453, %rem3A_444 : i32
          %dma_start3A_455 = arith.constant 0 : i32
          %dma_start3A_456 = arith.constant 0 : i32
          %dma_start3A_457 = tpu.memref_slice %arg9[%select_n3A_398, %dma_start3A_455, %dma_start3A_456] : memref<3x120x128xf32, #tpu.memory_space<vmem>> -> memref<1x120x128xf32, #tpu.memory_space<vmem>>
          %dma_start3A_458 = tpu.memref_squeeze %dma_start3A_457 : memref<1x120x128xf32, #tpu.memory_space<vmem>> -> memref<120x128xf32, #tpu.memory_space<vmem>>
          %dma_start3A_459 = arith.constant 0 : i32
          %dma_start3A_460 = tpu.memref_slice %arg7[%select_n3A_438, %select_n3A_454, %dma_start3A_459] : memref<2x8x120xi32, #tpu.memory_space<vmem>> -> memref<1x1x120xi32, #tpu.memory_space<vmem>>
          %dma_start3A_461 = tpu.memref_squeeze %dma_start3A_460 : memref<1x1x120xi32, #tpu.memory_space<vmem>> -> memref<120xi32, #tpu.memory_space<vmem>>
          %dma_start3A_462 = arith.constant 0 : i32
          %dma_start3A_463 = arith.constant 0 : i32
          %dma_start3A_464 = tpu.memref_slice %arg2[%dma_start3A_462, %dma_start3A_463] : memref<10000x128xf32, #tpu.memory_space<hbm>> -> memref<10000x128xf32, #tpu.memory_space<hbm>>
          %dma_start3A_465 = tpu.memref_slice %arg11[%select_n3A_398] : memref<3x!tpu.dma_semaphore, #tpu.memory_space<semaphore_mem>> -> memref<1x!tpu.dma_semaphore, #tpu.memory_space<semaphore_mem>>
          %dma_start3A_466 = tpu.memref_squeeze %dma_start3A_465 : memref<1x!tpu.dma_semaphore, #tpu.memory_space<semaphore_mem>> -> memref<!tpu.dma_semaphore, #tpu.memory_space<semaphore_mem>>
          tpu.enqueue_indirect_dma source(%dma_start3A_464 : memref<10000x128xf32, #tpu.memory_space<hbm>>) target(%dma_start3A_458 : memref<120x128xf32, #tpu.memory_space<vmem>>) offsets(%dma_start3A_461 : memref<120xi32, #tpu.memory_space<vmem>>) semaphore(%dma_start3A_466 : memref<!tpu.dma_semaphore, #tpu.memory_space<semaphore_mem>>)
        } else {
        }
      }
      %scan3A_182 = arith.constant 8 : i32
    }
    %scan3A_151 = arith.constant 11 : i32
    %dma_wait3A_152 = arith.constant 0 : i32
    %dma_wait3A_153 = arith.constant 0 : i32
    %dma_wait3A_154 = arith.constant 7 : i32
    %dma_wait3A_155 = arith.constant 0 : i32
    %dma_wait3A_156 = arith.constant 0 : i32
    %dma_wait3A_157 = arith.constant 0 : i32
    %dma_wait3A_158 = tpu.memref_slice %arg9[%dma_wait3A_152, %dma_wait3A_156, %dma_wait3A_157] : memref<3x120x128xf32, #tpu.memory_space<vmem>> -> memref<1x120x128xf32, #tpu.memory_space<vmem>>
    %dma_wait3A_159 = tpu.memref_squeeze %dma_wait3A_158 : memref<1x120x128xf32, #tpu.memory_space<vmem>> -> memref<120x128xf32, #tpu.memory_space<vmem>>
    %dma_wait3A_160 = arith.constant 0 : i32
    %dma_wait3A_161 = tpu.memref_slice %arg8[%dma_wait3A_153, %dma_wait3A_154, %dma_wait3A_160] : memref<2x8x120xi32, #tpu.memory_space<vmem>> -> memref<1x1x120xi32, #tpu.memory_space<vmem>>
    %dma_wait3A_162 = tpu.memref_squeeze %dma_wait3A_161 : memref<1x1x120xi32, #tpu.memory_space<vmem>> -> memref<120xi32, #tpu.memory_space<vmem>>
    %dma_wait3A_163 = arith.constant 0 : i32
    %dma_wait3A_164 = arith.constant 0 : i32
    %dma_wait3A_165 = tpu.memref_slice %arg10[%dma_wait3A_163, %dma_wait3A_164] : memref<10112x128xf32, #tpu.memory_space<vmem_shared>> -> memref<10112x128xf32, #tpu.memory_space<vmem_shared>>
    %dma_wait3A_166 = tpu.memref_slice %arg12[%dma_wait3A_155] : memref<3x!tpu.dma_semaphore, #tpu.memory_space<semaphore_mem>> -> memref<1x!tpu.dma_semaphore, #tpu.memory_space<semaphore_mem>>
    %dma_wait3A_167 = tpu.memref_squeeze %dma_wait3A_166 : memref<1x!tpu.dma_semaphore, #tpu.memory_space<semaphore_mem>> -> memref<!tpu.dma_semaphore, #tpu.memory_space<semaphore_mem>>
    tpu.wait_indirect_dma semaphore(%dma_wait3A_167 : memref<!tpu.dma_semaphore, #tpu.memory_space<semaphore_mem>>) src(%dma_wait3A_159 : memref<120x128xf32, #tpu.memory_space<vmem>>) dst(%dma_wait3A_165 : memref<10112x128xf32, #tpu.memory_space<vmem_shared>>)
    %barrier3A_168 = arith.constant 0 : index
    tpu.barrier barrier_id(%barrier3A_168)
    %mul3A_169 = arith.constant 632 : i32
    %mul3A_170 = arith.muli %arg1, %mul3A_169 : i32
    %mul3A_171 = arith.constant 632 : i32
    %mul3A_172 = arith.muli %arg1, %mul3A_171 : i32
    "tpu.region"() ({
      %run_scoped3A = tpu.sem_alloc : memref<!tpu.dma_semaphore, #tpu.memory_space<semaphore_mem>>
      %dma_start3A_173 = arith.constant 0 : i32
      %dma_start3A_174 = tpu.memref_slice %arg6[%arg0, %mul3A_172, %dma_start3A_173] : memref<2x10112x128xf32, #tpu.memory_space<hbm>> -> memref<1x632x128xf32, #tpu.memory_space<hbm>>
      %dma_start3A_175 = tpu.memref_squeeze %dma_start3A_174 : memref<1x632x128xf32, #tpu.memory_space<hbm>> -> memref<632x128xf32, #tpu.memory_space<hbm>>
      %dma_start3A_176 = arith.constant 0 : i32
      %dma_start3A_177 = tpu.memref_slice %arg10[%mul3A_170, %dma_start3A_176] : memref<10112x128xf32, #tpu.memory_space<vmem_shared>> -> memref<632x128xf32, #tpu.memory_space<vmem_shared>>
      tpu.enqueue_dma source(%dma_start3A_177 : memref<632x128xf32, #tpu.memory_space<vmem_shared>>) target(%dma_start3A_175 : memref<632x128xf32, #tpu.memory_space<hbm>>) target_semaphore(%run_scoped3A : memref<!tpu.dma_semaphore, #tpu.memory_space<semaphore_mem>>)
      %dma_wait3A_178 = arith.constant 0 : i32
      %dma_wait3A_179 = tpu.memref_slice %arg6[%arg0, %mul3A_172, %dma_wait3A_178] : memref<2x10112x128xf32, #tpu.memory_space<hbm>> -> memref<1x632x128xf32, #tpu.memory_space<hbm>>
      %dma_wait3A_180 = tpu.memref_squeeze %dma_wait3A_179 : memref<1x632x128xf32, #tpu.memory_space<hbm>> -> memref<632x128xf32, #tpu.memory_space<hbm>>
      %dma_wait3A_181 = arith.constant 0 : i32
      %dma_wait3A_182 = tpu.memref_slice %arg10[%mul3A_170, %dma_wait3A_181] : memref<10112x128xf32, #tpu.memory_space<vmem_shared>> -> memref<632x128xf32, #tpu.memory_space<vmem_shared>>
      tpu.wait_dma2 semaphore(%run_scoped3A : memref<!tpu.dma_semaphore, #tpu.memory_space<semaphore_mem>>) src(%dma_wait3A_182 : memref<632x128xf32, #tpu.memory_space<vmem_shared>>) dst(%dma_wait3A_180 : memref<632x128xf32, #tpu.memory_space<hbm>>)
      tpu.yield
    }) : () -> ()
    return
  }
}

#map = affine_map<(d0, d1) -> (0, 0)>
#map1 = affine_map<(d0, d1) -> (0, 0, 0)>
module attributes {stable_mosaic.version = 14 : i64} {
  func.func @_msg_pass(%arg0: i32, %arg1: i32, %arg2: memref<10000x128xf32, #tpu.memory_space<hbm>>, %arg3: memref<32x88x120xi32, #tpu.memory_space<hbm>>, %arg4: memref<32x88x120xi32, #tpu.memory_space<hbm>>, %arg5: memref<10112x128xf32, #tpu.memory_space<hbm>>, %arg6: memref<2x10112x128xf32, #tpu.memory_space<hbm>>, %arg7: memref<2x8x120xi32, #tpu.memory_space<vmem>>, %arg8: memref<2x8x120xi32, #tpu.memory_space<vmem>>, %arg9: memref<3x120x128xf32, #tpu.memory_space<vmem>>, %arg10: memref<10112x128xf32, #tpu.memory_space<vmem_shared>>, %arg11: memref<3x!tpu.dma_semaphore, #tpu.memory_space<semaphore_mem>>, %arg12: memref<3x!tpu.dma_semaphore, #tpu.memory_space<semaphore_mem>>, %arg13: memref<2x!tpu.dma_semaphore, #tpu.memory_space<semaphore_mem>>, %arg14: memref<2x!tpu.dma_semaphore, #tpu.memory_space<semaphore_mem>>) attributes {dimension_semantics = [#tpu.dimension_semantics<core_parallel>, #tpu.dimension_semantics<subcore_parallel>], iteration_bounds = array<i64: 2, 16>, scalar_prefetch = 0 : i64, scratch_operands = 8 : i64, tpu.core_type = #tpu.core_type<sc_vector_subcore>, window_params = [{transform_indices = #map}, {transform_indices = #map1}, {transform_indices = #map1}, {transform_indices = #map}, {transform_indices = #map1}]} {
    %mul3A = arith.constant 16 : i32
    %mul3A_0 = arith.muli %arg0, %mul3A : i32
    %add3A = arith.addi %mul3A_0, %arg1 : i32
    %multiple_of3A = arith.constant 0 : i32
    %multiple_of3A_1 = tpu.assume_multiple %multiple_of3A, 8 : i32
    %dma_start3A = arith.constant 0 : i32
    %dma_start3A_2 = arith.constant 0 : i32
    %dma_start3A_3 = arith.constant 0 : i32
    %dma_start3A_4 = arith.constant 0 : i32
    %dma_start3A_5 = tpu.memref_slice %arg7[%dma_start3A, %dma_start3A_3, %dma_start3A_4] : memref<2x8x120xi32, #tpu.memory_space<vmem>> -> memref<1x8x120xi32, #tpu.memory_space<vmem>>
    %dma_start3A_6 = tpu.memref_squeeze %dma_start3A_5 : memref<1x8x120xi32, #tpu.memory_space<vmem>> -> memref<8x120xi32, #tpu.memory_space<vmem>>
    %dma_start3A_7 = arith.constant 0 : i32
    %dma_start3A_8 = tpu.memref_slice %arg3[%add3A, %multiple_of3A_1, %dma_start3A_7] : memref<32x88x120xi32, #tpu.memory_space<hbm>> -> memref<1x8x120xi32, #tpu.memory_space<hbm>>
    %dma_start3A_9 = tpu.memref_squeeze %dma_start3A_8 : memref<1x8x120xi32, #tpu.memory_space<hbm>> -> memref<8x120xi32, #tpu.memory_space<hbm>>
    %dma_start3A_10 = tpu.memref_slice %arg13[%dma_start3A_2] : memref<2x!tpu.dma_semaphore, #tpu.memory_space<semaphore_mem>> -> memref<1x!tpu.dma_semaphore, #tpu.memory_space<semaphore_mem>>
    %dma_start3A_11 = tpu.memref_squeeze %dma_start3A_10 : memref<1x!tpu.dma_semaphore, #tpu.memory_space<semaphore_mem>> -> memref<!tpu.dma_semaphore, #tpu.memory_space<semaphore_mem>>
    %dma_start3A_12 = arith.constant 0 : i32
    %dma_start3A_13 = arith.constant 0 : i32
    %dma_start3A_14 = tpu.memref_slice %arg7[%dma_start3A, %dma_start3A_12, %dma_start3A_13] : memref<2x8x120xi32, #tpu.memory_space<vmem>> -> memref<1x8x120xi32, #tpu.memory_space<vmem>>
    %dma_start3A_15 = tpu.memref_squeeze %dma_start3A_14 : memref<1x8x120xi32, #tpu.memory_space<vmem>> -> memref<8x120xi32, #tpu.memory_space<vmem>>
    %dma_start3A_16 = arith.constant 0 : i32
    %dma_start3A_17 = tpu.memref_slice %arg3[%add3A, %multiple_of3A_1, %dma_start3A_16] : memref<32x88x120xi32, #tpu.memory_space<hbm>> -> memref<1x8x120xi32, #tpu.memory_space<hbm>>
    %dma_start3A_18 = tpu.memref_squeeze %dma_start3A_17 : memref<1x8x120xi32, #tpu.memory_space<hbm>> -> memref<8x120xi32, #tpu.memory_space<hbm>>
    tpu.enqueue_dma source(%dma_start3A_18 : memref<8x120xi32, #tpu.memory_space<hbm>>) target(%dma_start3A_15 : memref<8x120xi32, #tpu.memory_space<vmem>>) target_semaphore(%dma_start3A_11 : memref<!tpu.dma_semaphore, #tpu.memory_space<semaphore_mem>>)
    %dma_start3A_19 = arith.constant 0 : i32
    %dma_start3A_20 = arith.constant 0 : i32
    %dma_start3A_21 = arith.constant 0 : i32
    %dma_start3A_22 = arith.constant 0 : i32
    %dma_start3A_23 = tpu.memref_slice %arg8[%dma_start3A_19, %dma_start3A_21, %dma_start3A_22] : memref<2x8x120xi32, #tpu.memory_space<vmem>> -> memref<1x8x120xi32, #tpu.memory_space<vmem>>
    %dma_start3A_24 = tpu.memref_squeeze %dma_start3A_23 : memref<1x8x120xi32, #tpu.memory_space<vmem>> -> memref<8x120xi32, #tpu.memory_space<vmem>>
    %dma_start3A_25 = arith.constant 0 : i32
    %dma_start3A_26 = tpu.memref_slice %arg4[%add3A, %multiple_of3A_1, %dma_start3A_25] : memref<32x88x120xi32, #tpu.memory_space<hbm>> -> memref<1x8x120xi32, #tpu.memory_space<hbm>>
    %dma_start3A_27 = tpu.memref_squeeze %dma_start3A_26 : memref<1x8x120xi32, #tpu.memory_space<hbm>> -> memref<8x120xi32, #tpu.memory_space<hbm>>
    %dma_start3A_28 = tpu.memref_slice %arg14[%dma_start3A_20] : memref<2x!tpu.dma_semaphore, #tpu.memory_space<semaphore_mem>> -> memref<1x!tpu.dma_semaphore, #tpu.memory_space<semaphore_mem>>
    %dma_start3A_29 = tpu.memref_squeeze %dma_start3A_28 : memref<1x!tpu.dma_semaphore, #tpu.memory_space<semaphore_mem>> -> memref<!tpu.dma_semaphore, #tpu.memory_space<semaphore_mem>>
    %dma_start3A_30 = arith.constant 0 : i32
    %dma_start3A_31 = arith.constant 0 : i32
    %dma_start3A_32 = tpu.memref_slice %arg8[%dma_start3A_19, %dma_start3A_30, %dma_start3A_31] : memref<2x8x120xi32, #tpu.memory_space<vmem>> -> memref<1x8x120xi32, #tpu.memory_space<vmem>>
    %dma_start3A_33 = tpu.memref_squeeze %dma_start3A_32 : memref<1x8x120xi32, #tpu.memory_space<vmem>> -> memref<8x120xi32, #tpu.memory_space<vmem>>
    %dma_start3A_34 = arith.constant 0 : i32
    %dma_start3A_35 = tpu.memref_slice %arg4[%add3A, %multiple_of3A_1, %dma_start3A_34] : memref<32x88x120xi32, #tpu.memory_space<hbm>> -> memref<1x8x120xi32, #tpu.memory_space<hbm>>
    %dma_start3A_36 = tpu.memref_squeeze %dma_start3A_35 : memref<1x8x120xi32, #tpu.memory_space<hbm>> -> memref<8x120xi32, #tpu.memory_space<hbm>>
    tpu.enqueue_dma source(%dma_start3A_36 : memref<8x120xi32, #tpu.memory_space<hbm>>) target(%dma_start3A_33 : memref<8x120xi32, #tpu.memory_space<vmem>>) target_semaphore(%dma_start3A_29 : memref<!tpu.dma_semaphore, #tpu.memory_space<semaphore_mem>>)
    %multiple_of3A_37 = arith.constant 8 : i32
    %multiple_of3A_38 = tpu.assume_multiple %multiple_of3A_37, 8 : i32
    %dma_start3A_39 = arith.constant 1 : i32
    %dma_start3A_40 = arith.constant 1 : i32
    %dma_start3A_41 = arith.constant 0 : i32
    %dma_start3A_42 = arith.constant 0 : i32
    %dma_start3A_43 = tpu.memref_slice %arg7[%dma_start3A_39, %dma_start3A_41, %dma_start3A_42] : memref<2x8x120xi32, #tpu.memory_space<vmem>> -> memref<1x8x120xi32, #tpu.memory_space<vmem>>
    %dma_start3A_44 = tpu.memref_squeeze %dma_start3A_43 : memref<1x8x120xi32, #tpu.memory_space<vmem>> -> memref<8x120xi32, #tpu.memory_space<vmem>>
    %dma_start3A_45 = arith.constant 0 : i32
    %dma_start3A_46 = tpu.memref_slice %arg3[%add3A, %multiple_of3A_38, %dma_start3A_45] : memref<32x88x120xi32, #tpu.memory_space<hbm>> -> memref<1x8x120xi32, #tpu.memory_space<hbm>>
    %dma_start3A_47 = tpu.memref_squeeze %dma_start3A_46 : memref<1x8x120xi32, #tpu.memory_space<hbm>> -> memref<8x120xi32, #tpu.memory_space<hbm>>
    %dma_start3A_48 = tpu.memref_slice %arg13[%dma_start3A_40] : memref<2x!tpu.dma_semaphore, #tpu.memory_space<semaphore_mem>> -> memref<1x!tpu.dma_semaphore, #tpu.memory_space<semaphore_mem>>
    %dma_start3A_49 = tpu.memref_squeeze %dma_start3A_48 : memref<1x!tpu.dma_semaphore, #tpu.memory_space<semaphore_mem>> -> memref<!tpu.dma_semaphore, #tpu.memory_space<semaphore_mem>>
    %dma_start3A_50 = arith.constant 0 : i32
    %dma_start3A_51 = arith.constant 0 : i32
    %dma_start3A_52 = tpu.memref_slice %arg7[%dma_start3A_39, %dma_start3A_50, %dma_start3A_51] : memref<2x8x120xi32, #tpu.memory_space<vmem>> -> memref<1x8x120xi32, #tpu.memory_space<vmem>>
    %dma_start3A_53 = tpu.memref_squeeze %dma_start3A_52 : memref<1x8x120xi32, #tpu.memory_space<vmem>> -> memref<8x120xi32, #tpu.memory_space<vmem>>
    %dma_start3A_54 = arith.constant 0 : i32
    %dma_start3A_55 = tpu.memref_slice %arg3[%add3A, %multiple_of3A_38, %dma_start3A_54] : memref<32x88x120xi32, #tpu.memory_space<hbm>> -> memref<1x8x120xi32, #tpu.memory_space<hbm>>
    %dma_start3A_56 = tpu.memref_squeeze %dma_start3A_55 : memref<1x8x120xi32, #tpu.memory_space<hbm>> -> memref<8x120xi32, #tpu.memory_space<hbm>>
    tpu.enqueue_dma source(%dma_start3A_56 : memref<8x120xi32, #tpu.memory_space<hbm>>) target(%dma_start3A_53 : memref<8x120xi32, #tpu.memory_space<vmem>>) target_semaphore(%dma_start3A_49 : memref<!tpu.dma_semaphore, #tpu.memory_space<semaphore_mem>>)
    %dma_start3A_57 = arith.constant 1 : i32
    %dma_start3A_58 = arith.constant 1 : i32
    %dma_start3A_59 = arith.constant 0 : i32
    %dma_start3A_60 = arith.constant 0 : i32
    %dma_start3A_61 = tpu.memref_slice %arg8[%dma_start3A_57, %dma_start3A_59, %dma_start3A_60] : memref<2x8x120xi32, #tpu.memory_space<vmem>> -> memref<1x8x120xi32, #tpu.memory_space<vmem>>
    %dma_start3A_62 = tpu.memref_squeeze %dma_start3A_61 : memref<1x8x120xi32, #tpu.memory_space<vmem>> -> memref<8x120xi32, #tpu.memory_space<vmem>>
    %dma_start3A_63 = arith.constant 0 : i32
    %dma_start3A_64 = tpu.memref_slice %arg4[%add3A, %multiple_of3A_38, %dma_start3A_63] : memref<32x88x120xi32, #tpu.memory_space<hbm>> -> memref<1x8x120xi32, #tpu.memory_space<hbm>>
    %dma_start3A_65 = tpu.memref_squeeze %dma_start3A_64 : memref<1x8x120xi32, #tpu.memory_space<hbm>> -> memref<8x120xi32, #tpu.memory_space<hbm>>
    %dma_start3A_66 = tpu.memref_slice %arg14[%dma_start3A_58] : memref<2x!tpu.dma_semaphore, #tpu.memory_space<semaphore_mem>> -> memref<1x!tpu.dma_semaphore, #tpu.memory_space<semaphore_mem>>
    %dma_start3A_67 = tpu.memref_squeeze %dma_start3A_66 : memref<1x!tpu.dma_semaphore, #tpu.memory_space<semaphore_mem>> -> memref<!tpu.dma_semaphore, #tpu.memory_space<semaphore_mem>>
    %dma_start3A_68 = arith.constant 0 : i32
    %dma_start3A_69 = arith.constant 0 : i32
    %dma_start3A_70 = tpu.memref_slice %arg8[%dma_start3A_57, %dma_start3A_68, %dma_start3A_69] : memref<2x8x120xi32, #tpu.memory_space<vmem>> -> memref<1x8x120xi32, #tpu.memory_space<vmem>>
    %dma_start3A_71 = tpu.memref_squeeze %dma_start3A_70 : memref<1x8x120xi32, #tpu.memory_space<vmem>> -> memref<8x120xi32, #tpu.memory_space<vmem>>
    %dma_start3A_72 = arith.constant 0 : i32
    %dma_start3A_73 = tpu.memref_slice %arg4[%add3A, %multiple_of3A_38, %dma_start3A_72] : memref<32x88x120xi32, #tpu.memory_space<hbm>> -> memref<1x8x120xi32, #tpu.memory_space<hbm>>
    %dma_start3A_74 = tpu.memref_squeeze %dma_start3A_73 : memref<1x8x120xi32, #tpu.memory_space<hbm>> -> memref<8x120xi32, #tpu.memory_space<hbm>>
    tpu.enqueue_dma source(%dma_start3A_74 : memref<8x120xi32, #tpu.memory_space<hbm>>) target(%dma_start3A_71 : memref<8x120xi32, #tpu.memory_space<vmem>>) target_semaphore(%dma_start3A_67 : memref<!tpu.dma_semaphore, #tpu.memory_space<semaphore_mem>>)
    %multiple_of3A_75 = arith.constant 0 : i32
    %multiple_of3A_76 = tpu.assume_multiple %multiple_of3A_75, 8 : i32
    %dma_wait3A = arith.constant 0 : i32
    %dma_wait3A_77 = arith.constant 0 : i32
    %dma_wait3A_78 = arith.constant 0 : i32
    %dma_wait3A_79 = arith.constant 0 : i32
    %dma_wait3A_80 = tpu.memref_slice %arg7[%dma_wait3A, %dma_wait3A_78, %dma_wait3A_79] : memref<2x8x120xi32, #tpu.memory_space<vmem>> -> memref<1x8x120xi32, #tpu.memory_space<vmem>>
    %dma_wait3A_81 = tpu.memref_squeeze %dma_wait3A_80 : memref<1x8x120xi32, #tpu.memory_space<vmem>> -> memref<8x120xi32, #tpu.memory_space<vmem>>
    %dma_wait3A_82 = arith.constant 0 : i32
    %dma_wait3A_83 = tpu.memref_slice %arg3[%add3A, %multiple_of3A_76, %dma_wait3A_82] : memref<32x88x120xi32, #tpu.memory_space<hbm>> -> memref<1x8x120xi32, #tpu.memory_space<hbm>>
    %dma_wait3A_84 = tpu.memref_squeeze %dma_wait3A_83 : memref<1x8x120xi32, #tpu.memory_space<hbm>> -> memref<8x120xi32, #tpu.memory_space<hbm>>
    %dma_wait3A_85 = tpu.memref_slice %arg13[%dma_wait3A_77] : memref<2x!tpu.dma_semaphore, #tpu.memory_space<semaphore_mem>> -> memref<1x!tpu.dma_semaphore, #tpu.memory_space<semaphore_mem>>
    %dma_wait3A_86 = tpu.memref_squeeze %dma_wait3A_85 : memref<1x!tpu.dma_semaphore, #tpu.memory_space<semaphore_mem>> -> memref<!tpu.dma_semaphore, #tpu.memory_space<semaphore_mem>>
    %dma_wait3A_87 = arith.constant 0 : i32
    %dma_wait3A_88 = arith.constant 0 : i32
    %dma_wait3A_89 = tpu.memref_slice %arg7[%dma_wait3A, %dma_wait3A_87, %dma_wait3A_88] : memref<2x8x120xi32, #tpu.memory_space<vmem>> -> memref<1x8x120xi32, #tpu.memory_space<vmem>>
    %dma_wait3A_90 = tpu.memref_squeeze %dma_wait3A_89 : memref<1x8x120xi32, #tpu.memory_space<vmem>> -> memref<8x120xi32, #tpu.memory_space<vmem>>
    %dma_wait3A_91 = arith.constant 0 : i32
    %dma_wait3A_92 = tpu.memref_slice %arg3[%add3A, %multiple_of3A_76, %dma_wait3A_91] : memref<32x88x120xi32, #tpu.memory_space<hbm>> -> memref<1x8x120xi32, #tpu.memory_space<hbm>>
    %dma_wait3A_93 = tpu.memref_squeeze %dma_wait3A_92 : memref<1x8x120xi32, #tpu.memory_space<hbm>> -> memref<8x120xi32, #tpu.memory_space<hbm>>
    tpu.wait_dma2 semaphore(%dma_wait3A_86 : memref<!tpu.dma_semaphore, #tpu.memory_space<semaphore_mem>>) src(%dma_wait3A_93 : memref<8x120xi32, #tpu.memory_space<hbm>>) dst(%dma_wait3A_90 : memref<8x120xi32, #tpu.memory_space<vmem>>)
    %dma_wait3A_94 = arith.constant 0 : i32
    %dma_wait3A_95 = arith.constant 0 : i32
    %dma_wait3A_96 = arith.constant 0 : i32
    %dma_wait3A_97 = arith.constant 0 : i32
    %dma_wait3A_98 = tpu.memref_slice %arg8[%dma_wait3A_94, %dma_wait3A_96, %dma_wait3A_97] : memref<2x8x120xi32, #tpu.memory_space<vmem>> -> memref<1x8x120xi32, #tpu.memory_space<vmem>>
    %dma_wait3A_99 = tpu.memref_squeeze %dma_wait3A_98 : memref<1x8x120xi32, #tpu.memory_space<vmem>> -> memref<8x120xi32, #tpu.memory_space<vmem>>
    %dma_wait3A_100 = arith.constant 0 : i32
    %dma_wait3A_101 = tpu.memref_slice %arg4[%add3A, %multiple_of3A_76, %dma_wait3A_100] : memref<32x88x120xi32, #tpu.memory_space<hbm>> -> memref<1x8x120xi32, #tpu.memory_space<hbm>>
    %dma_wait3A_102 = tpu.memref_squeeze %dma_wait3A_101 : memref<1x8x120xi32, #tpu.memory_space<hbm>> -> memref<8x120xi32, #tpu.memory_space<hbm>>
    %dma_wait3A_103 = tpu.memref_slice %arg14[%dma_wait3A_95] : memref<2x!tpu.dma_semaphore, #tpu.memory_space<semaphore_mem>> -> memref<1x!tpu.dma_semaphore, #tpu.memory_space<semaphore_mem>>
    %dma_wait3A_104 = tpu.memref_squeeze %dma_wait3A_103 : memref<1x!tpu.dma_semaphore, #tpu.memory_space<semaphore_mem>> -> memref<!tpu.dma_semaphore, #tpu.memory_space<semaphore_mem>>
    %dma_wait3A_105 = arith.constant 0 : i32
    %dma_wait3A_106 = arith.constant 0 : i32
    %dma_wait3A_107 = tpu.memref_slice %arg8[%dma_wait3A_94, %dma_wait3A_105, %dma_wait3A_106] : memref<2x8x120xi32, #tpu.memory_space<vmem>> -> memref<1x8x120xi32, #tpu.memory_space<vmem>>
    %dma_wait3A_108 = tpu.memref_squeeze %dma_wait3A_107 : memref<1x8x120xi32, #tpu.memory_space<vmem>> -> memref<8x120xi32, #tpu.memory_space<vmem>>
    %dma_wait3A_109 = arith.constant 0 : i32
    %dma_wait3A_110 = tpu.memref_slice %arg4[%add3A, %multiple_of3A_76, %dma_wait3A_109] : memref<32x88x120xi32, #tpu.memory_space<hbm>> -> memref<1x8x120xi32, #tpu.memory_space<hbm>>
    %dma_wait3A_111 = tpu.memref_squeeze %dma_wait3A_110 : memref<1x8x120xi32, #tpu.memory_space<hbm>> -> memref<8x120xi32, #tpu.memory_space<hbm>>
    tpu.wait_dma2 semaphore(%dma_wait3A_104 : memref<!tpu.dma_semaphore, #tpu.memory_space<semaphore_mem>>) src(%dma_wait3A_111 : memref<8x120xi32, #tpu.memory_space<hbm>>) dst(%dma_wait3A_108 : memref<8x120xi32, #tpu.memory_space<vmem>>)
    %dma_start3A_112 = arith.constant 0 : i32
    %dma_start3A_113 = arith.constant 0 : i32
    %dma_start3A_114 = arith.constant 0 : i32
    %dma_start3A_115 = arith.constant 0 : i32
    %dma_start3A_116 = arith.constant 0 : i32
    %dma_start3A_117 = arith.constant 0 : i32
    %dma_start3A_118 = tpu.memref_slice %arg9[%dma_start3A_114, %dma_start3A_116, %dma_start3A_117] : memref<3x120x128xf32, #tpu.memory_space<vmem>> -> memref<1x120x128xf32, #tpu.memory_space<vmem>>
    %dma_start3A_119 = tpu.memref_squeeze %dma_start3A_118 : memref<1x120x128xf32, #tpu.memory_space<vmem>> -> memref<120x128xf32, #tpu.memory_space<vmem>>
    %dma_start3A_120 = arith.constant 0 : i32
    %dma_start3A_121 = tpu.memref_slice %arg7[%dma_start3A_112, %dma_start3A_113, %dma_start3A_120] : memref<2x8x120xi32, #tpu.memory_space<vmem>> -> memref<1x1x120xi32, #tpu.memory_space<vmem>>
    %dma_start3A_122 = tpu.memref_squeeze %dma_start3A_121 : memref<1x1x120xi32, #tpu.memory_space<vmem>> -> memref<120xi32, #tpu.memory_space<vmem>>
    %dma_start3A_123 = arith.constant 0 : i32
    %dma_start3A_124 = arith.constant 0 : i32
    %dma_start3A_125 = tpu.memref_slice %arg2[%dma_start3A_123, %dma_start3A_124] : memref<10000x128xf32, #tpu.memory_space<hbm>> -> memref<10000x128xf32, #tpu.memory_space<hbm>>
    %dma_start3A_126 = tpu.memref_slice %arg11[%dma_start3A_115] : memref<3x!tpu.dma_semaphore, #tpu.memory_space<semaphore_mem>> -> memref<1x!tpu.dma_semaphore, #tpu.memory_space<semaphore_mem>>
    %dma_start3A_127 = tpu.memref_squeeze %dma_start3A_126 : memref<1x!tpu.dma_semaphore, #tpu.memory_space<semaphore_mem>> -> memref<!tpu.dma_semaphore, #tpu.memory_space<semaphore_mem>>
    tpu.enqueue_indirect_dma source(%dma_start3A_125 : memref<10000x128xf32, #tpu.memory_space<hbm>>) target(%dma_start3A_119 : memref<120x128xf32, #tpu.memory_space<vmem>>) offsets(%dma_start3A_122 : memref<120xi32, #tpu.memory_space<vmem>>) semaphore(%dma_start3A_127 : memref<!tpu.dma_semaphore, #tpu.memory_space<semaphore_mem>>)
    %dma_start3A_128 = arith.constant 0 : i32
    %dma_start3A_129 = arith.constant 1 : i32
    %dma_start3A_130 = arith.constant 1 : i32
    %dma_start3A_131 = arith.constant 1 : i32
    %dma_start3A_132 = arith.constant 0 : i32
    %dma_start3A_133 = arith.constant 0 : i32
    %dma_start3A_134 = tpu.memref_slice %arg9[%dma_start3A_130, %dma_start3A_132, %dma_start3A_133] : memref<3x120x128xf32, #tpu.memory_space<vmem>> -> memref<1x120x128xf32, #tpu.memory_space<vmem>>
    %dma_start3A_135 = tpu.memref_squeeze %dma_start3A_134 : memref<1x120x128xf32, #tpu.memory_space<vmem>> -> memref<120x128xf32, #tpu.memory_space<vmem>>
    %dma_start3A_136 = arith.constant 0 : i32
    %dma_start3A_137 = tpu.memref_slice %arg7[%dma_start3A_128, %dma_start3A_129, %dma_start3A_136] : memref<2x8x120xi32, #tpu.memory_space<vmem>> -> memref<1x1x120xi32, #tpu.memory_space<vmem>>
    %dma_start3A_138 = tpu.memref_squeeze %dma_start3A_137 : memref<1x1x120xi32, #tpu.memory_space<vmem>> -> memref<120xi32, #tpu.memory_space<vmem>>
    %dma_start3A_139 = arith.constant 0 : i32
    %dma_start3A_140 = arith.constant 0 : i32
    %dma_start3A_141 = tpu.memref_slice %arg2[%dma_start3A_139, %dma_start3A_140] : memref<10000x128xf32, #tpu.memory_space<hbm>> -> memref<10000x128xf32, #tpu.memory_space<hbm>>
    %dma_start3A_142 = tpu.memref_slice %arg11[%dma_start3A_131] : memref<3x!tpu.dma_semaphore, #tpu.memory_space<semaphore_mem>> -> memref<1x!tpu.dma_semaphore, #tpu.memory_space<semaphore_mem>>
    %dma_start3A_143 = tpu.memref_squeeze %dma_start3A_142 : memref<1x!tpu.dma_semaphore, #tpu.memory_space<semaphore_mem>> -> memref<!tpu.dma_semaphore, #tpu.memory_space<semaphore_mem>>
    tpu.enqueue_indirect_dma source(%dma_start3A_141 : memref<10000x128xf32, #tpu.memory_space<hbm>>) target(%dma_start3A_135 : memref<120x128xf32, #tpu.memory_space<vmem>>) offsets(%dma_start3A_138 : memref<120xi32, #tpu.memory_space<vmem>>) semaphore(%dma_start3A_143 : memref<!tpu.dma_semaphore, #tpu.memory_space<semaphore_mem>>)
    %mul3A_144 = arith.constant 632 : i32
    %mul3A_145 = arith.muli %arg1, %mul3A_144 : i32
    %mul3A_146 = arith.constant 632 : i32
    %mul3A_147 = arith.muli %arg1, %mul3A_146 : i32
    "tpu.region"() ({
      %run_scoped3A = tpu.sem_alloc : memref<!tpu.dma_semaphore, #tpu.memory_space<semaphore_mem>>
      %dma_start3A_173 = arith.constant 0 : i32
      %dma_start3A_174 = tpu.memref_slice %arg10[%mul3A_147, %dma_start3A_173] : memref<10112x128xf32, #tpu.memory_space<vmem_shared>> -> memref<632x128xf32, #tpu.memory_space<vmem_shared>>
      %dma_start3A_175 = arith.constant 0 : i32
      %dma_start3A_176 = tpu.memref_slice %arg5[%mul3A_145, %dma_start3A_175] : memref<10112x128xf32, #tpu.memory_space<hbm>> -> memref<632x128xf32, #tpu.memory_space<hbm>>
      tpu.enqueue_dma source(%dma_start3A_176 : memref<632x128xf32, #tpu.memory_space<hbm>>) target(%dma_start3A_174 : memref<632x128xf32, #tpu.memory_space<vmem_shared>>) target_semaphore(%run_scoped3A : memref<!tpu.dma_semaphore, #tpu.memory_space<semaphore_mem>>)
      %dma_wait3A_177 = arith.constant 0 : i32
      %dma_wait3A_178 = tpu.memref_slice %arg10[%mul3A_147, %dma_wait3A_177] : memref<10112x128xf32, #tpu.memory_space<vmem_shared>> -> memref<632x128xf32, #tpu.memory_space<vmem_shared>>
      %dma_wait3A_179 = arith.constant 0 : i32
      %dma_wait3A_180 = tpu.memref_slice %arg5[%mul3A_145, %dma_wait3A_179] : memref<10112x128xf32, #tpu.memory_space<hbm>> -> memref<632x128xf32, #tpu.memory_space<hbm>>
      tpu.wait_dma2 semaphore(%run_scoped3A : memref<!tpu.dma_semaphore, #tpu.memory_space<semaphore_mem>>) src(%dma_wait3A_180 : memref<632x128xf32, #tpu.memory_space<hbm>>) dst(%dma_wait3A_178 : memref<632x128xf32, #tpu.memory_space<vmem_shared>>)
      tpu.yield
    }) : () -> ()
    %barrier3A = arith.constant 0 : index
    tpu.barrier barrier_id(%barrier3A)
    %scan3A = arith.constant 0 : i32
    %scan3A_148 = arith.constant 11 : i32
    %scan3A_149 = arith.addi %scan3A, %scan3A_148 : i32
    %scan3A_150 = arith.constant 1 : i32
    scf.for %scan3A_173 = %scan3A to %scan3A_149 step %scan3A_150  : i32 {
      %mul3A_174 = arith.constant 1 : i32
      %mul3A_175 = arith.muli %scan3A_173, %mul3A_174 : i32
      %add3A_176 = arith.constant 0 : i32
      %add3A_177 = arith.addi %add3A_176, %mul3A_175 : i32
      %scan3A_178 = arith.constant 0 : i32
      %scan3A_179 = arith.constant 8 : i32
      %scan3A_180 = arith.addi %scan3A_178, %scan3A_179 : i32
      %scan3A_181 = arith.constant 1 : i32
      scf.for %scan3A_183 = %scan3A_178 to %scan3A_180 step %scan3A_181  : i32 {
        %mul3A_184 = arith.constant 1 : i32
        %mul3A_185 = arith.muli %scan3A_183, %mul3A_184 : i32
        %add3A_186 = arith.constant 0 : i32
        %add3A_187 = arith.addi %add3A_186, %mul3A_185 : i32
        %mul3A_188 = arith.constant 8 : i32
        %mul3A_189 = arith.muli %add3A_177, %mul3A_188 : i32
        %add3A_190 = arith.addi %mul3A_189, %add3A_187 : i32
        %eq3A = arith.constant 1 : i32
        %eq3A_191 = arith.cmpi eq, %add3A_187, %eq3A : i32
        %ge3A = arith.constant 1 : i32
        %ge3A_192 = arith.cmpi sge, %add3A_177, %ge3A : i32
        %add3A_193 = arith.constant 1 : i32
        %add3A_194 = arith.addi %add3A_177, %add3A_193 : i32
        %lt3A = arith.constant 11 : i32
        %lt3A_195 = arith.cmpi slt, %add3A_194, %lt3A : i32
        %and3A = arith.andi %ge3A_192, %lt3A_195 : i1
        %and3A_196 = arith.andi %eq3A_191, %and3A : i1
        %convert_element_type3A = arith.extui %and3A_196 : i1 to i32
        %cond3A = arith.constant 0 : i32
        %cond3A_197 = arith.cmpi ne, %convert_element_type3A, %cond3A : i32
        scf.if %cond3A_197 {
          %add3A_381 = arith.constant 1 : i32
          %add3A_382 = arith.addi %add3A_177, %add3A_381 : i32
          %jit3A_383 = arith.constant 2 : i32
          %eq3A_384 = arith.constant 0 : i32
          %eq3A_385 = arith.cmpi eq, %jit3A_383, %eq3A_384 : i32
          %jit3A_386 = arith.constant 1 : i32
          %select_n3A_387 = arith.select %eq3A_385, %jit3A_386, %jit3A_383 : i32
          %rem3A_388 = arith.remsi %add3A_382, %select_n3A_387 : i32
          %ne3A_389 = arith.constant 0 : i32
          %ne3A_390 = arith.cmpi ne, %rem3A_388, %ne3A_389 : i32
          %lt3A_391 = arith.constant 0 : i32
          %lt3A_392 = arith.cmpi slt, %rem3A_388, %lt3A_391 : i32
          %lt3A_393 = arith.constant 0 : i32
          %lt3A_394 = arith.cmpi slt, %select_n3A_387, %lt3A_393 : i32
          %ne3A_395 = arith.xori %lt3A_392, %lt3A_394 : i1
          %and3A_396 = arith.andi %ne3A_395, %ne3A_390 : i1
          %add3A_397 = arith.addi %rem3A_388, %select_n3A_387 : i32
          %select_n3A_398 = arith.select %and3A_396, %add3A_397, %rem3A_388 : i32
          %mul3A_399 = arith.constant 8 : i32
          %mul3A_400 = arith.muli %add3A_382, %mul3A_399 : i32
          %multiple_of3A_401 = tpu.assume_multiple %mul3A_400, 8 : i32
          %dma_start3A_402 = arith.constant 0 : i32
          %dma_start3A_403 = arith.constant 0 : i32
          %dma_start3A_404 = tpu.memref_slice %arg7[%select_n3A_398, %dma_start3A_402, %dma_start3A_403] : memref<2x8x120xi32, #tpu.memory_space<vmem>> -> memref<1x8x120xi32, #tpu.memory_space<vmem>>
          %dma_start3A_405 = tpu.memref_squeeze %dma_start3A_404 : memref<1x8x120xi32, #tpu.memory_space<vmem>> -> memref<8x120xi32, #tpu.memory_space<vmem>>
          %dma_start3A_406 = arith.constant 0 : i32
          %dma_start3A_407 = tpu.memref_slice %arg3[%add3A, %multiple_of3A_401, %dma_start3A_406] : memref<32x88x120xi32, #tpu.memory_space<hbm>> -> memref<1x8x120xi32, #tpu.memory_space<hbm>>
          %dma_start3A_408 = tpu.memref_squeeze %dma_start3A_407 : memref<1x8x120xi32, #tpu.memory_space<hbm>> -> memref<8x120xi32, #tpu.memory_space<hbm>>
          %dma_start3A_409 = tpu.memref_slice %arg13[%select_n3A_398] : memref<2x!tpu.dma_semaphore, #tpu.memory_space<semaphore_mem>> -> memref<1x!tpu.dma_semaphore, #tpu.memory_space<semaphore_mem>>
          %dma_start3A_410 = tpu.memref_squeeze %dma_start3A_409 : memref<1x!tpu.dma_semaphore, #tpu.memory_space<semaphore_mem>> -> memref<!tpu.dma_semaphore, #tpu.memory_space<semaphore_mem>>
          %dma_start3A_411 = arith.constant 0 : i32
          %dma_start3A_412 = arith.constant 0 : i32
          %dma_start3A_413 = tpu.memref_slice %arg7[%select_n3A_398, %dma_start3A_411, %dma_start3A_412] : memref<2x8x120xi32, #tpu.memory_space<vmem>> -> memref<1x8x120xi32, #tpu.memory_space<vmem>>
          %dma_start3A_414 = tpu.memref_squeeze %dma_start3A_413 : memref<1x8x120xi32, #tpu.memory_space<vmem>> -> memref<8x120xi32, #tpu.memory_space<vmem>>
          %dma_start3A_415 = arith.constant 0 : i32
          %dma_start3A_416 = tpu.memref_slice %arg3[%add3A, %multiple_of3A_401, %dma_start3A_415] : memref<32x88x120xi32, #tpu.memory_space<hbm>> -> memref<1x8x120xi32, #tpu.memory_space<hbm>>
          %dma_start3A_417 = tpu.memref_squeeze %dma_start3A_416 : memref<1x8x120xi32, #tpu.memory_space<hbm>> -> memref<8x120xi32, #tpu.memory_space<hbm>>
          tpu.enqueue_dma source(%dma_start3A_417 : memref<8x120xi32, #tpu.memory_space<hbm>>) target(%dma_start3A_414 : memref<8x120xi32, #tpu.memory_space<vmem>>) target_semaphore(%dma_start3A_410 : memref<!tpu.dma_semaphore, #tpu.memory_space<semaphore_mem>>)
          %dma_start3A_418 = arith.constant 0 : i32
          %dma_start3A_419 = arith.constant 0 : i32
          %dma_start3A_420 = tpu.memref_slice %arg8[%select_n3A_398, %dma_start3A_418, %dma_start3A_419] : memref<2x8x120xi32, #tpu.memory_space<vmem>> -> memref<1x8x120xi32, #tpu.memory_space<vmem>>
          %dma_start3A_421 = tpu.memref_squeeze %dma_start3A_420 : memref<1x8x120xi32, #tpu.memory_space<vmem>> -> memref<8x120xi32, #tpu.memory_space<vmem>>
          %dma_start3A_422 = arith.constant 0 : i32
          %dma_start3A_423 = tpu.memref_slice %arg4[%add3A, %multiple_of3A_401, %dma_start3A_422] : memref<32x88x120xi32, #tpu.memory_space<hbm>> -> memref<1x8x120xi32, #tpu.memory_space<hbm>>
          %dma_start3A_424 = tpu.memref_squeeze %dma_start3A_423 : memref<1x8x120xi32, #tpu.memory_space<hbm>> -> memref<8x120xi32, #tpu.memory_space<hbm>>
          %dma_start3A_425 = tpu.memref_slice %arg14[%select_n3A_398] : memref<2x!tpu.dma_semaphore, #tpu.memory_space<semaphore_mem>> -> memref<1x!tpu.dma_semaphore, #tpu.memory_space<semaphore_mem>>
          %dma_start3A_426 = tpu.memref_squeeze %dma_start3A_425 : memref<1x!tpu.dma_semaphore, #tpu.memory_space<semaphore_mem>> -> memref<!tpu.dma_semaphore, #tpu.memory_space<semaphore_mem>>
          %dma_start3A_427 = arith.constant 0 : i32
          %dma_start3A_428 = arith.constant 0 : i32
          %dma_start3A_429 = tpu.memref_slice %arg8[%select_n3A_398, %dma_start3A_427, %dma_start3A_428] : memref<2x8x120xi32, #tpu.memory_space<vmem>> -> memref<1x8x120xi32, #tpu.memory_space<vmem>>
          %dma_start3A_430 = tpu.memref_squeeze %dma_start3A_429 : memref<1x8x120xi32, #tpu.memory_space<vmem>> -> memref<8x120xi32, #tpu.memory_space<vmem>>
          %dma_start3A_431 = arith.constant 0 : i32
          %dma_start3A_432 = tpu.memref_slice %arg4[%add3A, %multiple_of3A_401, %dma_start3A_431] : memref<32x88x120xi32, #tpu.memory_space<hbm>> -> memref<1x8x120xi32, #tpu.memory_space<hbm>>
          %dma_start3A_433 = tpu.memref_squeeze %dma_start3A_432 : memref<1x8x120xi32, #tpu.memory_space<hbm>> -> memref<8x120xi32, #tpu.memory_space<hbm>>
          tpu.enqueue_dma source(%dma_start3A_433 : memref<8x120xi32, #tpu.memory_space<hbm>>) target(%dma_start3A_430 : memref<8x120xi32, #tpu.memory_space<vmem>>) target_semaphore(%dma_start3A_426 : memref<!tpu.dma_semaphore, #tpu.memory_space<semaphore_mem>>)
        } else {
        }
        %eq3A_198 = arith.constant 6 : i32
        %eq3A_199 = arith.cmpi eq, %add3A_187, %eq3A_198 : i32
        %add3A_200 = arith.constant 1 : i32
        %add3A_201 = arith.addi %add3A_177, %add3A_200 : i32
        %lt3A_202 = arith.constant 11 : i32
        %lt3A_203 = arith.cmpi slt, %add3A_201, %lt3A_202 : i32
        %and3A_204 = arith.andi %eq3A_199, %lt3A_203 : i1
        %convert_element_type3A_205 = arith.extui %and3A_204 : i1 to i32
        %cond3A_206 = arith.constant 0 : i32
        %cond3A_207 = arith.cmpi ne, %convert_element_type3A_205, %cond3A_206 : i32
        scf.if %cond3A_207 {
          %add3A_381 = arith.constant 1 : i32
          %add3A_382 = arith.addi %add3A_177, %add3A_381 : i32
          %jit3A_383 = arith.constant 2 : i32
          %eq3A_384 = arith.constant 0 : i32
          %eq3A_385 = arith.cmpi eq, %jit3A_383, %eq3A_384 : i32
          %jit3A_386 = arith.constant 1 : i32
          %select_n3A_387 = arith.select %eq3A_385, %jit3A_386, %jit3A_383 : i32
          %rem3A_388 = arith.remsi %add3A_382, %select_n3A_387 : i32
          %ne3A_389 = arith.constant 0 : i32
          %ne3A_390 = arith.cmpi ne, %rem3A_388, %ne3A_389 : i32
          %lt3A_391 = arith.constant 0 : i32
          %lt3A_392 = arith.cmpi slt, %rem3A_388, %lt3A_391 : i32
          %lt3A_393 = arith.constant 0 : i32
          %lt3A_394 = arith.cmpi slt, %select_n3A_387, %lt3A_393 : i32
          %ne3A_395 = arith.xori %lt3A_392, %lt3A_394 : i1
          %and3A_396 = arith.andi %ne3A_395, %ne3A_390 : i1
          %add3A_397 = arith.addi %rem3A_388, %select_n3A_387 : i32
          %select_n3A_398 = arith.select %and3A_396, %add3A_397, %rem3A_388 : i32
          %mul3A_399 = arith.constant 8 : i32
          %mul3A_400 = arith.muli %add3A_382, %mul3A_399 : i32
          %multiple_of3A_401 = tpu.assume_multiple %mul3A_400, 8 : i32
          %dma_wait3A_402 = arith.constant 0 : i32
          %dma_wait3A_403 = arith.constant 0 : i32
          %dma_wait3A_404 = tpu.memref_slice %arg7[%select_n3A_398, %dma_wait3A_402, %dma_wait3A_403] : memref<2x8x120xi32, #tpu.memory_space<vmem>> -> memref<1x8x120xi32, #tpu.memory_space<vmem>>
          %dma_wait3A_405 = tpu.memref_squeeze %dma_wait3A_404 : memref<1x8x120xi32, #tpu.memory_space<vmem>> -> memref<8x120xi32, #tpu.memory_space<vmem>>
          %dma_wait3A_406 = arith.constant 0 : i32
          %dma_wait3A_407 = tpu.memref_slice %arg3[%add3A, %multiple_of3A_401, %dma_wait3A_406] : memref<32x88x120xi32, #tpu.memory_space<hbm>> -> memref<1x8x120xi32, #tpu.memory_space<hbm>>
          %dma_wait3A_408 = tpu.memref_squeeze %dma_wait3A_407 : memref<1x8x120xi32, #tpu.memory_space<hbm>> -> memref<8x120xi32, #tpu.memory_space<hbm>>
          %dma_wait3A_409 = tpu.memref_slice %arg13[%select_n3A_398] : memref<2x!tpu.dma_semaphore, #tpu.memory_space<semaphore_mem>> -> memref<1x!tpu.dma_semaphore, #tpu.memory_space<semaphore_mem>>
          %dma_wait3A_410 = tpu.memref_squeeze %dma_wait3A_409 : memref<1x!tpu.dma_semaphore, #tpu.memory_space<semaphore_mem>> -> memref<!tpu.dma_semaphore, #tpu.memory_space<semaphore_mem>>
          %dma_wait3A_411 = arith.constant 0 : i32
          %dma_wait3A_412 = arith.constant 0 : i32
          %dma_wait3A_413 = tpu.memref_slice %arg7[%select_n3A_398, %dma_wait3A_411, %dma_wait3A_412] : memref<2x8x120xi32, #tpu.memory_space<vmem>> -> memref<1x8x120xi32, #tpu.memory_space<vmem>>
          %dma_wait3A_414 = tpu.memref_squeeze %dma_wait3A_413 : memref<1x8x120xi32, #tpu.memory_space<vmem>> -> memref<8x120xi32, #tpu.memory_space<vmem>>
          %dma_wait3A_415 = arith.constant 0 : i32
          %dma_wait3A_416 = tpu.memref_slice %arg3[%add3A, %multiple_of3A_401, %dma_wait3A_415] : memref<32x88x120xi32, #tpu.memory_space<hbm>> -> memref<1x8x120xi32, #tpu.memory_space<hbm>>
          %dma_wait3A_417 = tpu.memref_squeeze %dma_wait3A_416 : memref<1x8x120xi32, #tpu.memory_space<hbm>> -> memref<8x120xi32, #tpu.memory_space<hbm>>
          tpu.wait_dma2 semaphore(%dma_wait3A_410 : memref<!tpu.dma_semaphore, #tpu.memory_space<semaphore_mem>>) src(%dma_wait3A_417 : memref<8x120xi32, #tpu.memory_space<hbm>>) dst(%dma_wait3A_414 : memref<8x120xi32, #tpu.memory_space<vmem>>)
          %dma_wait3A_418 = arith.constant 0 : i32
          %dma_wait3A_419 = arith.constant 0 : i32
          %dma_wait3A_420 = tpu.memref_slice %arg8[%select_n3A_398, %dma_wait3A_418, %dma_wait3A_419] : memref<2x8x120xi32, #tpu.memory_space<vmem>> -> memref<1x8x120xi32, #tpu.memory_space<vmem>>
          %dma_wait3A_421 = tpu.memref_squeeze %dma_wait3A_420 : memref<1x8x120xi32, #tpu.memory_space<vmem>> -> memref<8x120xi32, #tpu.memory_space<vmem>>
          %dma_wait3A_422 = arith.constant 0 : i32
          %dma_wait3A_423 = tpu.memref_slice %arg4[%add3A, %multiple_of3A_401, %dma_wait3A_422] : memref<32x88x120xi32, #tpu.memory_space<hbm>> -> memref<1x8x120xi32, #tpu.memory_space<hbm>>
          %dma_wait3A_424 = tpu.memref_squeeze %dma_wait3A_423 : memref<1x8x120xi32, #tpu.memory_space<hbm>> -> memref<8x120xi32, #tpu.memory_space<hbm>>
          %dma_wait3A_425 = tpu.memref_slice %arg14[%select_n3A_398] : memref<2x!tpu.dma_semaphore, #tpu.memory_space<semaphore_mem>> -> memref<1x!tpu.dma_semaphore, #tpu.memory_space<semaphore_mem>>
          %dma_wait3A_426 = tpu.memref_squeeze %dma_wait3A_425 : memref<1x!tpu.dma_semaphore, #tpu.memory_space<semaphore_mem>> -> memref<!tpu.dma_semaphore, #tpu.memory_space<semaphore_mem>>
          %dma_wait3A_427 = arith.constant 0 : i32
          %dma_wait3A_428 = arith.constant 0 : i32
          %dma_wait3A_429 = tpu.memref_slice %arg8[%select_n3A_398, %dma_wait3A_427, %dma_wait3A_428] : memref<2x8x120xi32, #tpu.memory_space<vmem>> -> memref<1x8x120xi32, #tpu.memory_space<vmem>>
          %dma_wait3A_430 = tpu.memref_squeeze %dma_wait3A_429 : memref<1x8x120xi32, #tpu.memory_space<vmem>> -> memref<8x120xi32, #tpu.memory_space<vmem>>
          %dma_wait3A_431 = arith.constant 0 : i32
          %dma_wait3A_432 = tpu.memref_slice %arg4[%add3A, %multiple_of3A_401, %dma_wait3A_431] : memref<32x88x120xi32, #tpu.memory_space<hbm>> -> memref<1x8x120xi32, #tpu.memory_space<hbm>>
          %dma_wait3A_433 = tpu.memref_squeeze %dma_wait3A_432 : memref<1x8x120xi32, #tpu.memory_space<hbm>> -> memref<8x120xi32, #tpu.memory_space<hbm>>
          tpu.wait_dma2 semaphore(%dma_wait3A_426 : memref<!tpu.dma_semaphore, #tpu.memory_space<semaphore_mem>>) src(%dma_wait3A_433 : memref<8x120xi32, #tpu.memory_space<hbm>>) dst(%dma_wait3A_430 : memref<8x120xi32, #tpu.memory_space<vmem>>)
        } else {
        }
        %jit3A = arith.constant 3 : i32
        %eq3A_208 = arith.constant 0 : i32
        %eq3A_209 = arith.cmpi eq, %jit3A, %eq3A_208 : i32
        %jit3A_210 = arith.constant 1 : i32
        %select_n3A = arith.select %eq3A_209, %jit3A_210, %jit3A : i32
        %rem3A = arith.remsi %add3A_190, %select_n3A : i32
        %ne3A = arith.constant 0 : i32
        %ne3A_211 = arith.cmpi ne, %rem3A, %ne3A : i32
        %lt3A_212 = arith.constant 0 : i32
        %lt3A_213 = arith.cmpi slt, %rem3A, %lt3A_212 : i32
        %lt3A_214 = arith.constant 0 : i32
        %lt3A_215 = arith.cmpi slt, %select_n3A, %lt3A_214 : i32
        %ne3A_216 = arith.xori %lt3A_213, %lt3A_215 : i1
        %and3A_217 = arith.andi %ne3A_216, %ne3A_211 : i1
        %add3A_218 = arith.addi %rem3A, %select_n3A : i32
        %select_n3A_219 = arith.select %and3A_217, %add3A_218, %rem3A : i32
        %jit3A_220 = arith.constant 8 : i32
        %div3A = arith.divsi %add3A_190, %jit3A_220 : i32
        %sign3A = arith.constant 0 : i32
        %sign3A_221 = arith.cmpi sgt, %add3A_190, %sign3A : i32
        %sign3A_222 = arith.extui %sign3A_221 : i1 to i32
        %sign3A_223 = arith.constant 0 : i32
        %sign3A_224 = arith.cmpi slt, %add3A_190, %sign3A_223 : i32
        %sign3A_225 = arith.extui %sign3A_224 : i1 to i32
        %sign3A_226 = arith.subi %sign3A_222, %sign3A_225 : i32
        %sign3A_227 = arith.constant 0 : i32
        %sign3A_228 = arith.cmpi sgt, %jit3A_220, %sign3A_227 : i32
        %sign3A_229 = arith.extui %sign3A_228 : i1 to i32
        %sign3A_230 = arith.constant 0 : i32
        %sign3A_231 = arith.cmpi slt, %jit3A_220, %sign3A_230 : i32
        %sign3A_232 = arith.extui %sign3A_231 : i1 to i32
        %sign3A_233 = arith.subi %sign3A_229, %sign3A_232 : i32
        %ne3A_234 = arith.cmpi ne, %sign3A_226, %sign3A_233 : i32
        %rem3A_235 = arith.remsi %add3A_190, %jit3A_220 : i32
        %ne3A_236 = arith.constant 0 : i32
        %ne3A_237 = arith.cmpi ne, %rem3A_235, %ne3A_236 : i32
        %and3A_238 = arith.andi %ne3A_234, %ne3A_237 : i1
        %sub3A = arith.constant 1 : i32
        %sub3A_239 = arith.subi %div3A, %sub3A : i32
        %select_n3A_240 = arith.select %and3A_238, %sub3A_239, %div3A : i32
        %jit3A_241 = arith.constant 2 : i32
        %eq3A_242 = arith.constant 0 : i32
        %eq3A_243 = arith.cmpi eq, %jit3A_241, %eq3A_242 : i32
        %jit3A_244 = arith.constant 1 : i32
        %select_n3A_245 = arith.select %eq3A_243, %jit3A_244, %jit3A_241 : i32
        %rem3A_246 = arith.remsi %select_n3A_240, %select_n3A_245 : i32
        %ne3A_247 = arith.constant 0 : i32
        %ne3A_248 = arith.cmpi ne, %rem3A_246, %ne3A_247 : i32
        %lt3A_249 = arith.constant 0 : i32
        %lt3A_250 = arith.cmpi slt, %rem3A_246, %lt3A_249 : i32
        %lt3A_251 = arith.constant 0 : i32
        %lt3A_252 = arith.cmpi slt, %select_n3A_245, %lt3A_251 : i32
        %ne3A_253 = arith.xori %lt3A_250, %lt3A_252 : i1
        %and3A_254 = arith.andi %ne3A_253, %ne3A_248 : i1
        %add3A_255 = arith.addi %rem3A_246, %select_n3A_245 : i32
        %select_n3A_256 = arith.select %and3A_254, %add3A_255, %rem3A_246 : i32
        %jit3A_257 = arith.constant 8 : i32
        %eq3A_258 = arith.constant 0 : i32
        %eq3A_259 = arith.cmpi eq, %jit3A_257, %eq3A_258 : i32
        %jit3A_260 = arith.constant 1 : i32
        %select_n3A_261 = arith.select %eq3A_259, %jit3A_260, %jit3A_257 : i32
        %rem3A_262 = arith.remsi %add3A_190, %select_n3A_261 : i32
        %ne3A_263 = arith.constant 0 : i32
        %ne3A_264 = arith.cmpi ne, %rem3A_262, %ne3A_263 : i32
        %lt3A_265 = arith.constant 0 : i32
        %lt3A_266 = arith.cmpi slt, %rem3A_262, %lt3A_265 : i32
        %lt3A_267 = arith.constant 0 : i32
        %lt3A_268 = arith.cmpi slt, %select_n3A_261, %lt3A_267 : i32
        %ne3A_269 = arith.xori %lt3A_266, %lt3A_268 : i1
        %and3A_270 = arith.andi %ne3A_269, %ne3A_264 : i1
        %add3A_271 = arith.addi %rem3A_262, %select_n3A_261 : i32
        %select_n3A_272 = arith.select %and3A_270, %add3A_271, %rem3A_262 : i32
        %dma_wait3A_273 = arith.constant 0 : i32
        %dma_wait3A_274 = arith.constant 0 : i32
        %dma_wait3A_275 = tpu.memref_slice %arg9[%select_n3A_219, %dma_wait3A_273, %dma_wait3A_274] : memref<3x120x128xf32, #tpu.memory_space<vmem>> -> memref<1x120x128xf32, #tpu.memory_space<vmem>>
        %dma_wait3A_276 = tpu.memref_squeeze %dma_wait3A_275 : memref<1x120x128xf32, #tpu.memory_space<vmem>> -> memref<120x128xf32, #tpu.memory_space<vmem>>
        %dma_wait3A_277 = arith.constant 0 : i32
        %dma_wait3A_278 = tpu.memref_slice %arg7[%select_n3A_256, %select_n3A_272, %dma_wait3A_277] : memref<2x8x120xi32, #tpu.memory_space<vmem>> -> memref<1x1x120xi32, #tpu.memory_space<vmem>>
        %dma_wait3A_279 = tpu.memref_squeeze %dma_wait3A_278 : memref<1x1x120xi32, #tpu.memory_space<vmem>> -> memref<120xi32, #tpu.memory_space<vmem>>
        %dma_wait3A_280 = arith.constant 0 : i32
        %dma_wait3A_281 = arith.constant 0 : i32
        %dma_wait3A_282 = tpu.memref_slice %arg2[%dma_wait3A_280, %dma_wait3A_281] : memref<10000x128xf32, #tpu.memory_space<hbm>> -> memref<10000x128xf32, #tpu.memory_space<hbm>>
        %dma_wait3A_283 = tpu.memref_slice %arg11[%select_n3A_219] : memref<3x!tpu.dma_semaphore, #tpu.memory_space<semaphore_mem>> -> memref<1x!tpu.dma_semaphore, #tpu.memory_space<semaphore_mem>>
        %dma_wait3A_284 = tpu.memref_squeeze %dma_wait3A_283 : memref<1x!tpu.dma_semaphore, #tpu.memory_space<semaphore_mem>> -> memref<!tpu.dma_semaphore, #tpu.memory_space<semaphore_mem>>
        tpu.wait_indirect_dma semaphore(%dma_wait3A_284 : memref<!tpu.dma_semaphore, #tpu.memory_space<semaphore_mem>>) src(%dma_wait3A_282 : memref<10000x128xf32, #tpu.memory_space<hbm>>) dst(%dma_wait3A_276 : memref<120x128xf32, #tpu.memory_space<vmem>>)
        %jit3A_285 = arith.constant 3 : i32
        %eq3A_286 = arith.constant 0 : i32
        %eq3A_287 = arith.cmpi eq, %jit3A_285, %eq3A_286 : i32
        %jit3A_288 = arith.constant 1 : i32
        %select_n3A_289 = arith.select %eq3A_287, %jit3A_288, %jit3A_285 : i32
        %rem3A_290 = arith.remsi %add3A_190, %select_n3A_289 : i32
        %ne3A_291 = arith.constant 0 : i32
        %ne3A_292 = arith.cmpi ne, %rem3A_290, %ne3A_291 : i32
        %lt3A_293 = arith.constant 0 : i32
        %lt3A_294 = arith.cmpi slt, %rem3A_290, %lt3A_293 : i32
        %lt3A_295 = arith.constant 0 : i32
        %lt3A_296 = arith.cmpi slt, %select_n3A_289, %lt3A_295 : i32
        %ne3A_297 = arith.xori %lt3A_294, %lt3A_296 : i1
        %and3A_298 = arith.andi %ne3A_297, %ne3A_292 : i1
        %add3A_299 = arith.addi %rem3A_290, %select_n3A_289 : i32
        %select_n3A_300 = arith.select %and3A_298, %add3A_299, %rem3A_290 : i32
        %jit3A_301 = arith.constant 8 : i32
        %div3A_302 = arith.divsi %add3A_190, %jit3A_301 : i32
        %sign3A_303 = arith.constant 0 : i32
        %sign3A_304 = arith.cmpi sgt, %add3A_190, %sign3A_303 : i32
        %sign3A_305 = arith.extui %sign3A_304 : i1 to i32
        %sign3A_306 = arith.constant 0 : i32
        %sign3A_307 = arith.cmpi slt, %add3A_190, %sign3A_306 : i32
        %sign3A_308 = arith.extui %sign3A_307 : i1 to i32
        %sign3A_309 = arith.subi %sign3A_305, %sign3A_308 : i32
        %sign3A_310 = arith.constant 0 : i32
        %sign3A_311 = arith.cmpi sgt, %jit3A_301, %sign3A_310 : i32
        %sign3A_312 = arith.extui %sign3A_311 : i1 to i32
        %sign3A_313 = arith.constant 0 : i32
        %sign3A_314 = arith.cmpi slt, %jit3A_301, %sign3A_313 : i32
        %sign3A_315 = arith.extui %sign3A_314 : i1 to i32
        %sign3A_316 = arith.subi %sign3A_312, %sign3A_315 : i32
        %ne3A_317 = arith.cmpi ne, %sign3A_309, %sign3A_316 : i32
        %rem3A_318 = arith.remsi %add3A_190, %jit3A_301 : i32
        %ne3A_319 = arith.constant 0 : i32
        %ne3A_320 = arith.cmpi ne, %rem3A_318, %ne3A_319 : i32
        %and3A_321 = arith.andi %ne3A_317, %ne3A_320 : i1
        %sub3A_322 = arith.constant 1 : i32
        %sub3A_323 = arith.subi %div3A_302, %sub3A_322 : i32
        %select_n3A_324 = arith.select %and3A_321, %sub3A_323, %div3A_302 : i32
        %jit3A_325 = arith.constant 2 : i32
        %eq3A_326 = arith.constant 0 : i32
        %eq3A_327 = arith.cmpi eq, %jit3A_325, %eq3A_326 : i32
        %jit3A_328 = arith.constant 1 : i32
        %select_n3A_329 = arith.select %eq3A_327, %jit3A_328, %jit3A_325 : i32
        %rem3A_330 = arith.remsi %select_n3A_324, %select_n3A_329 : i32
        %ne3A_331 = arith.constant 0 : i32
        %ne3A_332 = arith.cmpi ne, %rem3A_330, %ne3A_331 : i32
        %lt3A_333 = arith.constant 0 : i32
        %lt3A_334 = arith.cmpi slt, %rem3A_330, %lt3A_333 : i32
        %lt3A_335 = arith.constant 0 : i32
        %lt3A_336 = arith.cmpi slt, %select_n3A_329, %lt3A_335 : i32
        %ne3A_337 = arith.xori %lt3A_334, %lt3A_336 : i1
        %and3A_338 = arith.andi %ne3A_337, %ne3A_332 : i1
        %add3A_339 = arith.addi %rem3A_330, %select_n3A_329 : i32
        %select_n3A_340 = arith.select %and3A_338, %add3A_339, %rem3A_330 : i32
        %jit3A_341 = arith.constant 8 : i32
        %eq3A_342 = arith.constant 0 : i32
        %eq3A_343 = arith.cmpi eq, %jit3A_341, %eq3A_342 : i32
        %jit3A_344 = arith.constant 1 : i32
        %select_n3A_345 = arith.select %eq3A_343, %jit3A_344, %jit3A_341 : i32
        %rem3A_346 = arith.remsi %add3A_190, %select_n3A_345 : i32
        %ne3A_347 = arith.constant 0 : i32
        %ne3A_348 = arith.cmpi ne, %rem3A_346, %ne3A_347 : i32
        %lt3A_349 = arith.constant 0 : i32
        %lt3A_350 = arith.cmpi slt, %rem3A_346, %lt3A_349 : i32
        %lt3A_351 = arith.constant 0 : i32
        %lt3A_352 = arith.cmpi slt, %select_n3A_345, %lt3A_351 : i32
        %ne3A_353 = arith.xori %lt3A_350, %lt3A_352 : i1
        %and3A_354 = arith.andi %ne3A_353, %ne3A_348 : i1
        %add3A_355 = arith.addi %rem3A_346, %select_n3A_345 : i32
        %select_n3A_356 = arith.select %and3A_354, %add3A_355, %rem3A_346 : i32
        %dma_start3A_357 = arith.constant 0 : i32
        %dma_start3A_358 = arith.constant 0 : i32
        %dma_start3A_359 = tpu.memref_slice %arg9[%select_n3A_300, %dma_start3A_357, %dma_start3A_358] : memref<3x120x128xf32, #tpu.memory_space<vmem>> -> memref<1x120x128xf32, #tpu.memory_space<vmem>>
        %dma_start3A_360 = tpu.memref_squeeze %dma_start3A_359 : memref<1x120x128xf32, #tpu.memory_space<vmem>> -> memref<120x128xf32, #tpu.memory_space<vmem>>
        %dma_start3A_361 = arith.constant 0 : i32
        %dma_start3A_362 = tpu.memref_slice %arg8[%select_n3A_340, %select_n3A_356, %dma_start3A_361] : memref<2x8x120xi32, #tpu.memory_space<vmem>> -> memref<1x1x120xi32, #tpu.memory_space<vmem>>
        %dma_start3A_363 = tpu.memref_squeeze %dma_start3A_362 : memref<1x1x120xi32, #tpu.memory_space<vmem>> -> memref<120xi32, #tpu.memory_space<vmem>>
        %dma_start3A_364 = arith.constant 0 : i32
        %dma_start3A_365 = arith.constant 0 : i32
        %dma_start3A_366 = tpu.memref_slice %arg10[%dma_start3A_364, %dma_start3A_365] : memref<10112x128xf32, #tpu.memory_space<vmem_shared>> -> memref<10112x128xf32, #tpu.memory_space<vmem_shared>>
        %dma_start3A_367 = tpu.memref_slice %arg12[%select_n3A_300] : memref<3x!tpu.dma_semaphore, #tpu.memory_space<semaphore_mem>> -> memref<1x!tpu.dma_semaphore, #tpu.memory_space<semaphore_mem>>
        %dma_start3A_368 = tpu.memref_squeeze %dma_start3A_367 : memref<1x!tpu.dma_semaphore, #tpu.memory_space<semaphore_mem>> -> memref<!tpu.dma_semaphore, #tpu.memory_space<semaphore_mem>>
        tpu.enqueue_indirect_dma source(%dma_start3A_360 : memref<120x128xf32, #tpu.memory_space<vmem>>) target(%dma_start3A_366 : memref<10112x128xf32, #tpu.memory_space<vmem_shared>>) offsets(%dma_start3A_363 : memref<120xi32, #tpu.memory_space<vmem>>) semaphore(%dma_start3A_368 : memref<!tpu.dma_semaphore, #tpu.memory_space<semaphore_mem>>) {add = true}
        %ge3A_369 = arith.constant 1 : i32
        %ge3A_370 = arith.cmpi sge, %add3A_190, %ge3A_369 : i32
        %convert_element_type3A_371 = arith.extui %ge3A_370 : i1 to i32
        %cond3A_372 = arith.constant 0 : i32
        %cond3A_373 = arith.cmpi ne, %convert_element_type3A_371, %cond3A_372 : i32
        scf.if %cond3A_373 {
          %sub3A_381 = arith.constant 1 : i32
          %sub3A_382 = arith.subi %add3A_190, %sub3A_381 : i32
          %jit3A_383 = arith.constant 3 : i32
          %eq3A_384 = arith.constant 0 : i32
          %eq3A_385 = arith.cmpi eq, %jit3A_383, %eq3A_384 : i32
          %jit3A_386 = arith.constant 1 : i32
          %select_n3A_387 = arith.select %eq3A_385, %jit3A_386, %jit3A_383 : i32
          %rem3A_388 = arith.remsi %sub3A_382, %select_n3A_387 : i32
          %ne3A_389 = arith.constant 0 : i32
          %ne3A_390 = arith.cmpi ne, %rem3A_388, %ne3A_389 : i32
          %lt3A_391 = arith.constant 0 : i32
          %lt3A_392 = arith.cmpi slt, %rem3A_388, %lt3A_391 : i32
          %lt3A_393 = arith.constant 0 : i32
          %lt3A_394 = arith.cmpi slt, %select_n3A_387, %lt3A_393 : i32
          %ne3A_395 = arith.xori %lt3A_392, %lt3A_394 : i1
          %and3A_396 = arith.andi %ne3A_395, %ne3A_390 : i1
          %add3A_397 = arith.addi %rem3A_388, %select_n3A_387 : i32
          %select_n3A_398 = arith.select %and3A_396, %add3A_397, %rem3A_388 : i32
          %jit3A_399 = arith.constant 8 : i32
          %div3A_400 = arith.divsi %sub3A_382, %jit3A_399 : i32
          %sign3A_401 = arith.constant 0 : i32
          %sign3A_402 = arith.cmpi sgt, %sub3A_382, %sign3A_401 : i32
          %sign3A_403 = arith.extui %sign3A_402 : i1 to i32
          %sign3A_404 = arith.constant 0 : i32
          %sign3A_405 = arith.cmpi slt, %sub3A_382, %sign3A_404 : i32
          %sign3A_406 = arith.extui %sign3A_405 : i1 to i32
          %sign3A_407 = arith.subi %sign3A_403, %sign3A_406 : i32
          %sign3A_408 = arith.constant 0 : i32
          %sign3A_409 = arith.cmpi sgt, %jit3A_399, %sign3A_408 : i32
          %sign3A_410 = arith.extui %sign3A_409 : i1 to i32
          %sign3A_411 = arith.constant 0 : i32
          %sign3A_412 = arith.cmpi slt, %jit3A_399, %sign3A_411 : i32
          %sign3A_413 = arith.extui %sign3A_412 : i1 to i32
          %sign3A_414 = arith.subi %sign3A_410, %sign3A_413 : i32
          %ne3A_415 = arith.cmpi ne, %sign3A_407, %sign3A_414 : i32
          %rem3A_416 = arith.remsi %sub3A_382, %jit3A_399 : i32
          %ne3A_417 = arith.constant 0 : i32
          %ne3A_418 = arith.cmpi ne, %rem3A_416, %ne3A_417 : i32
          %and3A_419 = arith.andi %ne3A_415, %ne3A_418 : i1
          %sub3A_420 = arith.constant 1 : i32
          %sub3A_421 = arith.subi %div3A_400, %sub3A_420 : i32
          %select_n3A_422 = arith.select %and3A_419, %sub3A_421, %div3A_400 : i32
          %jit3A_423 = arith.constant 2 : i32
          %eq3A_424 = arith.constant 0 : i32
          %eq3A_425 = arith.cmpi eq, %jit3A_423, %eq3A_424 : i32
          %jit3A_426 = arith.constant 1 : i32
          %select_n3A_427 = arith.select %eq3A_425, %jit3A_426, %jit3A_423 : i32
          %rem3A_428 = arith.remsi %select_n3A_422, %select_n3A_427 : i32
          %ne3A_429 = arith.constant 0 : i32
          %ne3A_430 = arith.cmpi ne, %rem3A_428, %ne3A_429 : i32
          %lt3A_431 = arith.constant 0 : i32
          %lt3A_432 = arith.cmpi slt, %rem3A_428, %lt3A_431 : i32
          %lt3A_433 = arith.constant 0 : i32
          %lt3A_434 = arith.cmpi slt, %select_n3A_427, %lt3A_433 : i32
          %ne3A_435 = arith.xori %lt3A_432, %lt3A_434 : i1
          %and3A_436 = arith.andi %ne3A_435, %ne3A_430 : i1
          %add3A_437 = arith.addi %rem3A_428, %select_n3A_427 : i32
          %select_n3A_438 = arith.select %and3A_436, %add3A_437, %rem3A_428 : i32
          %jit3A_439 = arith.constant 8 : i32
          %eq3A_440 = arith.constant 0 : i32
          %eq3A_441 = arith.cmpi eq, %jit3A_439, %eq3A_440 : i32
          %jit3A_442 = arith.constant 1 : i32
          %select_n3A_443 = arith.select %eq3A_441, %jit3A_442, %jit3A_439 : i32
          %rem3A_444 = arith.remsi %sub3A_382, %select_n3A_443 : i32
          %ne3A_445 = arith.constant 0 : i32
          %ne3A_446 = arith.cmpi ne, %rem3A_444, %ne3A_445 : i32
          %lt3A_447 = arith.constant 0 : i32
          %lt3A_448 = arith.cmpi slt, %rem3A_444, %lt3A_447 : i32
          %lt3A_449 = arith.constant 0 : i32
          %lt3A_450 = arith.cmpi slt, %select_n3A_443, %lt3A_449 : i32
          %ne3A_451 = arith.xori %lt3A_448, %lt3A_450 : i1
          %and3A_452 = arith.andi %ne3A_451, %ne3A_446 : i1
          %add3A_453 = arith.addi %rem3A_444, %select_n3A_443 : i32
          %select_n3A_454 = arith.select %and3A_452, %add3A_453, %rem3A_444 : i32
          %dma_wait3A_455 = arith.constant 0 : i32
          %dma_wait3A_456 = arith.constant 0 : i32
          %dma_wait3A_457 = tpu.memref_slice %arg9[%select_n3A_398, %dma_wait3A_455, %dma_wait3A_456] : memref<3x120x128xf32, #tpu.memory_space<vmem>> -> memref<1x120x128xf32, #tpu.memory_space<vmem>>
          %dma_wait3A_458 = tpu.memref_squeeze %dma_wait3A_457 : memref<1x120x128xf32, #tpu.memory_space<vmem>> -> memref<120x128xf32, #tpu.memory_space<vmem>>
          %dma_wait3A_459 = arith.constant 0 : i32
          %dma_wait3A_460 = tpu.memref_slice %arg8[%select_n3A_438, %select_n3A_454, %dma_wait3A_459] : memref<2x8x120xi32, #tpu.memory_space<vmem>> -> memref<1x1x120xi32, #tpu.memory_space<vmem>>
          %dma_wait3A_461 = tpu.memref_squeeze %dma_wait3A_460 : memref<1x1x120xi32, #tpu.memory_space<vmem>> -> memref<120xi32, #tpu.memory_space<vmem>>
          %dma_wait3A_462 = arith.constant 0 : i32
          %dma_wait3A_463 = arith.constant 0 : i32
          %dma_wait3A_464 = tpu.memref_slice %arg10[%dma_wait3A_462, %dma_wait3A_463] : memref<10112x128xf32, #tpu.memory_space<vmem_shared>> -> memref<10112x128xf32, #tpu.memory_space<vmem_shared>>
          %dma_wait3A_465 = tpu.memref_slice %arg12[%select_n3A_398] : memref<3x!tpu.dma_semaphore, #tpu.memory_space<semaphore_mem>> -> memref<1x!tpu.dma_semaphore, #tpu.memory_space<semaphore_mem>>
          %dma_wait3A_466 = tpu.memref_squeeze %dma_wait3A_465 : memref<1x!tpu.dma_semaphore, #tpu.memory_space<semaphore_mem>> -> memref<!tpu.dma_semaphore, #tpu.memory_space<semaphore_mem>>
          tpu.wait_indirect_dma semaphore(%dma_wait3A_466 : memref<!tpu.dma_semaphore, #tpu.memory_space<semaphore_mem>>) src(%dma_wait3A_458 : memref<120x128xf32, #tpu.memory_space<vmem>>) dst(%dma_wait3A_464 : memref<10112x128xf32, #tpu.memory_space<vmem_shared>>)
        } else {
        }
        %add3A_374 = arith.constant 2 : i32
        %add3A_375 = arith.addi %add3A_190, %add3A_374 : i32
        %lt3A_376 = arith.constant 88 : i32
        %lt3A_377 = arith.cmpi slt, %add3A_375, %lt3A_376 : i32
        %convert_element_type3A_378 = arith.extui %lt3A_377 : i1 to i32
        %cond3A_379 = arith.constant 0 : i32
        %cond3A_380 = arith.cmpi ne, %convert_element_type3A_378, %cond3A_379 : i32
        scf.if %cond3A_380 {
          %add3A_381 = arith.constant 2 : i32
          %add3A_382 = arith.addi %add3A_190, %add3A_381 : i32
          %jit3A_383 = arith.constant 3 : i32
          %eq3A_384 = arith.constant 0 : i32
          %eq3A_385 = arith.cmpi eq, %jit3A_383, %eq3A_384 : i32
          %jit3A_386 = arith.constant 1 : i32
          %select_n3A_387 = arith.select %eq3A_385, %jit3A_386, %jit3A_383 : i32
          %rem3A_388 = arith.remsi %add3A_382, %select_n3A_387 : i32
          %ne3A_389 = arith.constant 0 : i32
          %ne3A_390 = arith.cmpi ne, %rem3A_388, %ne3A_389 : i32
          %lt3A_391 = arith.constant 0 : i32
          %lt3A_392 = arith.cmpi slt, %rem3A_388, %lt3A_391 : i32
          %lt3A_393 = arith.constant 0 : i32
          %lt3A_394 = arith.cmpi slt, %select_n3A_387, %lt3A_393 : i32
          %ne3A_395 = arith.xori %lt3A_392, %lt3A_394 : i1
          %and3A_396 = arith.andi %ne3A_395, %ne3A_390 : i1
          %add3A_397 = arith.addi %rem3A_388, %select_n3A_387 : i32
          %select_n3A_398 = arith.select %and3A_396, %add3A_397, %rem3A_388 : i32
          %jit3A_399 = arith.constant 8 : i32
          %div3A_400 = arith.divsi %add3A_382, %jit3A_399 : i32
          %sign3A_401 = arith.constant 0 : i32
          %sign3A_402 = arith.cmpi sgt, %add3A_382, %sign3A_401 : i32
          %sign3A_403 = arith.extui %sign3A_402 : i1 to i32
          %sign3A_404 = arith.constant 0 : i32
          %sign3A_405 = arith.cmpi slt, %add3A_382, %sign3A_404 : i32
          %sign3A_406 = arith.extui %sign3A_405 : i1 to i32
          %sign3A_407 = arith.subi %sign3A_403, %sign3A_406 : i32
          %sign3A_408 = arith.constant 0 : i32
          %sign3A_409 = arith.cmpi sgt, %jit3A_399, %sign3A_408 : i32
          %sign3A_410 = arith.extui %sign3A_409 : i1 to i32
          %sign3A_411 = arith.constant 0 : i32
          %sign3A_412 = arith.cmpi slt, %jit3A_399, %sign3A_411 : i32
          %sign3A_413 = arith.extui %sign3A_412 : i1 to i32
          %sign3A_414 = arith.subi %sign3A_410, %sign3A_413 : i32
          %ne3A_415 = arith.cmpi ne, %sign3A_407, %sign3A_414 : i32
          %rem3A_416 = arith.remsi %add3A_382, %jit3A_399 : i32
          %ne3A_417 = arith.constant 0 : i32
          %ne3A_418 = arith.cmpi ne, %rem3A_416, %ne3A_417 : i32
          %and3A_419 = arith.andi %ne3A_415, %ne3A_418 : i1
          %sub3A_420 = arith.constant 1 : i32
          %sub3A_421 = arith.subi %div3A_400, %sub3A_420 : i32
          %select_n3A_422 = arith.select %and3A_419, %sub3A_421, %div3A_400 : i32
          %jit3A_423 = arith.constant 2 : i32
          %eq3A_424 = arith.constant 0 : i32
          %eq3A_425 = arith.cmpi eq, %jit3A_423, %eq3A_424 : i32
          %jit3A_426 = arith.constant 1 : i32
          %select_n3A_427 = arith.select %eq3A_425, %jit3A_426, %jit3A_423 : i32
          %rem3A_428 = arith.remsi %select_n3A_422, %select_n3A_427 : i32
          %ne3A_429 = arith.constant 0 : i32
          %ne3A_430 = arith.cmpi ne, %rem3A_428, %ne3A_429 : i32
          %lt3A_431 = arith.constant 0 : i32
          %lt3A_432 = arith.cmpi slt, %rem3A_428, %lt3A_431 : i32
          %lt3A_433 = arith.constant 0 : i32
          %lt3A_434 = arith.cmpi slt, %select_n3A_427, %lt3A_433 : i32
          %ne3A_435 = arith.xori %lt3A_432, %lt3A_434 : i1
          %and3A_436 = arith.andi %ne3A_435, %ne3A_430 : i1
          %add3A_437 = arith.addi %rem3A_428, %select_n3A_427 : i32
          %select_n3A_438 = arith.select %and3A_436, %add3A_437, %rem3A_428 : i32
          %jit3A_439 = arith.constant 8 : i32
          %eq3A_440 = arith.constant 0 : i32
          %eq3A_441 = arith.cmpi eq, %jit3A_439, %eq3A_440 : i32
          %jit3A_442 = arith.constant 1 : i32
          %select_n3A_443 = arith.select %eq3A_441, %jit3A_442, %jit3A_439 : i32
          %rem3A_444 = arith.remsi %add3A_382, %select_n3A_443 : i32
          %ne3A_445 = arith.constant 0 : i32
          %ne3A_446 = arith.cmpi ne, %rem3A_444, %ne3A_445 : i32
          %lt3A_447 = arith.constant 0 : i32
          %lt3A_448 = arith.cmpi slt, %rem3A_444, %lt3A_447 : i32
          %lt3A_449 = arith.constant 0 : i32
          %lt3A_450 = arith.cmpi slt, %select_n3A_443, %lt3A_449 : i32
          %ne3A_451 = arith.xori %lt3A_448, %lt3A_450 : i1
          %and3A_452 = arith.andi %ne3A_451, %ne3A_446 : i1
          %add3A_453 = arith.addi %rem3A_444, %select_n3A_443 : i32
          %select_n3A_454 = arith.select %and3A_452, %add3A_453, %rem3A_444 : i32
          %dma_start3A_455 = arith.constant 0 : i32
          %dma_start3A_456 = arith.constant 0 : i32
          %dma_start3A_457 = tpu.memref_slice %arg9[%select_n3A_398, %dma_start3A_455, %dma_start3A_456] : memref<3x120x128xf32, #tpu.memory_space<vmem>> -> memref<1x120x128xf32, #tpu.memory_space<vmem>>
          %dma_start3A_458 = tpu.memref_squeeze %dma_start3A_457 : memref<1x120x128xf32, #tpu.memory_space<vmem>> -> memref<120x128xf32, #tpu.memory_space<vmem>>
          %dma_start3A_459 = arith.constant 0 : i32
          %dma_start3A_460 = tpu.memref_slice %arg7[%select_n3A_438, %select_n3A_454, %dma_start3A_459] : memref<2x8x120xi32, #tpu.memory_space<vmem>> -> memref<1x1x120xi32, #tpu.memory_space<vmem>>
          %dma_start3A_461 = tpu.memref_squeeze %dma_start3A_460 : memref<1x1x120xi32, #tpu.memory_space<vmem>> -> memref<120xi32, #tpu.memory_space<vmem>>
          %dma_start3A_462 = arith.constant 0 : i32
          %dma_start3A_463 = arith.constant 0 : i32
          %dma_start3A_464 = tpu.memref_slice %arg2[%dma_start3A_462, %dma_start3A_463] : memref<10000x128xf32, #tpu.memory_space<hbm>> -> memref<10000x128xf32, #tpu.memory_space<hbm>>
          %dma_start3A_465 = tpu.memref_slice %arg11[%select_n3A_398] : memref<3x!tpu.dma_semaphore, #tpu.memory_space<semaphore_mem>> -> memref<1x!tpu.dma_semaphore, #tpu.memory_space<semaphore_mem>>
          %dma_start3A_466 = tpu.memref_squeeze %dma_start3A_465 : memref<1x!tpu.dma_semaphore, #tpu.memory_space<semaphore_mem>> -> memref<!tpu.dma_semaphore, #tpu.memory_space<semaphore_mem>>
          tpu.enqueue_indirect_dma source(%dma_start3A_464 : memref<10000x128xf32, #tpu.memory_space<hbm>>) target(%dma_start3A_458 : memref<120x128xf32, #tpu.memory_space<vmem>>) offsets(%dma_start3A_461 : memref<120xi32, #tpu.memory_space<vmem>>) semaphore(%dma_start3A_466 : memref<!tpu.dma_semaphore, #tpu.memory_space<semaphore_mem>>)
        } else {
        }
      }
      %scan3A_182 = arith.constant 8 : i32
    }
    %scan3A_151 = arith.constant 11 : i32
    %dma_wait3A_152 = arith.constant 0 : i32
    %dma_wait3A_153 = arith.constant 0 : i32
    %dma_wait3A_154 = arith.constant 7 : i32
    %dma_wait3A_155 = arith.constant 0 : i32
    %dma_wait3A_156 = arith.constant 0 : i32
    %dma_wait3A_157 = arith.constant 0 : i32
    %dma_wait3A_158 = tpu.memref_slice %arg9[%dma_wait3A_152, %dma_wait3A_156, %dma_wait3A_157] : memref<3x120x128xf32, #tpu.memory_space<vmem>> -> memref<1x120x128xf32, #tpu.memory_space<vmem>>
    %dma_wait3A_159 = tpu.memref_squeeze %dma_wait3A_158 : memref<1x120x128xf32, #tpu.memory_space<vmem>> -> memref<120x128xf32, #tpu.memory_space<vmem>>
    %dma_wait3A_160 = arith.constant 0 : i32
    %dma_wait3A_161 = tpu.memref_slice %arg8[%dma_wait3A_153, %dma_wait3A_154, %dma_wait3A_160] : memref<2x8x120xi32, #tpu.memory_space<vmem>> -> memref<1x1x120xi32, #tpu.memory_space<vmem>>
    %dma_wait3A_162 = tpu.memref_squeeze %dma_wait3A_161 : memref<1x1x120xi32, #tpu.memory_space<vmem>> -> memref<120xi32, #tpu.memory_space<vmem>>
    %dma_wait3A_163 = arith.constant 0 : i32
    %dma_wait3A_164 = arith.constant 0 : i32
    %dma_wait3A_165 = tpu.memref_slice %arg10[%dma_wait3A_163, %dma_wait3A_164] : memref<10112x128xf32, #tpu.memory_space<vmem_shared>> -> memref<10112x128xf32, #tpu.memory_space<vmem_shared>>
    %dma_wait3A_166 = tpu.memref_slice %arg12[%dma_wait3A_155] : memref<3x!tpu.dma_semaphore, #tpu.memory_space<semaphore_mem>> -> memref<1x!tpu.dma_semaphore, #tpu.memory_space<semaphore_mem>>
    %dma_wait3A_167 = tpu.memref_squeeze %dma_wait3A_166 : memref<1x!tpu.dma_semaphore, #tpu.memory_space<semaphore_mem>> -> memref<!tpu.dma_semaphore, #tpu.memory_space<semaphore_mem>>
    tpu.wait_indirect_dma semaphore(%dma_wait3A_167 : memref<!tpu.dma_semaphore, #tpu.memory_space<semaphore_mem>>) src(%dma_wait3A_159 : memref<120x128xf32, #tpu.memory_space<vmem>>) dst(%dma_wait3A_165 : memref<10112x128xf32, #tpu.memory_space<vmem_shared>>)
    %barrier3A_168 = arith.constant 0 : index
    tpu.barrier barrier_id(%barrier3A_168)
    %mul3A_169 = arith.constant 632 : i32
    %mul3A_170 = arith.muli %arg1, %mul3A_169 : i32
    %mul3A_171 = arith.constant 632 : i32
    %mul3A_172 = arith.muli %arg1, %mul3A_171 : i32
    "tpu.region"() ({
      %run_scoped3A = tpu.sem_alloc : memref<!tpu.dma_semaphore, #tpu.memory_space<semaphore_mem>>
      %dma_start3A_173 = arith.constant 0 : i32
      %dma_start3A_174 = tpu.memref_slice %arg6[%arg0, %mul3A_172, %dma_start3A_173] : memref<2x10112x128xf32, #tpu.memory_space<hbm>> -> memref<1x632x128xf32, #tpu.memory_space<hbm>>
      %dma_start3A_175 = tpu.memref_squeeze %dma_start3A_174 : memref<1x632x128xf32, #tpu.memory_space<hbm>> -> memref<632x128xf32, #tpu.memory_space<hbm>>
      %dma_start3A_176 = arith.constant 0 : i32
      %dma_start3A_177 = tpu.memref_slice %arg10[%mul3A_170, %dma_start3A_176] : memref<10112x128xf32, #tpu.memory_space<vmem_shared>> -> memref<632x128xf32, #tpu.memory_space<vmem_shared>>
      tpu.enqueue_dma source(%dma_start3A_177 : memref<632x128xf32, #tpu.memory_space<vmem_shared>>) target(%dma_start3A_175 : memref<632x128xf32, #tpu.memory_space<hbm>>) target_semaphore(%run_scoped3A : memref<!tpu.dma_semaphore, #tpu.memory_space<semaphore_mem>>)
      %dma_wait3A_178 = arith.constant 0 : i32
      %dma_wait3A_179 = tpu.memref_slice %arg6[%arg0, %mul3A_172, %dma_wait3A_178] : memref<2x10112x128xf32, #tpu.memory_space<hbm>> -> memref<1x632x128xf32, #tpu.memory_space<hbm>>
      %dma_wait3A_180 = tpu.memref_squeeze %dma_wait3A_179 : memref<1x632x128xf32, #tpu.memory_space<hbm>> -> memref<632x128xf32, #tpu.memory_space<hbm>>
      %dma_wait3A_181 = arith.constant 0 : i32
      %dma_wait3A_182 = tpu.memref_slice %arg10[%mul3A_170, %dma_wait3A_181] : memref<10112x128xf32, #tpu.memory_space<vmem_shared>> -> memref<632x128xf32, #tpu.memory_space<vmem_shared>>
      tpu.wait_dma2 semaphore(%run_scoped3A : memref<!tpu.dma_semaphore, #tpu.memory_space<semaphore_mem>>) src(%dma_wait3A_182 : memref<632x128xf32, #tpu.memory_space<vmem_shared>>) dst(%dma_wait3A_180 : memref<632x128xf32, #tpu.memory_space<hbm>>)
      tpu.yield
    }) : () -> ()
    return
  }
}

#map = affine_map<(d0, d1) -> (0, 0)>
#map1 = affine_map<(d0, d1) -> (0, 0, 0)>
module attributes {stable_mosaic.version = 14 : i64} {
  func.func @_msg_pass(%arg0: i32, %arg1: i32, %arg2: memref<10000x128xf32, #tpu.memory_space<hbm>>, %arg3: memref<32x88x120xi32, #tpu.memory_space<hbm>>, %arg4: memref<32x88x120xi32, #tpu.memory_space<hbm>>, %arg5: memref<10112x128xf32, #tpu.memory_space<hbm>>, %arg6: memref<2x10112x128xf32, #tpu.memory_space<hbm>>, %arg7: memref<2x8x120xi32, #tpu.memory_space<vmem>>, %arg8: memref<2x8x120xi32, #tpu.memory_space<vmem>>, %arg9: memref<3x120x128xf32, #tpu.memory_space<vmem>>, %arg10: memref<10112x128xf32, #tpu.memory_space<vmem_shared>>, %arg11: memref<3x!tpu.dma_semaphore, #tpu.memory_space<semaphore_mem>>, %arg12: memref<3x!tpu.dma_semaphore, #tpu.memory_space<semaphore_mem>>, %arg13: memref<2x!tpu.dma_semaphore, #tpu.memory_space<semaphore_mem>>, %arg14: memref<2x!tpu.dma_semaphore, #tpu.memory_space<semaphore_mem>>) attributes {dimension_semantics = [#tpu.dimension_semantics<core_parallel>, #tpu.dimension_semantics<subcore_parallel>], iteration_bounds = array<i64: 2, 16>, scalar_prefetch = 0 : i64, scratch_operands = 8 : i64, tpu.core_type = #tpu.core_type<sc_vector_subcore>, window_params = [{transform_indices = #map}, {transform_indices = #map1}, {transform_indices = #map1}, {transform_indices = #map}, {transform_indices = #map1}]} {
    %mul3A = arith.constant 16 : i32
    %mul3A_0 = arith.muli %arg0, %mul3A : i32
    %add3A = arith.addi %mul3A_0, %arg1 : i32
    %multiple_of3A = arith.constant 0 : i32
    %multiple_of3A_1 = tpu.assume_multiple %multiple_of3A, 8 : i32
    %dma_start3A = arith.constant 0 : i32
    %dma_start3A_2 = arith.constant 0 : i32
    %dma_start3A_3 = arith.constant 0 : i32
    %dma_start3A_4 = arith.constant 0 : i32
    %dma_start3A_5 = tpu.memref_slice %arg7[%dma_start3A, %dma_start3A_3, %dma_start3A_4] : memref<2x8x120xi32, #tpu.memory_space<vmem>> -> memref<1x8x120xi32, #tpu.memory_space<vmem>>
    %dma_start3A_6 = tpu.memref_squeeze %dma_start3A_5 : memref<1x8x120xi32, #tpu.memory_space<vmem>> -> memref<8x120xi32, #tpu.memory_space<vmem>>
    %dma_start3A_7 = arith.constant 0 : i32
    %dma_start3A_8 = tpu.memref_slice %arg3[%add3A, %multiple_of3A_1, %dma_start3A_7] : memref<32x88x120xi32, #tpu.memory_space<hbm>> -> memref<1x8x120xi32, #tpu.memory_space<hbm>>
    %dma_start3A_9 = tpu.memref_squeeze %dma_start3A_8 : memref<1x8x120xi32, #tpu.memory_space<hbm>> -> memref<8x120xi32, #tpu.memory_space<hbm>>
    %dma_start3A_10 = tpu.memref_slice %arg13[%dma_start3A_2] : memref<2x!tpu.dma_semaphore, #tpu.memory_space<semaphore_mem>> -> memref<1x!tpu.dma_semaphore, #tpu.memory_space<semaphore_mem>>
    %dma_start3A_11 = tpu.memref_squeeze %dma_start3A_10 : memref<1x!tpu.dma_semaphore, #tpu.memory_space<semaphore_mem>> -> memref<!tpu.dma_semaphore, #tpu.memory_space<semaphore_mem>>
    %dma_start3A_12 = arith.constant 0 : i32
    %dma_start3A_13 = arith.constant 0 : i32
    %dma_start3A_14 = tpu.memref_slice %arg7[%dma_start3A, %dma_start3A_12, %dma_start3A_13] : memref<2x8x120xi32, #tpu.memory_space<vmem>> -> memref<1x8x120xi32, #tpu.memory_space<vmem>>
    %dma_start3A_15 = tpu.memref_squeeze %dma_start3A_14 : memref<1x8x120xi32, #tpu.memory_space<vmem>> -> memref<8x120xi32, #tpu.memory_space<vmem>>
    %dma_start3A_16 = arith.constant 0 : i32
    %dma_start3A_17 = tpu.memref_slice %arg3[%add3A, %multiple_of3A_1, %dma_start3A_16] : memref<32x88x120xi32, #tpu.memory_space<hbm>> -> memref<1x8x120xi32, #tpu.memory_space<hbm>>
    %dma_start3A_18 = tpu.memref_squeeze %dma_start3A_17 : memref<1x8x120xi32, #tpu.memory_space<hbm>> -> memref<8x120xi32, #tpu.memory_space<hbm>>
    tpu.enqueue_dma source(%dma_start3A_18 : memref<8x120xi32, #tpu.memory_space<hbm>>) target(%dma_start3A_15 : memref<8x120xi32, #tpu.memory_space<vmem>>) target_semaphore(%dma_start3A_11 : memref<!tpu.dma_semaphore, #tpu.memory_space<semaphore_mem>>)
    %dma_start3A_19 = arith.constant 0 : i32
    %dma_start3A_20 = arith.constant 0 : i32
    %dma_start3A_21 = arith.constant 0 : i32
    %dma_start3A_22 = arith.constant 0 : i32
    %dma_start3A_23 = tpu.memref_slice %arg8[%dma_start3A_19, %dma_start3A_21, %dma_start3A_22] : memref<2x8x120xi32, #tpu.memory_space<vmem>> -> memref<1x8x120xi32, #tpu.memory_space<vmem>>
    %dma_start3A_24 = tpu.memref_squeeze %dma_start3A_23 : memref<1x8x120xi32, #tpu.memory_space<vmem>> -> memref<8x120xi32, #tpu.memory_space<vmem>>
    %dma_start3A_25 = arith.constant 0 : i32
    %dma_start3A_26 = tpu.memref_slice %arg4[%add3A, %multiple_of3A_1, %dma_start3A_25] : memref<32x88x120xi32, #tpu.memory_space<hbm>> -> memref<1x8x120xi32, #tpu.memory_space<hbm>>
    %dma_start3A_27 = tpu.memref_squeeze %dma_start3A_26 : memref<1x8x120xi32, #tpu.memory_space<hbm>> -> memref<8x120xi32, #tpu.memory_space<hbm>>
    %dma_start3A_28 = tpu.memref_slice %arg14[%dma_start3A_20] : memref<2x!tpu.dma_semaphore, #tpu.memory_space<semaphore_mem>> -> memref<1x!tpu.dma_semaphore, #tpu.memory_space<semaphore_mem>>
    %dma_start3A_29 = tpu.memref_squeeze %dma_start3A_28 : memref<1x!tpu.dma_semaphore, #tpu.memory_space<semaphore_mem>> -> memref<!tpu.dma_semaphore, #tpu.memory_space<semaphore_mem>>
    %dma_start3A_30 = arith.constant 0 : i32
    %dma_start3A_31 = arith.constant 0 : i32
    %dma_start3A_32 = tpu.memref_slice %arg8[%dma_start3A_19, %dma_start3A_30, %dma_start3A_31] : memref<2x8x120xi32, #tpu.memory_space<vmem>> -> memref<1x8x120xi32, #tpu.memory_space<vmem>>
    %dma_start3A_33 = tpu.memref_squeeze %dma_start3A_32 : memref<1x8x120xi32, #tpu.memory_space<vmem>> -> memref<8x120xi32, #tpu.memory_space<vmem>>
    %dma_start3A_34 = arith.constant 0 : i32
    %dma_start3A_35 = tpu.memref_slice %arg4[%add3A, %multiple_of3A_1, %dma_start3A_34] : memref<32x88x120xi32, #tpu.memory_space<hbm>> -> memref<1x8x120xi32, #tpu.memory_space<hbm>>
    %dma_start3A_36 = tpu.memref_squeeze %dma_start3A_35 : memref<1x8x120xi32, #tpu.memory_space<hbm>> -> memref<8x120xi32, #tpu.memory_space<hbm>>
    tpu.enqueue_dma source(%dma_start3A_36 : memref<8x120xi32, #tpu.memory_space<hbm>>) target(%dma_start3A_33 : memref<8x120xi32, #tpu.memory_space<vmem>>) target_semaphore(%dma_start3A_29 : memref<!tpu.dma_semaphore, #tpu.memory_space<semaphore_mem>>)
    %multiple_of3A_37 = arith.constant 8 : i32
    %multiple_of3A_38 = tpu.assume_multiple %multiple_of3A_37, 8 : i32
    %dma_start3A_39 = arith.constant 1 : i32
    %dma_start3A_40 = arith.constant 1 : i32
    %dma_start3A_41 = arith.constant 0 : i32
    %dma_start3A_42 = arith.constant 0 : i32
    %dma_start3A_43 = tpu.memref_slice %arg7[%dma_start3A_39, %dma_start3A_41, %dma_start3A_42] : memref<2x8x120xi32, #tpu.memory_space<vmem>> -> memref<1x8x120xi32, #tpu.memory_space<vmem>>
    %dma_start3A_44 = tpu.memref_squeeze %dma_start3A_43 : memref<1x8x120xi32, #tpu.memory_space<vmem>> -> memref<8x120xi32, #tpu.memory_space<vmem>>
    %dma_start3A_45 = arith.constant 0 : i32
    %dma_start3A_46 = tpu.memref_slice %arg3[%add3A, %multiple_of3A_38, %dma_start3A_45] : memref<32x88x120xi32, #tpu.memory_space<hbm>> -> memref<1x8x120xi32, #tpu.memory_space<hbm>>
    %dma_start3A_47 = tpu.memref_squeeze %dma_start3A_46 : memref<1x8x120xi32, #tpu.memory_space<hbm>> -> memref<8x120xi32, #tpu.memory_space<hbm>>
    %dma_start3A_48 = tpu.memref_slice %arg13[%dma_start3A_40] : memref<2x!tpu.dma_semaphore, #tpu.memory_space<semaphore_mem>> -> memref<1x!tpu.dma_semaphore, #tpu.memory_space<semaphore_mem>>
    %dma_start3A_49 = tpu.memref_squeeze %dma_start3A_48 : memref<1x!tpu.dma_semaphore, #tpu.memory_space<semaphore_mem>> -> memref<!tpu.dma_semaphore, #tpu.memory_space<semaphore_mem>>
    %dma_start3A_50 = arith.constant 0 : i32
    %dma_start3A_51 = arith.constant 0 : i32
    %dma_start3A_52 = tpu.memref_slice %arg7[%dma_start3A_39, %dma_start3A_50, %dma_start3A_51] : memref<2x8x120xi32, #tpu.memory_space<vmem>> -> memref<1x8x120xi32, #tpu.memory_space<vmem>>
    %dma_start3A_53 = tpu.memref_squeeze %dma_start3A_52 : memref<1x8x120xi32, #tpu.memory_space<vmem>> -> memref<8x120xi32, #tpu.memory_space<vmem>>
    %dma_start3A_54 = arith.constant 0 : i32
    %dma_start3A_55 = tpu.memref_slice %arg3[%add3A, %multiple_of3A_38, %dma_start3A_54] : memref<32x88x120xi32, #tpu.memory_space<hbm>> -> memref<1x8x120xi32, #tpu.memory_space<hbm>>
    %dma_start3A_56 = tpu.memref_squeeze %dma_start3A_55 : memref<1x8x120xi32, #tpu.memory_space<hbm>> -> memref<8x120xi32, #tpu.memory_space<hbm>>
    tpu.enqueue_dma source(%dma_start3A_56 : memref<8x120xi32, #tpu.memory_space<hbm>>) target(%dma_start3A_53 : memref<8x120xi32, #tpu.memory_space<vmem>>) target_semaphore(%dma_start3A_49 : memref<!tpu.dma_semaphore, #tpu.memory_space<semaphore_mem>>)
    %dma_start3A_57 = arith.constant 1 : i32
    %dma_start3A_58 = arith.constant 1 : i32
    %dma_start3A_59 = arith.constant 0 : i32
    %dma_start3A_60 = arith.constant 0 : i32
    %dma_start3A_61 = tpu.memref_slice %arg8[%dma_start3A_57, %dma_start3A_59, %dma_start3A_60] : memref<2x8x120xi32, #tpu.memory_space<vmem>> -> memref<1x8x120xi32, #tpu.memory_space<vmem>>
    %dma_start3A_62 = tpu.memref_squeeze %dma_start3A_61 : memref<1x8x120xi32, #tpu.memory_space<vmem>> -> memref<8x120xi32, #tpu.memory_space<vmem>>
    %dma_start3A_63 = arith.constant 0 : i32
    %dma_start3A_64 = tpu.memref_slice %arg4[%add3A, %multiple_of3A_38, %dma_start3A_63] : memref<32x88x120xi32, #tpu.memory_space<hbm>> -> memref<1x8x120xi32, #tpu.memory_space<hbm>>
    %dma_start3A_65 = tpu.memref_squeeze %dma_start3A_64 : memref<1x8x120xi32, #tpu.memory_space<hbm>> -> memref<8x120xi32, #tpu.memory_space<hbm>>
    %dma_start3A_66 = tpu.memref_slice %arg14[%dma_start3A_58] : memref<2x!tpu.dma_semaphore, #tpu.memory_space<semaphore_mem>> -> memref<1x!tpu.dma_semaphore, #tpu.memory_space<semaphore_mem>>
    %dma_start3A_67 = tpu.memref_squeeze %dma_start3A_66 : memref<1x!tpu.dma_semaphore, #tpu.memory_space<semaphore_mem>> -> memref<!tpu.dma_semaphore, #tpu.memory_space<semaphore_mem>>
    %dma_start3A_68 = arith.constant 0 : i32
    %dma_start3A_69 = arith.constant 0 : i32
    %dma_start3A_70 = tpu.memref_slice %arg8[%dma_start3A_57, %dma_start3A_68, %dma_start3A_69] : memref<2x8x120xi32, #tpu.memory_space<vmem>> -> memref<1x8x120xi32, #tpu.memory_space<vmem>>
    %dma_start3A_71 = tpu.memref_squeeze %dma_start3A_70 : memref<1x8x120xi32, #tpu.memory_space<vmem>> -> memref<8x120xi32, #tpu.memory_space<vmem>>
    %dma_start3A_72 = arith.constant 0 : i32
    %dma_start3A_73 = tpu.memref_slice %arg4[%add3A, %multiple_of3A_38, %dma_start3A_72] : memref<32x88x120xi32, #tpu.memory_space<hbm>> -> memref<1x8x120xi32, #tpu.memory_space<hbm>>
    %dma_start3A_74 = tpu.memref_squeeze %dma_start3A_73 : memref<1x8x120xi32, #tpu.memory_space<hbm>> -> memref<8x120xi32, #tpu.memory_space<hbm>>
    tpu.enqueue_dma source(%dma_start3A_74 : memref<8x120xi32, #tpu.memory_space<hbm>>) target(%dma_start3A_71 : memref<8x120xi32, #tpu.memory_space<vmem>>) target_semaphore(%dma_start3A_67 : memref<!tpu.dma_semaphore, #tpu.memory_space<semaphore_mem>>)
    %multiple_of3A_75 = arith.constant 0 : i32
    %multiple_of3A_76 = tpu.assume_multiple %multiple_of3A_75, 8 : i32
    %dma_wait3A = arith.constant 0 : i32
    %dma_wait3A_77 = arith.constant 0 : i32
    %dma_wait3A_78 = arith.constant 0 : i32
    %dma_wait3A_79 = arith.constant 0 : i32
    %dma_wait3A_80 = tpu.memref_slice %arg7[%dma_wait3A, %dma_wait3A_78, %dma_wait3A_79] : memref<2x8x120xi32, #tpu.memory_space<vmem>> -> memref<1x8x120xi32, #tpu.memory_space<vmem>>
    %dma_wait3A_81 = tpu.memref_squeeze %dma_wait3A_80 : memref<1x8x120xi32, #tpu.memory_space<vmem>> -> memref<8x120xi32, #tpu.memory_space<vmem>>
    %dma_wait3A_82 = arith.constant 0 : i32
    %dma_wait3A_83 = tpu.memref_slice %arg3[%add3A, %multiple_of3A_76, %dma_wait3A_82] : memref<32x88x120xi32, #tpu.memory_space<hbm>> -> memref<1x8x120xi32, #tpu.memory_space<hbm>>
    %dma_wait3A_84 = tpu.memref_squeeze %dma_wait3A_83 : memref<1x8x120xi32, #tpu.memory_space<hbm>> -> memref<8x120xi32, #tpu.memory_space<hbm>>
    %dma_wait3A_85 = tpu.memref_slice %arg13[%dma_wait3A_77] : memref<2x!tpu.dma_semaphore, #tpu.memory_space<semaphore_mem>> -> memref<1x!tpu.dma_semaphore, #tpu.memory_space<semaphore_mem>>
    %dma_wait3A_86 = tpu.memref_squeeze %dma_wait3A_85 : memref<1x!tpu.dma_semaphore, #tpu.memory_space<semaphore_mem>> -> memref<!tpu.dma_semaphore, #tpu.memory_space<semaphore_mem>>
    %dma_wait3A_87 = arith.constant 0 : i32
    %dma_wait3A_88 = arith.constant 0 : i32
    %dma_wait3A_89 = tpu.memref_slice %arg7[%dma_wait3A, %dma_wait3A_87, %dma_wait3A_88] : memref<2x8x120xi32, #tpu.memory_space<vmem>> -> memref<1x8x120xi32, #tpu.memory_space<vmem>>
    %dma_wait3A_90 = tpu.memref_squeeze %dma_wait3A_89 : memref<1x8x120xi32, #tpu.memory_space<vmem>> -> memref<8x120xi32, #tpu.memory_space<vmem>>
    %dma_wait3A_91 = arith.constant 0 : i32
    %dma_wait3A_92 = tpu.memref_slice %arg3[%add3A, %multiple_of3A_76, %dma_wait3A_91] : memref<32x88x120xi32, #tpu.memory_space<hbm>> -> memref<1x8x120xi32, #tpu.memory_space<hbm>>
    %dma_wait3A_93 = tpu.memref_squeeze %dma_wait3A_92 : memref<1x8x120xi32, #tpu.memory_space<hbm>> -> memref<8x120xi32, #tpu.memory_space<hbm>>
    tpu.wait_dma2 semaphore(%dma_wait3A_86 : memref<!tpu.dma_semaphore, #tpu.memory_space<semaphore_mem>>) src(%dma_wait3A_93 : memref<8x120xi32, #tpu.memory_space<hbm>>) dst(%dma_wait3A_90 : memref<8x120xi32, #tpu.memory_space<vmem>>)
    %dma_wait3A_94 = arith.constant 0 : i32
    %dma_wait3A_95 = arith.constant 0 : i32
    %dma_wait3A_96 = arith.constant 0 : i32
    %dma_wait3A_97 = arith.constant 0 : i32
    %dma_wait3A_98 = tpu.memref_slice %arg8[%dma_wait3A_94, %dma_wait3A_96, %dma_wait3A_97] : memref<2x8x120xi32, #tpu.memory_space<vmem>> -> memref<1x8x120xi32, #tpu.memory_space<vmem>>
    %dma_wait3A_99 = tpu.memref_squeeze %dma_wait3A_98 : memref<1x8x120xi32, #tpu.memory_space<vmem>> -> memref<8x120xi32, #tpu.memory_space<vmem>>
    %dma_wait3A_100 = arith.constant 0 : i32
    %dma_wait3A_101 = tpu.memref_slice %arg4[%add3A, %multiple_of3A_76, %dma_wait3A_100] : memref<32x88x120xi32, #tpu.memory_space<hbm>> -> memref<1x8x120xi32, #tpu.memory_space<hbm>>
    %dma_wait3A_102 = tpu.memref_squeeze %dma_wait3A_101 : memref<1x8x120xi32, #tpu.memory_space<hbm>> -> memref<8x120xi32, #tpu.memory_space<hbm>>
    %dma_wait3A_103 = tpu.memref_slice %arg14[%dma_wait3A_95] : memref<2x!tpu.dma_semaphore, #tpu.memory_space<semaphore_mem>> -> memref<1x!tpu.dma_semaphore, #tpu.memory_space<semaphore_mem>>
    %dma_wait3A_104 = tpu.memref_squeeze %dma_wait3A_103 : memref<1x!tpu.dma_semaphore, #tpu.memory_space<semaphore_mem>> -> memref<!tpu.dma_semaphore, #tpu.memory_space<semaphore_mem>>
    %dma_wait3A_105 = arith.constant 0 : i32
    %dma_wait3A_106 = arith.constant 0 : i32
    %dma_wait3A_107 = tpu.memref_slice %arg8[%dma_wait3A_94, %dma_wait3A_105, %dma_wait3A_106] : memref<2x8x120xi32, #tpu.memory_space<vmem>> -> memref<1x8x120xi32, #tpu.memory_space<vmem>>
    %dma_wait3A_108 = tpu.memref_squeeze %dma_wait3A_107 : memref<1x8x120xi32, #tpu.memory_space<vmem>> -> memref<8x120xi32, #tpu.memory_space<vmem>>
    %dma_wait3A_109 = arith.constant 0 : i32
    %dma_wait3A_110 = tpu.memref_slice %arg4[%add3A, %multiple_of3A_76, %dma_wait3A_109] : memref<32x88x120xi32, #tpu.memory_space<hbm>> -> memref<1x8x120xi32, #tpu.memory_space<hbm>>
    %dma_wait3A_111 = tpu.memref_squeeze %dma_wait3A_110 : memref<1x8x120xi32, #tpu.memory_space<hbm>> -> memref<8x120xi32, #tpu.memory_space<hbm>>
    tpu.wait_dma2 semaphore(%dma_wait3A_104 : memref<!tpu.dma_semaphore, #tpu.memory_space<semaphore_mem>>) src(%dma_wait3A_111 : memref<8x120xi32, #tpu.memory_space<hbm>>) dst(%dma_wait3A_108 : memref<8x120xi32, #tpu.memory_space<vmem>>)
    %dma_start3A_112 = arith.constant 0 : i32
    %dma_start3A_113 = arith.constant 0 : i32
    %dma_start3A_114 = arith.constant 0 : i32
    %dma_start3A_115 = arith.constant 0 : i32
    %dma_start3A_116 = arith.constant 0 : i32
    %dma_start3A_117 = arith.constant 0 : i32
    %dma_start3A_118 = tpu.memref_slice %arg9[%dma_start3A_114, %dma_start3A_116, %dma_start3A_117] : memref<3x120x128xf32, #tpu.memory_space<vmem>> -> memref<1x120x128xf32, #tpu.memory_space<vmem>>
    %dma_start3A_119 = tpu.memref_squeeze %dma_start3A_118 : memref<1x120x128xf32, #tpu.memory_space<vmem>> -> memref<120x128xf32, #tpu.memory_space<vmem>>
    %dma_start3A_120 = arith.constant 0 : i32
    %dma_start3A_121 = tpu.memref_slice %arg7[%dma_start3A_112, %dma_start3A_113, %dma_start3A_120] : memref<2x8x120xi32, #tpu.memory_space<vmem>> -> memref<1x1x120xi32, #tpu.memory_space<vmem>>
    %dma_start3A_122 = tpu.memref_squeeze %dma_start3A_121 : memref<1x1x120xi32, #tpu.memory_space<vmem>> -> memref<120xi32, #tpu.memory_space<vmem>>
    %dma_start3A_123 = arith.constant 0 : i32
    %dma_start3A_124 = arith.constant 0 : i32
    %dma_start3A_125 = tpu.memref_slice %arg2[%dma_start3A_123, %dma_start3A_124] : memref<10000x128xf32, #tpu.memory_space<hbm>> -> memref<10000x128xf32, #tpu.memory_space<hbm>>
    %dma_start3A_126 = tpu.memref_slice %arg11[%dma_start3A_115] : memref<3x!tpu.dma_semaphore, #tpu.memory_space<semaphore_mem>> -> memref<1x!tpu.dma_semaphore, #tpu.memory_space<semaphore_mem>>
    %dma_start3A_127 = tpu.memref_squeeze %dma_start3A_126 : memref<1x!tpu.dma_semaphore, #tpu.memory_space<semaphore_mem>> -> memref<!tpu.dma_semaphore, #tpu.memory_space<semaphore_mem>>
    tpu.enqueue_indirect_dma source(%dma_start3A_125 : memref<10000x128xf32, #tpu.memory_space<hbm>>) target(%dma_start3A_119 : memref<120x128xf32, #tpu.memory_space<vmem>>) offsets(%dma_start3A_122 : memref<120xi32, #tpu.memory_space<vmem>>) semaphore(%dma_start3A_127 : memref<!tpu.dma_semaphore, #tpu.memory_space<semaphore_mem>>)
    %dma_start3A_128 = arith.constant 0 : i32
    %dma_start3A_129 = arith.constant 1 : i32
    %dma_start3A_130 = arith.constant 1 : i32
    %dma_start3A_131 = arith.constant 1 : i32
    %dma_start3A_132 = arith.constant 0 : i32
    %dma_start3A_133 = arith.constant 0 : i32
    %dma_start3A_134 = tpu.memref_slice %arg9[%dma_start3A_130, %dma_start3A_132, %dma_start3A_133] : memref<3x120x128xf32, #tpu.memory_space<vmem>> -> memref<1x120x128xf32, #tpu.memory_space<vmem>>
    %dma_start3A_135 = tpu.memref_squeeze %dma_start3A_134 : memref<1x120x128xf32, #tpu.memory_space<vmem>> -> memref<120x128xf32, #tpu.memory_space<vmem>>
    %dma_start3A_136 = arith.constant 0 : i32
    %dma_start3A_137 = tpu.memref_slice %arg7[%dma_start3A_128, %dma_start3A_129, %dma_start3A_136] : memref<2x8x120xi32, #tpu.memory_space<vmem>> -> memref<1x1x120xi32, #tpu.memory_space<vmem>>
    %dma_start3A_138 = tpu.memref_squeeze %dma_start3A_137 : memref<1x1x120xi32, #tpu.memory_space<vmem>> -> memref<120xi32, #tpu.memory_space<vmem>>
    %dma_start3A_139 = arith.constant 0 : i32
    %dma_start3A_140 = arith.constant 0 : i32
    %dma_start3A_141 = tpu.memref_slice %arg2[%dma_start3A_139, %dma_start3A_140] : memref<10000x128xf32, #tpu.memory_space<hbm>> -> memref<10000x128xf32, #tpu.memory_space<hbm>>
    %dma_start3A_142 = tpu.memref_slice %arg11[%dma_start3A_131] : memref<3x!tpu.dma_semaphore, #tpu.memory_space<semaphore_mem>> -> memref<1x!tpu.dma_semaphore, #tpu.memory_space<semaphore_mem>>
    %dma_start3A_143 = tpu.memref_squeeze %dma_start3A_142 : memref<1x!tpu.dma_semaphore, #tpu.memory_space<semaphore_mem>> -> memref<!tpu.dma_semaphore, #tpu.memory_space<semaphore_mem>>
    tpu.enqueue_indirect_dma source(%dma_start3A_141 : memref<10000x128xf32, #tpu.memory_space<hbm>>) target(%dma_start3A_135 : memref<120x128xf32, #tpu.memory_space<vmem>>) offsets(%dma_start3A_138 : memref<120xi32, #tpu.memory_space<vmem>>) semaphore(%dma_start3A_143 : memref<!tpu.dma_semaphore, #tpu.memory_space<semaphore_mem>>)
    %mul3A_144 = arith.constant 632 : i32
    %mul3A_145 = arith.muli %arg1, %mul3A_144 : i32
    %mul3A_146 = arith.constant 632 : i32
    %mul3A_147 = arith.muli %arg1, %mul3A_146 : i32
    "tpu.region"() ({
      %run_scoped3A = tpu.sem_alloc : memref<!tpu.dma_semaphore, #tpu.memory_space<semaphore_mem>>
      %dma_start3A_173 = arith.constant 0 : i32
      %dma_start3A_174 = tpu.memref_slice %arg10[%mul3A_147, %dma_start3A_173] : memref<10112x128xf32, #tpu.memory_space<vmem_shared>> -> memref<632x128xf32, #tpu.memory_space<vmem_shared>>
      %dma_start3A_175 = arith.constant 0 : i32
      %dma_start3A_176 = tpu.memref_slice %arg5[%mul3A_145, %dma_start3A_175] : memref<10112x128xf32, #tpu.memory_space<hbm>> -> memref<632x128xf32, #tpu.memory_space<hbm>>
      tpu.enqueue_dma source(%dma_start3A_176 : memref<632x128xf32, #tpu.memory_space<hbm>>) target(%dma_start3A_174 : memref<632x128xf32, #tpu.memory_space<vmem_shared>>) target_semaphore(%run_scoped3A : memref<!tpu.dma_semaphore, #tpu.memory_space<semaphore_mem>>)
      %dma_wait3A_177 = arith.constant 0 : i32
      %dma_wait3A_178 = tpu.memref_slice %arg10[%mul3A_147, %dma_wait3A_177] : memref<10112x128xf32, #tpu.memory_space<vmem_shared>> -> memref<632x128xf32, #tpu.memory_space<vmem_shared>>
      %dma_wait3A_179 = arith.constant 0 : i32
      %dma_wait3A_180 = tpu.memref_slice %arg5[%mul3A_145, %dma_wait3A_179] : memref<10112x128xf32, #tpu.memory_space<hbm>> -> memref<632x128xf32, #tpu.memory_space<hbm>>
      tpu.wait_dma2 semaphore(%run_scoped3A : memref<!tpu.dma_semaphore, #tpu.memory_space<semaphore_mem>>) src(%dma_wait3A_180 : memref<632x128xf32, #tpu.memory_space<hbm>>) dst(%dma_wait3A_178 : memref<632x128xf32, #tpu.memory_space<vmem_shared>>)
      tpu.yield
    }) : () -> ()
    %barrier3A = arith.constant 0 : index
    tpu.barrier barrier_id(%barrier3A)
    %scan3A = arith.constant 0 : i32
    %scan3A_148 = arith.constant 11 : i32
    %scan3A_149 = arith.addi %scan3A, %scan3A_148 : i32
    %scan3A_150 = arith.constant 1 : i32
    scf.for %scan3A_173 = %scan3A to %scan3A_149 step %scan3A_150  : i32 {
      %mul3A_174 = arith.constant 1 : i32
      %mul3A_175 = arith.muli %scan3A_173, %mul3A_174 : i32
      %add3A_176 = arith.constant 0 : i32
      %add3A_177 = arith.addi %add3A_176, %mul3A_175 : i32
      %scan3A_178 = arith.constant 0 : i32
      %scan3A_179 = arith.constant 8 : i32
      %scan3A_180 = arith.addi %scan3A_178, %scan3A_179 : i32
      %scan3A_181 = arith.constant 1 : i32
      scf.for %scan3A_183 = %scan3A_178 to %scan3A_180 step %scan3A_181  : i32 {
        %mul3A_184 = arith.constant 1 : i32
        %mul3A_185 = arith.muli %scan3A_183, %mul3A_184 : i32
        %add3A_186 = arith.constant 0 : i32
        %add3A_187 = arith.addi %add3A_186, %mul3A_185 : i32
        %mul3A_188 = arith.constant 8 : i32
        %mul3A_189 = arith.muli %add3A_177, %mul3A_188 : i32
        %add3A_190 = arith.addi %mul3A_189, %add3A_187 : i32
        %eq3A = arith.constant 1 : i32
        %eq3A_191 = arith.cmpi eq, %add3A_187, %eq3A : i32
        %ge3A = arith.constant 1 : i32
        %ge3A_192 = arith.cmpi sge, %add3A_177, %ge3A : i32
        %add3A_193 = arith.constant 1 : i32
        %add3A_194 = arith.addi %add3A_177, %add3A_193 : i32
        %lt3A = arith.constant 11 : i32
        %lt3A_195 = arith.cmpi slt, %add3A_194, %lt3A : i32
        %and3A = arith.andi %ge3A_192, %lt3A_195 : i1
        %and3A_196 = arith.andi %eq3A_191, %and3A : i1
        %convert_element_type3A = arith.extui %and3A_196 : i1 to i32
        %cond3A = arith.constant 0 : i32
        %cond3A_197 = arith.cmpi ne, %convert_element_type3A, %cond3A : i32
        scf.if %cond3A_197 {
          %add3A_381 = arith.constant 1 : i32
          %add3A_382 = arith.addi %add3A_177, %add3A_381 : i32
          %jit3A_383 = arith.constant 2 : i32
          %eq3A_384 = arith.constant 0 : i32
          %eq3A_385 = arith.cmpi eq, %jit3A_383, %eq3A_384 : i32
          %jit3A_386 = arith.constant 1 : i32
          %select_n3A_387 = arith.select %eq3A_385, %jit3A_386, %jit3A_383 : i32
          %rem3A_388 = arith.remsi %add3A_382, %select_n3A_387 : i32
          %ne3A_389 = arith.constant 0 : i32
          %ne3A_390 = arith.cmpi ne, %rem3A_388, %ne3A_389 : i32
          %lt3A_391 = arith.constant 0 : i32
          %lt3A_392 = arith.cmpi slt, %rem3A_388, %lt3A_391 : i32
          %lt3A_393 = arith.constant 0 : i32
          %lt3A_394 = arith.cmpi slt, %select_n3A_387, %lt3A_393 : i32
          %ne3A_395 = arith.xori %lt3A_392, %lt3A_394 : i1
          %and3A_396 = arith.andi %ne3A_395, %ne3A_390 : i1
          %add3A_397 = arith.addi %rem3A_388, %select_n3A_387 : i32
          %select_n3A_398 = arith.select %and3A_396, %add3A_397, %rem3A_388 : i32
          %mul3A_399 = arith.constant 8 : i32
          %mul3A_400 = arith.muli %add3A_382, %mul3A_399 : i32
          %multiple_of3A_401 = tpu.assume_multiple %mul3A_400, 8 : i32
          %dma_start3A_402 = arith.constant 0 : i32
          %dma_start3A_403 = arith.constant 0 : i32
          %dma_start3A_404 = tpu.memref_slice %arg7[%select_n3A_398, %dma_start3A_402, %dma_start3A_403] : memref<2x8x120xi32, #tpu.memory_space<vmem>> -> memref<1x8x120xi32, #tpu.memory_space<vmem>>
          %dma_start3A_405 = tpu.memref_squeeze %dma_start3A_404 : memref<1x8x120xi32, #tpu.memory_space<vmem>> -> memref<8x120xi32, #tpu.memory_space<vmem>>
          %dma_start3A_406 = arith.constant 0 : i32
          %dma_start3A_407 = tpu.memref_slice %arg3[%add3A, %multiple_of3A_401, %dma_start3A_406] : memref<32x88x120xi32, #tpu.memory_space<hbm>> -> memref<1x8x120xi32, #tpu.memory_space<hbm>>
          %dma_start3A_408 = tpu.memref_squeeze %dma_start3A_407 : memref<1x8x120xi32, #tpu.memory_space<hbm>> -> memref<8x120xi32, #tpu.memory_space<hbm>>
          %dma_start3A_409 = tpu.memref_slice %arg13[%select_n3A_398] : memref<2x!tpu.dma_semaphore, #tpu.memory_space<semaphore_mem>> -> memref<1x!tpu.dma_semaphore, #tpu.memory_space<semaphore_mem>>
          %dma_start3A_410 = tpu.memref_squeeze %dma_start3A_409 : memref<1x!tpu.dma_semaphore, #tpu.memory_space<semaphore_mem>> -> memref<!tpu.dma_semaphore, #tpu.memory_space<semaphore_mem>>
          %dma_start3A_411 = arith.constant 0 : i32
          %dma_start3A_412 = arith.constant 0 : i32
          %dma_start3A_413 = tpu.memref_slice %arg7[%select_n3A_398, %dma_start3A_411, %dma_start3A_412] : memref<2x8x120xi32, #tpu.memory_space<vmem>> -> memref<1x8x120xi32, #tpu.memory_space<vmem>>
          %dma_start3A_414 = tpu.memref_squeeze %dma_start3A_413 : memref<1x8x120xi32, #tpu.memory_space<vmem>> -> memref<8x120xi32, #tpu.memory_space<vmem>>
          %dma_start3A_415 = arith.constant 0 : i32
          %dma_start3A_416 = tpu.memref_slice %arg3[%add3A, %multiple_of3A_401, %dma_start3A_415] : memref<32x88x120xi32, #tpu.memory_space<hbm>> -> memref<1x8x120xi32, #tpu.memory_space<hbm>>
          %dma_start3A_417 = tpu.memref_squeeze %dma_start3A_416 : memref<1x8x120xi32, #tpu.memory_space<hbm>> -> memref<8x120xi32, #tpu.memory_space<hbm>>
          tpu.enqueue_dma source(%dma_start3A_417 : memref<8x120xi32, #tpu.memory_space<hbm>>) target(%dma_start3A_414 : memref<8x120xi32, #tpu.memory_space<vmem>>) target_semaphore(%dma_start3A_410 : memref<!tpu.dma_semaphore, #tpu.memory_space<semaphore_mem>>)
          %dma_start3A_418 = arith.constant 0 : i32
          %dma_start3A_419 = arith.constant 0 : i32
          %dma_start3A_420 = tpu.memref_slice %arg8[%select_n3A_398, %dma_start3A_418, %dma_start3A_419] : memref<2x8x120xi32, #tpu.memory_space<vmem>> -> memref<1x8x120xi32, #tpu.memory_space<vmem>>
          %dma_start3A_421 = tpu.memref_squeeze %dma_start3A_420 : memref<1x8x120xi32, #tpu.memory_space<vmem>> -> memref<8x120xi32, #tpu.memory_space<vmem>>
          %dma_start3A_422 = arith.constant 0 : i32
          %dma_start3A_423 = tpu.memref_slice %arg4[%add3A, %multiple_of3A_401, %dma_start3A_422] : memref<32x88x120xi32, #tpu.memory_space<hbm>> -> memref<1x8x120xi32, #tpu.memory_space<hbm>>
          %dma_start3A_424 = tpu.memref_squeeze %dma_start3A_423 : memref<1x8x120xi32, #tpu.memory_space<hbm>> -> memref<8x120xi32, #tpu.memory_space<hbm>>
          %dma_start3A_425 = tpu.memref_slice %arg14[%select_n3A_398] : memref<2x!tpu.dma_semaphore, #tpu.memory_space<semaphore_mem>> -> memref<1x!tpu.dma_semaphore, #tpu.memory_space<semaphore_mem>>
          %dma_start3A_426 = tpu.memref_squeeze %dma_start3A_425 : memref<1x!tpu.dma_semaphore, #tpu.memory_space<semaphore_mem>> -> memref<!tpu.dma_semaphore, #tpu.memory_space<semaphore_mem>>
          %dma_start3A_427 = arith.constant 0 : i32
          %dma_start3A_428 = arith.constant 0 : i32
          %dma_start3A_429 = tpu.memref_slice %arg8[%select_n3A_398, %dma_start3A_427, %dma_start3A_428] : memref<2x8x120xi32, #tpu.memory_space<vmem>> -> memref<1x8x120xi32, #tpu.memory_space<vmem>>
          %dma_start3A_430 = tpu.memref_squeeze %dma_start3A_429 : memref<1x8x120xi32, #tpu.memory_space<vmem>> -> memref<8x120xi32, #tpu.memory_space<vmem>>
          %dma_start3A_431 = arith.constant 0 : i32
          %dma_start3A_432 = tpu.memref_slice %arg4[%add3A, %multiple_of3A_401, %dma_start3A_431] : memref<32x88x120xi32, #tpu.memory_space<hbm>> -> memref<1x8x120xi32, #tpu.memory_space<hbm>>
          %dma_start3A_433 = tpu.memref_squeeze %dma_start3A_432 : memref<1x8x120xi32, #tpu.memory_space<hbm>> -> memref<8x120xi32, #tpu.memory_space<hbm>>
          tpu.enqueue_dma source(%dma_start3A_433 : memref<8x120xi32, #tpu.memory_space<hbm>>) target(%dma_start3A_430 : memref<8x120xi32, #tpu.memory_space<vmem>>) target_semaphore(%dma_start3A_426 : memref<!tpu.dma_semaphore, #tpu.memory_space<semaphore_mem>>)
        } else {
        }
        %eq3A_198 = arith.constant 6 : i32
        %eq3A_199 = arith.cmpi eq, %add3A_187, %eq3A_198 : i32
        %add3A_200 = arith.constant 1 : i32
        %add3A_201 = arith.addi %add3A_177, %add3A_200 : i32
        %lt3A_202 = arith.constant 11 : i32
        %lt3A_203 = arith.cmpi slt, %add3A_201, %lt3A_202 : i32
        %and3A_204 = arith.andi %eq3A_199, %lt3A_203 : i1
        %convert_element_type3A_205 = arith.extui %and3A_204 : i1 to i32
        %cond3A_206 = arith.constant 0 : i32
        %cond3A_207 = arith.cmpi ne, %convert_element_type3A_205, %cond3A_206 : i32
        scf.if %cond3A_207 {
          %add3A_381 = arith.constant 1 : i32
          %add3A_382 = arith.addi %add3A_177, %add3A_381 : i32
          %jit3A_383 = arith.constant 2 : i32
          %eq3A_384 = arith.constant 0 : i32
          %eq3A_385 = arith.cmpi eq, %jit3A_383, %eq3A_384 : i32
          %jit3A_386 = arith.constant 1 : i32
          %select_n3A_387 = arith.select %eq3A_385, %jit3A_386, %jit3A_383 : i32
          %rem3A_388 = arith.remsi %add3A_382, %select_n3A_387 : i32
          %ne3A_389 = arith.constant 0 : i32
          %ne3A_390 = arith.cmpi ne, %rem3A_388, %ne3A_389 : i32
          %lt3A_391 = arith.constant 0 : i32
          %lt3A_392 = arith.cmpi slt, %rem3A_388, %lt3A_391 : i32
          %lt3A_393 = arith.constant 0 : i32
          %lt3A_394 = arith.cmpi slt, %select_n3A_387, %lt3A_393 : i32
          %ne3A_395 = arith.xori %lt3A_392, %lt3A_394 : i1
          %and3A_396 = arith.andi %ne3A_395, %ne3A_390 : i1
          %add3A_397 = arith.addi %rem3A_388, %select_n3A_387 : i32
          %select_n3A_398 = arith.select %and3A_396, %add3A_397, %rem3A_388 : i32
          %mul3A_399 = arith.constant 8 : i32
          %mul3A_400 = arith.muli %add3A_382, %mul3A_399 : i32
          %multiple_of3A_401 = tpu.assume_multiple %mul3A_400, 8 : i32
          %dma_wait3A_402 = arith.constant 0 : i32
          %dma_wait3A_403 = arith.constant 0 : i32
          %dma_wait3A_404 = tpu.memref_slice %arg7[%select_n3A_398, %dma_wait3A_402, %dma_wait3A_403] : memref<2x8x120xi32, #tpu.memory_space<vmem>> -> memref<1x8x120xi32, #tpu.memory_space<vmem>>
          %dma_wait3A_405 = tpu.memref_squeeze %dma_wait3A_404 : memref<1x8x120xi32, #tpu.memory_space<vmem>> -> memref<8x120xi32, #tpu.memory_space<vmem>>
          %dma_wait3A_406 = arith.constant 0 : i32
          %dma_wait3A_407 = tpu.memref_slice %arg3[%add3A, %multiple_of3A_401, %dma_wait3A_406] : memref<32x88x120xi32, #tpu.memory_space<hbm>> -> memref<1x8x120xi32, #tpu.memory_space<hbm>>
          %dma_wait3A_408 = tpu.memref_squeeze %dma_wait3A_407 : memref<1x8x120xi32, #tpu.memory_space<hbm>> -> memref<8x120xi32, #tpu.memory_space<hbm>>
          %dma_wait3A_409 = tpu.memref_slice %arg13[%select_n3A_398] : memref<2x!tpu.dma_semaphore, #tpu.memory_space<semaphore_mem>> -> memref<1x!tpu.dma_semaphore, #tpu.memory_space<semaphore_mem>>
          %dma_wait3A_410 = tpu.memref_squeeze %dma_wait3A_409 : memref<1x!tpu.dma_semaphore, #tpu.memory_space<semaphore_mem>> -> memref<!tpu.dma_semaphore, #tpu.memory_space<semaphore_mem>>
          %dma_wait3A_411 = arith.constant 0 : i32
          %dma_wait3A_412 = arith.constant 0 : i32
          %dma_wait3A_413 = tpu.memref_slice %arg7[%select_n3A_398, %dma_wait3A_411, %dma_wait3A_412] : memref<2x8x120xi32, #tpu.memory_space<vmem>> -> memref<1x8x120xi32, #tpu.memory_space<vmem>>
          %dma_wait3A_414 = tpu.memref_squeeze %dma_wait3A_413 : memref<1x8x120xi32, #tpu.memory_space<vmem>> -> memref<8x120xi32, #tpu.memory_space<vmem>>
          %dma_wait3A_415 = arith.constant 0 : i32
          %dma_wait3A_416 = tpu.memref_slice %arg3[%add3A, %multiple_of3A_401, %dma_wait3A_415] : memref<32x88x120xi32, #tpu.memory_space<hbm>> -> memref<1x8x120xi32, #tpu.memory_space<hbm>>
          %dma_wait3A_417 = tpu.memref_squeeze %dma_wait3A_416 : memref<1x8x120xi32, #tpu.memory_space<hbm>> -> memref<8x120xi32, #tpu.memory_space<hbm>>
          tpu.wait_dma2 semaphore(%dma_wait3A_410 : memref<!tpu.dma_semaphore, #tpu.memory_space<semaphore_mem>>) src(%dma_wait3A_417 : memref<8x120xi32, #tpu.memory_space<hbm>>) dst(%dma_wait3A_414 : memref<8x120xi32, #tpu.memory_space<vmem>>)
          %dma_wait3A_418 = arith.constant 0 : i32
          %dma_wait3A_419 = arith.constant 0 : i32
          %dma_wait3A_420 = tpu.memref_slice %arg8[%select_n3A_398, %dma_wait3A_418, %dma_wait3A_419] : memref<2x8x120xi32, #tpu.memory_space<vmem>> -> memref<1x8x120xi32, #tpu.memory_space<vmem>>
          %dma_wait3A_421 = tpu.memref_squeeze %dma_wait3A_420 : memref<1x8x120xi32, #tpu.memory_space<vmem>> -> memref<8x120xi32, #tpu.memory_space<vmem>>
          %dma_wait3A_422 = arith.constant 0 : i32
          %dma_wait3A_423 = tpu.memref_slice %arg4[%add3A, %multiple_of3A_401, %dma_wait3A_422] : memref<32x88x120xi32, #tpu.memory_space<hbm>> -> memref<1x8x120xi32, #tpu.memory_space<hbm>>
          %dma_wait3A_424 = tpu.memref_squeeze %dma_wait3A_423 : memref<1x8x120xi32, #tpu.memory_space<hbm>> -> memref<8x120xi32, #tpu.memory_space<hbm>>
          %dma_wait3A_425 = tpu.memref_slice %arg14[%select_n3A_398] : memref<2x!tpu.dma_semaphore, #tpu.memory_space<semaphore_mem>> -> memref<1x!tpu.dma_semaphore, #tpu.memory_space<semaphore_mem>>
          %dma_wait3A_426 = tpu.memref_squeeze %dma_wait3A_425 : memref<1x!tpu.dma_semaphore, #tpu.memory_space<semaphore_mem>> -> memref<!tpu.dma_semaphore, #tpu.memory_space<semaphore_mem>>
          %dma_wait3A_427 = arith.constant 0 : i32
          %dma_wait3A_428 = arith.constant 0 : i32
          %dma_wait3A_429 = tpu.memref_slice %arg8[%select_n3A_398, %dma_wait3A_427, %dma_wait3A_428] : memref<2x8x120xi32, #tpu.memory_space<vmem>> -> memref<1x8x120xi32, #tpu.memory_space<vmem>>
          %dma_wait3A_430 = tpu.memref_squeeze %dma_wait3A_429 : memref<1x8x120xi32, #tpu.memory_space<vmem>> -> memref<8x120xi32, #tpu.memory_space<vmem>>
          %dma_wait3A_431 = arith.constant 0 : i32
          %dma_wait3A_432 = tpu.memref_slice %arg4[%add3A, %multiple_of3A_401, %dma_wait3A_431] : memref<32x88x120xi32, #tpu.memory_space<hbm>> -> memref<1x8x120xi32, #tpu.memory_space<hbm>>
          %dma_wait3A_433 = tpu.memref_squeeze %dma_wait3A_432 : memref<1x8x120xi32, #tpu.memory_space<hbm>> -> memref<8x120xi32, #tpu.memory_space<hbm>>
          tpu.wait_dma2 semaphore(%dma_wait3A_426 : memref<!tpu.dma_semaphore, #tpu.memory_space<semaphore_mem>>) src(%dma_wait3A_433 : memref<8x120xi32, #tpu.memory_space<hbm>>) dst(%dma_wait3A_430 : memref<8x120xi32, #tpu.memory_space<vmem>>)
        } else {
        }
        %jit3A = arith.constant 3 : i32
        %eq3A_208 = arith.constant 0 : i32
        %eq3A_209 = arith.cmpi eq, %jit3A, %eq3A_208 : i32
        %jit3A_210 = arith.constant 1 : i32
        %select_n3A = arith.select %eq3A_209, %jit3A_210, %jit3A : i32
        %rem3A = arith.remsi %add3A_190, %select_n3A : i32
        %ne3A = arith.constant 0 : i32
        %ne3A_211 = arith.cmpi ne, %rem3A, %ne3A : i32
        %lt3A_212 = arith.constant 0 : i32
        %lt3A_213 = arith.cmpi slt, %rem3A, %lt3A_212 : i32
        %lt3A_214 = arith.constant 0 : i32
        %lt3A_215 = arith.cmpi slt, %select_n3A, %lt3A_214 : i32
        %ne3A_216 = arith.xori %lt3A_213, %lt3A_215 : i1
        %and3A_217 = arith.andi %ne3A_216, %ne3A_211 : i1
        %add3A_218 = arith.addi %rem3A, %select_n3A : i32
        %select_n3A_219 = arith.select %and3A_217, %add3A_218, %rem3A : i32
        %jit3A_220 = arith.constant 8 : i32
        %div3A = arith.divsi %add3A_190, %jit3A_220 : i32
        %sign3A = arith.constant 0 : i32
        %sign3A_221 = arith.cmpi sgt, %add3A_190, %sign3A : i32
        %sign3A_222 = arith.extui %sign3A_221 : i1 to i32
        %sign3A_223 = arith.constant 0 : i32
        %sign3A_224 = arith.cmpi slt, %add3A_190, %sign3A_223 : i32
        %sign3A_225 = arith.extui %sign3A_224 : i1 to i32
        %sign3A_226 = arith.subi %sign3A_222, %sign3A_225 : i32
        %sign3A_227 = arith.constant 0 : i32
        %sign3A_228 = arith.cmpi sgt, %jit3A_220, %sign3A_227 : i32
        %sign3A_229 = arith.extui %sign3A_228 : i1 to i32
        %sign3A_230 = arith.constant 0 : i32
        %sign3A_231 = arith.cmpi slt, %jit3A_220, %sign3A_230 : i32
        %sign3A_232 = arith.extui %sign3A_231 : i1 to i32
        %sign3A_233 = arith.subi %sign3A_229, %sign3A_232 : i32
        %ne3A_234 = arith.cmpi ne, %sign3A_226, %sign3A_233 : i32
        %rem3A_235 = arith.remsi %add3A_190, %jit3A_220 : i32
        %ne3A_236 = arith.constant 0 : i32
        %ne3A_237 = arith.cmpi ne, %rem3A_235, %ne3A_236 : i32
        %and3A_238 = arith.andi %ne3A_234, %ne3A_237 : i1
        %sub3A = arith.constant 1 : i32
        %sub3A_239 = arith.subi %div3A, %sub3A : i32
        %select_n3A_240 = arith.select %and3A_238, %sub3A_239, %div3A : i32
        %jit3A_241 = arith.constant 2 : i32
        %eq3A_242 = arith.constant 0 : i32
        %eq3A_243 = arith.cmpi eq, %jit3A_241, %eq3A_242 : i32
        %jit3A_244 = arith.constant 1 : i32
        %select_n3A_245 = arith.select %eq3A_243, %jit3A_244, %jit3A_241 : i32
        %rem3A_246 = arith.remsi %select_n3A_240, %select_n3A_245 : i32
        %ne3A_247 = arith.constant 0 : i32
        %ne3A_248 = arith.cmpi ne, %rem3A_246, %ne3A_247 : i32
        %lt3A_249 = arith.constant 0 : i32
        %lt3A_250 = arith.cmpi slt, %rem3A_246, %lt3A_249 : i32
        %lt3A_251 = arith.constant 0 : i32
        %lt3A_252 = arith.cmpi slt, %select_n3A_245, %lt3A_251 : i32
        %ne3A_253 = arith.xori %lt3A_250, %lt3A_252 : i1
        %and3A_254 = arith.andi %ne3A_253, %ne3A_248 : i1
        %add3A_255 = arith.addi %rem3A_246, %select_n3A_245 : i32
        %select_n3A_256 = arith.select %and3A_254, %add3A_255, %rem3A_246 : i32
        %jit3A_257 = arith.constant 8 : i32
        %eq3A_258 = arith.constant 0 : i32
        %eq3A_259 = arith.cmpi eq, %jit3A_257, %eq3A_258 : i32
        %jit3A_260 = arith.constant 1 : i32
        %select_n3A_261 = arith.select %eq3A_259, %jit3A_260, %jit3A_257 : i32
        %rem3A_262 = arith.remsi %add3A_190, %select_n3A_261 : i32
        %ne3A_263 = arith.constant 0 : i32
        %ne3A_264 = arith.cmpi ne, %rem3A_262, %ne3A_263 : i32
        %lt3A_265 = arith.constant 0 : i32
        %lt3A_266 = arith.cmpi slt, %rem3A_262, %lt3A_265 : i32
        %lt3A_267 = arith.constant 0 : i32
        %lt3A_268 = arith.cmpi slt, %select_n3A_261, %lt3A_267 : i32
        %ne3A_269 = arith.xori %lt3A_266, %lt3A_268 : i1
        %and3A_270 = arith.andi %ne3A_269, %ne3A_264 : i1
        %add3A_271 = arith.addi %rem3A_262, %select_n3A_261 : i32
        %select_n3A_272 = arith.select %and3A_270, %add3A_271, %rem3A_262 : i32
        %dma_wait3A_273 = arith.constant 0 : i32
        %dma_wait3A_274 = arith.constant 0 : i32
        %dma_wait3A_275 = tpu.memref_slice %arg9[%select_n3A_219, %dma_wait3A_273, %dma_wait3A_274] : memref<3x120x128xf32, #tpu.memory_space<vmem>> -> memref<1x120x128xf32, #tpu.memory_space<vmem>>
        %dma_wait3A_276 = tpu.memref_squeeze %dma_wait3A_275 : memref<1x120x128xf32, #tpu.memory_space<vmem>> -> memref<120x128xf32, #tpu.memory_space<vmem>>
        %dma_wait3A_277 = arith.constant 0 : i32
        %dma_wait3A_278 = tpu.memref_slice %arg7[%select_n3A_256, %select_n3A_272, %dma_wait3A_277] : memref<2x8x120xi32, #tpu.memory_space<vmem>> -> memref<1x1x120xi32, #tpu.memory_space<vmem>>
        %dma_wait3A_279 = tpu.memref_squeeze %dma_wait3A_278 : memref<1x1x120xi32, #tpu.memory_space<vmem>> -> memref<120xi32, #tpu.memory_space<vmem>>
        %dma_wait3A_280 = arith.constant 0 : i32
        %dma_wait3A_281 = arith.constant 0 : i32
        %dma_wait3A_282 = tpu.memref_slice %arg2[%dma_wait3A_280, %dma_wait3A_281] : memref<10000x128xf32, #tpu.memory_space<hbm>> -> memref<10000x128xf32, #tpu.memory_space<hbm>>
        %dma_wait3A_283 = tpu.memref_slice %arg11[%select_n3A_219] : memref<3x!tpu.dma_semaphore, #tpu.memory_space<semaphore_mem>> -> memref<1x!tpu.dma_semaphore, #tpu.memory_space<semaphore_mem>>
        %dma_wait3A_284 = tpu.memref_squeeze %dma_wait3A_283 : memref<1x!tpu.dma_semaphore, #tpu.memory_space<semaphore_mem>> -> memref<!tpu.dma_semaphore, #tpu.memory_space<semaphore_mem>>
        tpu.wait_indirect_dma semaphore(%dma_wait3A_284 : memref<!tpu.dma_semaphore, #tpu.memory_space<semaphore_mem>>) src(%dma_wait3A_282 : memref<10000x128xf32, #tpu.memory_space<hbm>>) dst(%dma_wait3A_276 : memref<120x128xf32, #tpu.memory_space<vmem>>)
        %jit3A_285 = arith.constant 3 : i32
        %eq3A_286 = arith.constant 0 : i32
        %eq3A_287 = arith.cmpi eq, %jit3A_285, %eq3A_286 : i32
        %jit3A_288 = arith.constant 1 : i32
        %select_n3A_289 = arith.select %eq3A_287, %jit3A_288, %jit3A_285 : i32
        %rem3A_290 = arith.remsi %add3A_190, %select_n3A_289 : i32
        %ne3A_291 = arith.constant 0 : i32
        %ne3A_292 = arith.cmpi ne, %rem3A_290, %ne3A_291 : i32
        %lt3A_293 = arith.constant 0 : i32
        %lt3A_294 = arith.cmpi slt, %rem3A_290, %lt3A_293 : i32
        %lt3A_295 = arith.constant 0 : i32
        %lt3A_296 = arith.cmpi slt, %select_n3A_289, %lt3A_295 : i32
        %ne3A_297 = arith.xori %lt3A_294, %lt3A_296 : i1
        %and3A_298 = arith.andi %ne3A_297, %ne3A_292 : i1
        %add3A_299 = arith.addi %rem3A_290, %select_n3A_289 : i32
        %select_n3A_300 = arith.select %and3A_298, %add3A_299, %rem3A_290 : i32
        %jit3A_301 = arith.constant 8 : i32
        %div3A_302 = arith.divsi %add3A_190, %jit3A_301 : i32
        %sign3A_303 = arith.constant 0 : i32
        %sign3A_304 = arith.cmpi sgt, %add3A_190, %sign3A_303 : i32
        %sign3A_305 = arith.extui %sign3A_304 : i1 to i32
        %sign3A_306 = arith.constant 0 : i32
        %sign3A_307 = arith.cmpi slt, %add3A_190, %sign3A_306 : i32
        %sign3A_308 = arith.extui %sign3A_307 : i1 to i32
        %sign3A_309 = arith.subi %sign3A_305, %sign3A_308 : i32
        %sign3A_310 = arith.constant 0 : i32
        %sign3A_311 = arith.cmpi sgt, %jit3A_301, %sign3A_310 : i32
        %sign3A_312 = arith.extui %sign3A_311 : i1 to i32
        %sign3A_313 = arith.constant 0 : i32
        %sign3A_314 = arith.cmpi slt, %jit3A_301, %sign3A_313 : i32
        %sign3A_315 = arith.extui %sign3A_314 : i1 to i32
        %sign3A_316 = arith.subi %sign3A_312, %sign3A_315 : i32
        %ne3A_317 = arith.cmpi ne, %sign3A_309, %sign3A_316 : i32
        %rem3A_318 = arith.remsi %add3A_190, %jit3A_301 : i32
        %ne3A_319 = arith.constant 0 : i32
        %ne3A_320 = arith.cmpi ne, %rem3A_318, %ne3A_319 : i32
        %and3A_321 = arith.andi %ne3A_317, %ne3A_320 : i1
        %sub3A_322 = arith.constant 1 : i32
        %sub3A_323 = arith.subi %div3A_302, %sub3A_322 : i32
        %select_n3A_324 = arith.select %and3A_321, %sub3A_323, %div3A_302 : i32
        %jit3A_325 = arith.constant 2 : i32
        %eq3A_326 = arith.constant 0 : i32
        %eq3A_327 = arith.cmpi eq, %jit3A_325, %eq3A_326 : i32
        %jit3A_328 = arith.constant 1 : i32
        %select_n3A_329 = arith.select %eq3A_327, %jit3A_328, %jit3A_325 : i32
        %rem3A_330 = arith.remsi %select_n3A_324, %select_n3A_329 : i32
        %ne3A_331 = arith.constant 0 : i32
        %ne3A_332 = arith.cmpi ne, %rem3A_330, %ne3A_331 : i32
        %lt3A_333 = arith.constant 0 : i32
        %lt3A_334 = arith.cmpi slt, %rem3A_330, %lt3A_333 : i32
        %lt3A_335 = arith.constant 0 : i32
        %lt3A_336 = arith.cmpi slt, %select_n3A_329, %lt3A_335 : i32
        %ne3A_337 = arith.xori %lt3A_334, %lt3A_336 : i1
        %and3A_338 = arith.andi %ne3A_337, %ne3A_332 : i1
        %add3A_339 = arith.addi %rem3A_330, %select_n3A_329 : i32
        %select_n3A_340 = arith.select %and3A_338, %add3A_339, %rem3A_330 : i32
        %jit3A_341 = arith.constant 8 : i32
        %eq3A_342 = arith.constant 0 : i32
        %eq3A_343 = arith.cmpi eq, %jit3A_341, %eq3A_342 : i32
        %jit3A_344 = arith.constant 1 : i32
        %select_n3A_345 = arith.select %eq3A_343, %jit3A_344, %jit3A_341 : i32
        %rem3A_346 = arith.remsi %add3A_190, %select_n3A_345 : i32
        %ne3A_347 = arith.constant 0 : i32
        %ne3A_348 = arith.cmpi ne, %rem3A_346, %ne3A_347 : i32
        %lt3A_349 = arith.constant 0 : i32
        %lt3A_350 = arith.cmpi slt, %rem3A_346, %lt3A_349 : i32
        %lt3A_351 = arith.constant 0 : i32
        %lt3A_352 = arith.cmpi slt, %select_n3A_345, %lt3A_351 : i32
        %ne3A_353 = arith.xori %lt3A_350, %lt3A_352 : i1
        %and3A_354 = arith.andi %ne3A_353, %ne3A_348 : i1
        %add3A_355 = arith.addi %rem3A_346, %select_n3A_345 : i32
        %select_n3A_356 = arith.select %and3A_354, %add3A_355, %rem3A_346 : i32
        %dma_start3A_357 = arith.constant 0 : i32
        %dma_start3A_358 = arith.constant 0 : i32
        %dma_start3A_359 = tpu.memref_slice %arg9[%select_n3A_300, %dma_start3A_357, %dma_start3A_358] : memref<3x120x128xf32, #tpu.memory_space<vmem>> -> memref<1x120x128xf32, #tpu.memory_space<vmem>>
        %dma_start3A_360 = tpu.memref_squeeze %dma_start3A_359 : memref<1x120x128xf32, #tpu.memory_space<vmem>> -> memref<120x128xf32, #tpu.memory_space<vmem>>
        %dma_start3A_361 = arith.constant 0 : i32
        %dma_start3A_362 = tpu.memref_slice %arg8[%select_n3A_340, %select_n3A_356, %dma_start3A_361] : memref<2x8x120xi32, #tpu.memory_space<vmem>> -> memref<1x1x120xi32, #tpu.memory_space<vmem>>
        %dma_start3A_363 = tpu.memref_squeeze %dma_start3A_362 : memref<1x1x120xi32, #tpu.memory_space<vmem>> -> memref<120xi32, #tpu.memory_space<vmem>>
        %dma_start3A_364 = arith.constant 0 : i32
        %dma_start3A_365 = arith.constant 0 : i32
        %dma_start3A_366 = tpu.memref_slice %arg10[%dma_start3A_364, %dma_start3A_365] : memref<10112x128xf32, #tpu.memory_space<vmem_shared>> -> memref<10112x128xf32, #tpu.memory_space<vmem_shared>>
        %dma_start3A_367 = tpu.memref_slice %arg12[%select_n3A_300] : memref<3x!tpu.dma_semaphore, #tpu.memory_space<semaphore_mem>> -> memref<1x!tpu.dma_semaphore, #tpu.memory_space<semaphore_mem>>
        %dma_start3A_368 = tpu.memref_squeeze %dma_start3A_367 : memref<1x!tpu.dma_semaphore, #tpu.memory_space<semaphore_mem>> -> memref<!tpu.dma_semaphore, #tpu.memory_space<semaphore_mem>>
        tpu.enqueue_indirect_dma source(%dma_start3A_360 : memref<120x128xf32, #tpu.memory_space<vmem>>) target(%dma_start3A_366 : memref<10112x128xf32, #tpu.memory_space<vmem_shared>>) offsets(%dma_start3A_363 : memref<120xi32, #tpu.memory_space<vmem>>) semaphore(%dma_start3A_368 : memref<!tpu.dma_semaphore, #tpu.memory_space<semaphore_mem>>) {add = true}
        %ge3A_369 = arith.constant 1 : i32
        %ge3A_370 = arith.cmpi sge, %add3A_190, %ge3A_369 : i32
        %convert_element_type3A_371 = arith.extui %ge3A_370 : i1 to i32
        %cond3A_372 = arith.constant 0 : i32
        %cond3A_373 = arith.cmpi ne, %convert_element_type3A_371, %cond3A_372 : i32
        scf.if %cond3A_373 {
          %sub3A_381 = arith.constant 1 : i32
          %sub3A_382 = arith.subi %add3A_190, %sub3A_381 : i32
          %jit3A_383 = arith.constant 3 : i32
          %eq3A_384 = arith.constant 0 : i32
          %eq3A_385 = arith.cmpi eq, %jit3A_383, %eq3A_384 : i32
          %jit3A_386 = arith.constant 1 : i32
          %select_n3A_387 = arith.select %eq3A_385, %jit3A_386, %jit3A_383 : i32
          %rem3A_388 = arith.remsi %sub3A_382, %select_n3A_387 : i32
          %ne3A_389 = arith.constant 0 : i32
          %ne3A_390 = arith.cmpi ne, %rem3A_388, %ne3A_389 : i32
          %lt3A_391 = arith.constant 0 : i32
          %lt3A_392 = arith.cmpi slt, %rem3A_388, %lt3A_391 : i32
          %lt3A_393 = arith.constant 0 : i32
          %lt3A_394 = arith.cmpi slt, %select_n3A_387, %lt3A_393 : i32
          %ne3A_395 = arith.xori %lt3A_392, %lt3A_394 : i1
          %and3A_396 = arith.andi %ne3A_395, %ne3A_390 : i1
          %add3A_397 = arith.addi %rem3A_388, %select_n3A_387 : i32
          %select_n3A_398 = arith.select %and3A_396, %add3A_397, %rem3A_388 : i32
          %jit3A_399 = arith.constant 8 : i32
          %div3A_400 = arith.divsi %sub3A_382, %jit3A_399 : i32
          %sign3A_401 = arith.constant 0 : i32
          %sign3A_402 = arith.cmpi sgt, %sub3A_382, %sign3A_401 : i32
          %sign3A_403 = arith.extui %sign3A_402 : i1 to i32
          %sign3A_404 = arith.constant 0 : i32
          %sign3A_405 = arith.cmpi slt, %sub3A_382, %sign3A_404 : i32
          %sign3A_406 = arith.extui %sign3A_405 : i1 to i32
          %sign3A_407 = arith.subi %sign3A_403, %sign3A_406 : i32
          %sign3A_408 = arith.constant 0 : i32
          %sign3A_409 = arith.cmpi sgt, %jit3A_399, %sign3A_408 : i32
          %sign3A_410 = arith.extui %sign3A_409 : i1 to i32
          %sign3A_411 = arith.constant 0 : i32
          %sign3A_412 = arith.cmpi slt, %jit3A_399, %sign3A_411 : i32
          %sign3A_413 = arith.extui %sign3A_412 : i1 to i32
          %sign3A_414 = arith.subi %sign3A_410, %sign3A_413 : i32
          %ne3A_415 = arith.cmpi ne, %sign3A_407, %sign3A_414 : i32
          %rem3A_416 = arith.remsi %sub3A_382, %jit3A_399 : i32
          %ne3A_417 = arith.constant 0 : i32
          %ne3A_418 = arith.cmpi ne, %rem3A_416, %ne3A_417 : i32
          %and3A_419 = arith.andi %ne3A_415, %ne3A_418 : i1
          %sub3A_420 = arith.constant 1 : i32
          %sub3A_421 = arith.subi %div3A_400, %sub3A_420 : i32
          %select_n3A_422 = arith.select %and3A_419, %sub3A_421, %div3A_400 : i32
          %jit3A_423 = arith.constant 2 : i32
          %eq3A_424 = arith.constant 0 : i32
          %eq3A_425 = arith.cmpi eq, %jit3A_423, %eq3A_424 : i32
          %jit3A_426 = arith.constant 1 : i32
          %select_n3A_427 = arith.select %eq3A_425, %jit3A_426, %jit3A_423 : i32
          %rem3A_428 = arith.remsi %select_n3A_422, %select_n3A_427 : i32
          %ne3A_429 = arith.constant 0 : i32
          %ne3A_430 = arith.cmpi ne, %rem3A_428, %ne3A_429 : i32
          %lt3A_431 = arith.constant 0 : i32
          %lt3A_432 = arith.cmpi slt, %rem3A_428, %lt3A_431 : i32
          %lt3A_433 = arith.constant 0 : i32
          %lt3A_434 = arith.cmpi slt, %select_n3A_427, %lt3A_433 : i32
          %ne3A_435 = arith.xori %lt3A_432, %lt3A_434 : i1
          %and3A_436 = arith.andi %ne3A_435, %ne3A_430 : i1
          %add3A_437 = arith.addi %rem3A_428, %select_n3A_427 : i32
          %select_n3A_438 = arith.select %and3A_436, %add3A_437, %rem3A_428 : i32
          %jit3A_439 = arith.constant 8 : i32
          %eq3A_440 = arith.constant 0 : i32
          %eq3A_441 = arith.cmpi eq, %jit3A_439, %eq3A_440 : i32
          %jit3A_442 = arith.constant 1 : i32
          %select_n3A_443 = arith.select %eq3A_441, %jit3A_442, %jit3A_439 : i32
          %rem3A_444 = arith.remsi %sub3A_382, %select_n3A_443 : i32
          %ne3A_445 = arith.constant 0 : i32
          %ne3A_446 = arith.cmpi ne, %rem3A_444, %ne3A_445 : i32
          %lt3A_447 = arith.constant 0 : i32
          %lt3A_448 = arith.cmpi slt, %rem3A_444, %lt3A_447 : i32
          %lt3A_449 = arith.constant 0 : i32
          %lt3A_450 = arith.cmpi slt, %select_n3A_443, %lt3A_449 : i32
          %ne3A_451 = arith.xori %lt3A_448, %lt3A_450 : i1
          %and3A_452 = arith.andi %ne3A_451, %ne3A_446 : i1
          %add3A_453 = arith.addi %rem3A_444, %select_n3A_443 : i32
          %select_n3A_454 = arith.select %and3A_452, %add3A_453, %rem3A_444 : i32
          %dma_wait3A_455 = arith.constant 0 : i32
          %dma_wait3A_456 = arith.constant 0 : i32
          %dma_wait3A_457 = tpu.memref_slice %arg9[%select_n3A_398, %dma_wait3A_455, %dma_wait3A_456] : memref<3x120x128xf32, #tpu.memory_space<vmem>> -> memref<1x120x128xf32, #tpu.memory_space<vmem>>
          %dma_wait3A_458 = tpu.memref_squeeze %dma_wait3A_457 : memref<1x120x128xf32, #tpu.memory_space<vmem>> -> memref<120x128xf32, #tpu.memory_space<vmem>>
          %dma_wait3A_459 = arith.constant 0 : i32
          %dma_wait3A_460 = tpu.memref_slice %arg8[%select_n3A_438, %select_n3A_454, %dma_wait3A_459] : memref<2x8x120xi32, #tpu.memory_space<vmem>> -> memref<1x1x120xi32, #tpu.memory_space<vmem>>
          %dma_wait3A_461 = tpu.memref_squeeze %dma_wait3A_460 : memref<1x1x120xi32, #tpu.memory_space<vmem>> -> memref<120xi32, #tpu.memory_space<vmem>>
          %dma_wait3A_462 = arith.constant 0 : i32
          %dma_wait3A_463 = arith.constant 0 : i32
          %dma_wait3A_464 = tpu.memref_slice %arg10[%dma_wait3A_462, %dma_wait3A_463] : memref<10112x128xf32, #tpu.memory_space<vmem_shared>> -> memref<10112x128xf32, #tpu.memory_space<vmem_shared>>
          %dma_wait3A_465 = tpu.memref_slice %arg12[%select_n3A_398] : memref<3x!tpu.dma_semaphore, #tpu.memory_space<semaphore_mem>> -> memref<1x!tpu.dma_semaphore, #tpu.memory_space<semaphore_mem>>
          %dma_wait3A_466 = tpu.memref_squeeze %dma_wait3A_465 : memref<1x!tpu.dma_semaphore, #tpu.memory_space<semaphore_mem>> -> memref<!tpu.dma_semaphore, #tpu.memory_space<semaphore_mem>>
          tpu.wait_indirect_dma semaphore(%dma_wait3A_466 : memref<!tpu.dma_semaphore, #tpu.memory_space<semaphore_mem>>) src(%dma_wait3A_458 : memref<120x128xf32, #tpu.memory_space<vmem>>) dst(%dma_wait3A_464 : memref<10112x128xf32, #tpu.memory_space<vmem_shared>>)
        } else {
        }
        %add3A_374 = arith.constant 2 : i32
        %add3A_375 = arith.addi %add3A_190, %add3A_374 : i32
        %lt3A_376 = arith.constant 88 : i32
        %lt3A_377 = arith.cmpi slt, %add3A_375, %lt3A_376 : i32
        %convert_element_type3A_378 = arith.extui %lt3A_377 : i1 to i32
        %cond3A_379 = arith.constant 0 : i32
        %cond3A_380 = arith.cmpi ne, %convert_element_type3A_378, %cond3A_379 : i32
        scf.if %cond3A_380 {
          %add3A_381 = arith.constant 2 : i32
          %add3A_382 = arith.addi %add3A_190, %add3A_381 : i32
          %jit3A_383 = arith.constant 3 : i32
          %eq3A_384 = arith.constant 0 : i32
          %eq3A_385 = arith.cmpi eq, %jit3A_383, %eq3A_384 : i32
          %jit3A_386 = arith.constant 1 : i32
          %select_n3A_387 = arith.select %eq3A_385, %jit3A_386, %jit3A_383 : i32
          %rem3A_388 = arith.remsi %add3A_382, %select_n3A_387 : i32
          %ne3A_389 = arith.constant 0 : i32
          %ne3A_390 = arith.cmpi ne, %rem3A_388, %ne3A_389 : i32
          %lt3A_391 = arith.constant 0 : i32
          %lt3A_392 = arith.cmpi slt, %rem3A_388, %lt3A_391 : i32
          %lt3A_393 = arith.constant 0 : i32
          %lt3A_394 = arith.cmpi slt, %select_n3A_387, %lt3A_393 : i32
          %ne3A_395 = arith.xori %lt3A_392, %lt3A_394 : i1
          %and3A_396 = arith.andi %ne3A_395, %ne3A_390 : i1
          %add3A_397 = arith.addi %rem3A_388, %select_n3A_387 : i32
          %select_n3A_398 = arith.select %and3A_396, %add3A_397, %rem3A_388 : i32
          %jit3A_399 = arith.constant 8 : i32
          %div3A_400 = arith.divsi %add3A_382, %jit3A_399 : i32
          %sign3A_401 = arith.constant 0 : i32
          %sign3A_402 = arith.cmpi sgt, %add3A_382, %sign3A_401 : i32
          %sign3A_403 = arith.extui %sign3A_402 : i1 to i32
          %sign3A_404 = arith.constant 0 : i32
          %sign3A_405 = arith.cmpi slt, %add3A_382, %sign3A_404 : i32
          %sign3A_406 = arith.extui %sign3A_405 : i1 to i32
          %sign3A_407 = arith.subi %sign3A_403, %sign3A_406 : i32
          %sign3A_408 = arith.constant 0 : i32
          %sign3A_409 = arith.cmpi sgt, %jit3A_399, %sign3A_408 : i32
          %sign3A_410 = arith.extui %sign3A_409 : i1 to i32
          %sign3A_411 = arith.constant 0 : i32
          %sign3A_412 = arith.cmpi slt, %jit3A_399, %sign3A_411 : i32
          %sign3A_413 = arith.extui %sign3A_412 : i1 to i32
          %sign3A_414 = arith.subi %sign3A_410, %sign3A_413 : i32
          %ne3A_415 = arith.cmpi ne, %sign3A_407, %sign3A_414 : i32
          %rem3A_416 = arith.remsi %add3A_382, %jit3A_399 : i32
          %ne3A_417 = arith.constant 0 : i32
          %ne3A_418 = arith.cmpi ne, %rem3A_416, %ne3A_417 : i32
          %and3A_419 = arith.andi %ne3A_415, %ne3A_418 : i1
          %sub3A_420 = arith.constant 1 : i32
          %sub3A_421 = arith.subi %div3A_400, %sub3A_420 : i32
          %select_n3A_422 = arith.select %and3A_419, %sub3A_421, %div3A_400 : i32
          %jit3A_423 = arith.constant 2 : i32
          %eq3A_424 = arith.constant 0 : i32
          %eq3A_425 = arith.cmpi eq, %jit3A_423, %eq3A_424 : i32
          %jit3A_426 = arith.constant 1 : i32
          %select_n3A_427 = arith.select %eq3A_425, %jit3A_426, %jit3A_423 : i32
          %rem3A_428 = arith.remsi %select_n3A_422, %select_n3A_427 : i32
          %ne3A_429 = arith.constant 0 : i32
          %ne3A_430 = arith.cmpi ne, %rem3A_428, %ne3A_429 : i32
          %lt3A_431 = arith.constant 0 : i32
          %lt3A_432 = arith.cmpi slt, %rem3A_428, %lt3A_431 : i32
          %lt3A_433 = arith.constant 0 : i32
          %lt3A_434 = arith.cmpi slt, %select_n3A_427, %lt3A_433 : i32
          %ne3A_435 = arith.xori %lt3A_432, %lt3A_434 : i1
          %and3A_436 = arith.andi %ne3A_435, %ne3A_430 : i1
          %add3A_437 = arith.addi %rem3A_428, %select_n3A_427 : i32
          %select_n3A_438 = arith.select %and3A_436, %add3A_437, %rem3A_428 : i32
          %jit3A_439 = arith.constant 8 : i32
          %eq3A_440 = arith.constant 0 : i32
          %eq3A_441 = arith.cmpi eq, %jit3A_439, %eq3A_440 : i32
          %jit3A_442 = arith.constant 1 : i32
          %select_n3A_443 = arith.select %eq3A_441, %jit3A_442, %jit3A_439 : i32
          %rem3A_444 = arith.remsi %add3A_382, %select_n3A_443 : i32
          %ne3A_445 = arith.constant 0 : i32
          %ne3A_446 = arith.cmpi ne, %rem3A_444, %ne3A_445 : i32
          %lt3A_447 = arith.constant 0 : i32
          %lt3A_448 = arith.cmpi slt, %rem3A_444, %lt3A_447 : i32
          %lt3A_449 = arith.constant 0 : i32
          %lt3A_450 = arith.cmpi slt, %select_n3A_443, %lt3A_449 : i32
          %ne3A_451 = arith.xori %lt3A_448, %lt3A_450 : i1
          %and3A_452 = arith.andi %ne3A_451, %ne3A_446 : i1
          %add3A_453 = arith.addi %rem3A_444, %select_n3A_443 : i32
          %select_n3A_454 = arith.select %and3A_452, %add3A_453, %rem3A_444 : i32
          %dma_start3A_455 = arith.constant 0 : i32
          %dma_start3A_456 = arith.constant 0 : i32
          %dma_start3A_457 = tpu.memref_slice %arg9[%select_n3A_398, %dma_start3A_455, %dma_start3A_456] : memref<3x120x128xf32, #tpu.memory_space<vmem>> -> memref<1x120x128xf32, #tpu.memory_space<vmem>>
          %dma_start3A_458 = tpu.memref_squeeze %dma_start3A_457 : memref<1x120x128xf32, #tpu.memory_space<vmem>> -> memref<120x128xf32, #tpu.memory_space<vmem>>
          %dma_start3A_459 = arith.constant 0 : i32
          %dma_start3A_460 = tpu.memref_slice %arg7[%select_n3A_438, %select_n3A_454, %dma_start3A_459] : memref<2x8x120xi32, #tpu.memory_space<vmem>> -> memref<1x1x120xi32, #tpu.memory_space<vmem>>
          %dma_start3A_461 = tpu.memref_squeeze %dma_start3A_460 : memref<1x1x120xi32, #tpu.memory_space<vmem>> -> memref<120xi32, #tpu.memory_space<vmem>>
          %dma_start3A_462 = arith.constant 0 : i32
          %dma_start3A_463 = arith.constant 0 : i32
          %dma_start3A_464 = tpu.memref_slice %arg2[%dma_start3A_462, %dma_start3A_463] : memref<10000x128xf32, #tpu.memory_space<hbm>> -> memref<10000x128xf32, #tpu.memory_space<hbm>>
          %dma_start3A_465 = tpu.memref_slice %arg11[%select_n3A_398] : memref<3x!tpu.dma_semaphore, #tpu.memory_space<semaphore_mem>> -> memref<1x!tpu.dma_semaphore, #tpu.memory_space<semaphore_mem>>
          %dma_start3A_466 = tpu.memref_squeeze %dma_start3A_465 : memref<1x!tpu.dma_semaphore, #tpu.memory_space<semaphore_mem>> -> memref<!tpu.dma_semaphore, #tpu.memory_space<semaphore_mem>>
          tpu.enqueue_indirect_dma source(%dma_start3A_464 : memref<10000x128xf32, #tpu.memory_space<hbm>>) target(%dma_start3A_458 : memref<120x128xf32, #tpu.memory_space<vmem>>) offsets(%dma_start3A_461 : memref<120xi32, #tpu.memory_space<vmem>>) semaphore(%dma_start3A_466 : memref<!tpu.dma_semaphore, #tpu.memory_space<semaphore_mem>>)
        } else {
        }
      }
      %scan3A_182 = arith.constant 8 : i32
    }
    %scan3A_151 = arith.constant 11 : i32
    %dma_wait3A_152 = arith.constant 0 : i32
    %dma_wait3A_153 = arith.constant 0 : i32
    %dma_wait3A_154 = arith.constant 7 : i32
    %dma_wait3A_155 = arith.constant 0 : i32
    %dma_wait3A_156 = arith.constant 0 : i32
    %dma_wait3A_157 = arith.constant 0 : i32
    %dma_wait3A_158 = tpu.memref_slice %arg9[%dma_wait3A_152, %dma_wait3A_156, %dma_wait3A_157] : memref<3x120x128xf32, #tpu.memory_space<vmem>> -> memref<1x120x128xf32, #tpu.memory_space<vmem>>
    %dma_wait3A_159 = tpu.memref_squeeze %dma_wait3A_158 : memref<1x120x128xf32, #tpu.memory_space<vmem>> -> memref<120x128xf32, #tpu.memory_space<vmem>>
    %dma_wait3A_160 = arith.constant 0 : i32
    %dma_wait3A_161 = tpu.memref_slice %arg8[%dma_wait3A_153, %dma_wait3A_154, %dma_wait3A_160] : memref<2x8x120xi32, #tpu.memory_space<vmem>> -> memref<1x1x120xi32, #tpu.memory_space<vmem>>
    %dma_wait3A_162 = tpu.memref_squeeze %dma_wait3A_161 : memref<1x1x120xi32, #tpu.memory_space<vmem>> -> memref<120xi32, #tpu.memory_space<vmem>>
    %dma_wait3A_163 = arith.constant 0 : i32
    %dma_wait3A_164 = arith.constant 0 : i32
    %dma_wait3A_165 = tpu.memref_slice %arg10[%dma_wait3A_163, %dma_wait3A_164] : memref<10112x128xf32, #tpu.memory_space<vmem_shared>> -> memref<10112x128xf32, #tpu.memory_space<vmem_shared>>
    %dma_wait3A_166 = tpu.memref_slice %arg12[%dma_wait3A_155] : memref<3x!tpu.dma_semaphore, #tpu.memory_space<semaphore_mem>> -> memref<1x!tpu.dma_semaphore, #tpu.memory_space<semaphore_mem>>
    %dma_wait3A_167 = tpu.memref_squeeze %dma_wait3A_166 : memref<1x!tpu.dma_semaphore, #tpu.memory_space<semaphore_mem>> -> memref<!tpu.dma_semaphore, #tpu.memory_space<semaphore_mem>>
    tpu.wait_indirect_dma semaphore(%dma_wait3A_167 : memref<!tpu.dma_semaphore, #tpu.memory_space<semaphore_mem>>) src(%dma_wait3A_159 : memref<120x128xf32, #tpu.memory_space<vmem>>) dst(%dma_wait3A_165 : memref<10112x128xf32, #tpu.memory_space<vmem_shared>>)
    %barrier3A_168 = arith.constant 0 : index
    tpu.barrier barrier_id(%barrier3A_168)
    %mul3A_169 = arith.constant 632 : i32
    %mul3A_170 = arith.muli %arg1, %mul3A_169 : i32
    %mul3A_171 = arith.constant 632 : i32
    %mul3A_172 = arith.muli %arg1, %mul3A_171 : i32
    "tpu.region"() ({
      %run_scoped3A = tpu.sem_alloc : memref<!tpu.dma_semaphore, #tpu.memory_space<semaphore_mem>>
      %dma_start3A_173 = arith.constant 0 : i32
      %dma_start3A_174 = tpu.memref_slice %arg6[%arg0, %mul3A_172, %dma_start3A_173] : memref<2x10112x128xf32, #tpu.memory_space<hbm>> -> memref<1x632x128xf32, #tpu.memory_space<hbm>>
      %dma_start3A_175 = tpu.memref_squeeze %dma_start3A_174 : memref<1x632x128xf32, #tpu.memory_space<hbm>> -> memref<632x128xf32, #tpu.memory_space<hbm>>
      %dma_start3A_176 = arith.constant 0 : i32
      %dma_start3A_177 = tpu.memref_slice %arg10[%mul3A_170, %dma_start3A_176] : memref<10112x128xf32, #tpu.memory_space<vmem_shared>> -> memref<632x128xf32, #tpu.memory_space<vmem_shared>>
      tpu.enqueue_dma source(%dma_start3A_177 : memref<632x128xf32, #tpu.memory_space<vmem_shared>>) target(%dma_start3A_175 : memref<632x128xf32, #tpu.memory_space<hbm>>) target_semaphore(%run_scoped3A : memref<!tpu.dma_semaphore, #tpu.memory_space<semaphore_mem>>)
      %dma_wait3A_178 = arith.constant 0 : i32
      %dma_wait3A_179 = tpu.memref_slice %arg6[%arg0, %mul3A_172, %dma_wait3A_178] : memref<2x10112x128xf32, #tpu.memory_space<hbm>> -> memref<1x632x128xf32, #tpu.memory_space<hbm>>
      %dma_wait3A_180 = tpu.memref_squeeze %dma_wait3A_179 : memref<1x632x128xf32, #tpu.memory_space<hbm>> -> memref<632x128xf32, #tpu.memory_space<hbm>>
      %dma_wait3A_181 = arith.constant 0 : i32
      %dma_wait3A_182 = tpu.memref_slice %arg10[%mul3A_170, %dma_wait3A_181] : memref<10112x128xf32, #tpu.memory_space<vmem_shared>> -> memref<632x128xf32, #tpu.memory_space<vmem_shared>>
      tpu.wait_dma2 semaphore(%run_scoped3A : memref<!tpu.dma_semaphore, #tpu.memory_space<semaphore_mem>>) src(%dma_wait3A_182 : memref<632x128xf32, #tpu.memory_space<vmem_shared>>) dst(%dma_wait3A_180 : memref<632x128xf32, #tpu.memory_space<hbm>>)
      tpu.yield
    }) : () -> ()
    return
  }
}

module attributes {stable_mosaic.version = 14 : i64} {
  func.func @_embed_body(%arg0: i32, %arg1: memref<5000x128xf32, #tpu.memory_space<vmem>>, %arg2: memref<128x128xf32, #tpu.memory_space<vmem>>, %arg3: memref<1x128xf32, #tpu.memory_space<vmem>>, %arg4: memref<128x128xf32, #tpu.memory_space<vmem>>, %arg5: memref<1x128xf32, #tpu.memory_space<vmem>>, %arg6: memref<5000x128xf32, #tpu.memory_space<vmem>>, %arg7: memref<5000x128xf32, #tpu.memory_space<vmem>>) attributes {dimension_semantics = [#tpu.dimension_semantics<arbitrary>], iteration_bounds = array<i64: 2>, scalar_prefetch = 0 : i64, scratch_operands = 0 : i64, tpu.core_type = #tpu.core_type<tc>, window_params = [{transform_indices = @transform_0, window_bounds = array<i64: 5000, 128>}, {pipeline_mode = #tpu.pipeline_mode<synchronous>, transform_indices = @transform_1, window_bounds = array<i64: 128, 128>}, {pipeline_mode = #tpu.pipeline_mode<synchronous>, transform_indices = @transform_2, window_bounds = array<i64: 1, 128>}, {pipeline_mode = #tpu.pipeline_mode<synchronous>, transform_indices = @transform_3, window_bounds = array<i64: 128, 128>}, {pipeline_mode = #tpu.pipeline_mode<synchronous>, transform_indices = @transform_4, window_bounds = array<i64: 1, 128>}, {transform_indices = @transform_5, window_bounds = array<i64: 5000, 128>}, {transform_indices = @transform_6, window_bounds = array<i64: 5000, 128>}]} {
    %get3A = arith.constant 0 : index
    %get3A_0 = arith.constant 0 : index
    %get3A_1 = vector.load %arg1[%get3A, %get3A_0] : memref<5000x128xf32, #tpu.memory_space<vmem>>, vector<5000x128xf32>
    %get3A_2 = arith.constant 0 : index
    %get3A_3 = arith.constant 0 : index
    %get3A_4 = vector.load %arg2[%get3A_2, %get3A_3] : memref<128x128xf32, #tpu.memory_space<vmem>>, vector<128x128xf32>
    %convert_element_type3A = arith.truncf %get3A_1 : vector<5000x128xf32> to vector<5000x128xbf16>
    %convert_element_type3A_5 = arith.truncf %get3A_4 : vector<128x128xf32> to vector<128x128xbf16>
    %dot_general3A = arith.constant dense<0.000000e+00> : vector<5000x128xf32>
    %dot_general3A_6 = tpu.matmul %convert_element_type3A, %convert_element_type3A_5, %dot_general3A {dimension_numbers = #tpu.dot_dimension_numbers<[1], [0], [0], [1], [0, 0, 1, 1], [], []>, transpose_lhs_hint = false} : vector<5000x128xbf16>, vector<128x128xbf16>, vector<5000x128xf32> -> vector<5000x128xf32>
    %get3A_7 = arith.constant 0 : index
    %get3A_8 = arith.constant 0 : index
    %get3A_9 = vector.load %arg3[%get3A_7, %get3A_8] : memref<1x128xf32, #tpu.memory_space<vmem>>, vector<1x128xf32>
    %add3A = vector.broadcast %get3A_9 : vector<1x128xf32> to vector<5000x128xf32>
    %add3A_10 = arith.addf %dot_general3A_6, %add3A : vector<5000x128xf32>
    %swap3A = arith.constant 0 : index
    %swap3A_11 = arith.constant 0 : index
    %swap3A_12 = vector.load %arg6[%swap3A, %swap3A_11] : memref<5000x128xf32, #tpu.memory_space<vmem>>, vector<5000x128xf32>
    tpu.vector_store %arg6[%swap3A, %swap3A_11], %add3A_10 {strides = array<i32>} : memref<5000x128xf32, #tpu.memory_space<vmem>>, vector<5000x128xf32>,
    %get3A_13 = arith.constant 0 : index
    %get3A_14 = arith.constant 0 : index
    %get3A_15 = vector.load %arg4[%get3A_13, %get3A_14] : memref<128x128xf32, #tpu.memory_space<vmem>>, vector<128x128xf32>
    %convert_element_type3A_16 = arith.truncf %add3A_10 : vector<5000x128xf32> to vector<5000x128xbf16>
    %convert_element_type3A_17 = arith.truncf %get3A_15 : vector<128x128xf32> to vector<128x128xbf16>
    %dot_general3A_18 = arith.constant dense<0.000000e+00> : vector<5000x128xf32>
    %dot_general3A_19 = tpu.matmul %convert_element_type3A_16, %convert_element_type3A_17, %dot_general3A_18 {dimension_numbers = #tpu.dot_dimension_numbers<[1], [0], [0], [1], [0, 0, 1, 1], [], []>, transpose_lhs_hint = false} : vector<5000x128xbf16>, vector<128x128xbf16>, vector<5000x128xf32> -> vector<5000x128xf32>
    %get3A_20 = arith.constant 0 : index
    %get3A_21 = arith.constant 0 : index
    %get3A_22 = vector.load %arg5[%get3A_20, %get3A_21] : memref<1x128xf32, #tpu.memory_space<vmem>>, vector<1x128xf32>
    %add3A_23 = vector.broadcast %get3A_22 : vector<1x128xf32> to vector<5000x128xf32>
    %add3A_24 = arith.addf %dot_general3A_19, %add3A_23 : vector<5000x128xf32>
    %swap3A_25 = arith.constant 0 : index
    %swap3A_26 = arith.constant 0 : index
    %swap3A_27 = vector.load %arg7[%swap3A_25, %swap3A_26] : memref<5000x128xf32, #tpu.memory_space<vmem>>, vector<5000x128xf32>
    tpu.vector_store %arg7[%swap3A_25, %swap3A_26], %add3A_24 {strides = array<i32>} : memref<5000x128xf32, #tpu.memory_space<vmem>>, vector<5000x128xf32>,
    return
  }
  func.func @transform_0(%arg0: i32) -> (i32, i32) {
    %c0_i32 = arith.constant 0 : i32
    %c0_i32_0 = arith.constant 0 : i32
    return %arg0, %c0_i32 : i32, i32
  }
  func.func @transform_1(%arg0: i32) -> (i32, i32) {
    %c0_i32 = arith.constant 0 : i32
    %c0_i32_0 = arith.constant 0 : i32
    %c0_i32_1 = arith.constant 0 : i32
    return %c0_i32, %c0_i32_0 : i32, i32
  }
  func.func @transform_2(%arg0: i32) -> (i32, i32) {
    %c0_i32 = arith.constant 0 : i32
    %c0_i32_0 = arith.constant 0 : i32
    %c0_i32_1 = arith.constant 0 : i32
    return %c0_i32, %c0_i32_0 : i32, i32
  }
  func.func @transform_3(%arg0: i32) -> (i32, i32) {
    %c0_i32 = arith.constant 0 : i32
    %c0_i32_0 = arith.constant 0 : i32
    %c0_i32_1 = arith.constant 0 : i32
    return %c0_i32, %c0_i32_0 : i32, i32
  }
  func.func @transform_4(%arg0: i32) -> (i32, i32) {
    %c0_i32 = arith.constant 0 : i32
    %c0_i32_0 = arith.constant 0 : i32
    %c0_i32_1 = arith.constant 0 : i32
    return %c0_i32, %c0_i32_0 : i32, i32
  }
  func.func @transform_5(%arg0: i32) -> (i32, i32) {
    %c0_i32 = arith.constant 0 : i32
    %c0_i32_0 = arith.constant 0 : i32
    return %arg0, %c0_i32 : i32, i32
  }
  func.func @transform_6(%arg0: i32) -> (i32, i32) {
    %c0_i32 = arith.constant 0 : i32
    %c0_i32_0 = arith.constant 0 : i32
    return %arg0, %c0_i32 : i32, i32
  }
}

module attributes {stable_mosaic.version = 14 : i64} {
  func.func @_gru_mid_body(%arg0: i32, %arg1: memref<1x5000x128xf32, #tpu.memory_space<vmem>>, %arg2: memref<1x5000x128xf32, #tpu.memory_space<vmem>>, %arg3: memref<5000x128xf32, #tpu.memory_space<vmem>>, %arg4: memref<128x384xf32, #tpu.memory_space<vmem>>, %arg5: memref<1x384xf32, #tpu.memory_space<vmem>>, %arg6: memref<128x384xf32, #tpu.memory_space<vmem>>, %arg7: memref<1x384xf32, #tpu.memory_space<vmem>>, %arg8: memref<128x128xf32, #tpu.memory_space<vmem>>, %arg9: memref<1x128xf32, #tpu.memory_space<vmem>>, %arg10: memref<5000x128xf32, #tpu.memory_space<vmem>>, %arg11: memref<5000x128xf32, #tpu.memory_space<vmem>>) attributes {dimension_semantics = [#tpu.dimension_semantics<arbitrary>], iteration_bounds = array<i64: 2>, scalar_prefetch = 0 : i64, scratch_operands = 0 : i64, tpu.core_type = #tpu.core_type<tc>, window_params = [{transform_indices = @transform_0, window_bounds = array<i64: 1, 5000, 128>}, {transform_indices = @transform_1, window_bounds = array<i64: 1, 5000, 128>}, {transform_indices = @transform_2, window_bounds = array<i64: 5000, 128>}, {pipeline_mode = #tpu.pipeline_mode<synchronous>, transform_indices = @transform_3, window_bounds = array<i64: 128, 384>}, {pipeline_mode = #tpu.pipeline_mode<synchronous>, transform_indices = @transform_4, window_bounds = array<i64: 1, 384>}, {pipeline_mode = #tpu.pipeline_mode<synchronous>, transform_indices = @transform_5, window_bounds = array<i64: 128, 384>}, {pipeline_mode = #tpu.pipeline_mode<synchronous>, transform_indices = @transform_6, window_bounds = array<i64: 1, 384>}, {pipeline_mode = #tpu.pipeline_mode<synchronous>, transform_indices = @transform_7, window_bounds = array<i64: 128, 128>}, {pipeline_mode = #tpu.pipeline_mode<synchronous>, transform_indices = @transform_8, window_bounds = array<i64: 1, 128>}, {transform_indices = @transform_9, window_bounds = array<i64: 5000, 128>}, {transform_indices = @transform_10, window_bounds = array<i64: 5000, 128>}]} {
    %get3A = arith.constant 0 : index
    %get3A_0 = arith.constant 0 : index
    %get3A_1 = arith.constant 0 : index
    %get3A_2 = vector.load %arg1[%get3A, %get3A_0, %get3A_1] : memref<1x5000x128xf32, #tpu.memory_space<vmem>>, vector<1x5000x128xf32>
    %get3A_3 = vector.shape_cast %get3A_2 : vector<1x5000x128xf32> to vector<5000x128xf32>
    %get3A_4 = arith.constant 0 : index
    %get3A_5 = arith.constant 0 : index
    %get3A_6 = arith.constant 0 : index
    %get3A_7 = vector.load %arg2[%get3A_4, %get3A_5, %get3A_6] : memref<1x5000x128xf32, #tpu.memory_space<vmem>>, vector<1x5000x128xf32>
    %get3A_8 = vector.shape_cast %get3A_7 : vector<1x5000x128xf32> to vector<5000x128xf32>
    %add3A = arith.addf %get3A_3, %get3A_8 : vector<5000x128xf32>
    %get3A_9 = arith.constant 0 : index
    %get3A_10 = arith.constant 0 : index
    %get3A_11 = vector.load %arg3[%get3A_9, %get3A_10] : memref<5000x128xf32, #tpu.memory_space<vmem>>, vector<5000x128xf32>
    %get3A_12 = arith.constant 0 : index
    %get3A_13 = arith.constant 0 : index
    %get3A_14 = vector.load %arg4[%get3A_12, %get3A_13] : memref<128x384xf32, #tpu.memory_space<vmem>>, vector<128x384xf32>
    %convert_element_type3A = arith.truncf %add3A : vector<5000x128xf32> to vector<5000x128xbf16>
    %convert_element_type3A_15 = arith.truncf %get3A_14 : vector<128x384xf32> to vector<128x384xbf16>
    %dot_general3A = arith.constant dense<0.000000e+00> : vector<5000x384xf32>
    %dot_general3A_16 = tpu.matmul %convert_element_type3A, %convert_element_type3A_15, %dot_general3A {dimension_numbers = #tpu.dot_dimension_numbers<[1], [0], [0], [1], [0, 0, 1, 1], [], []>, transpose_lhs_hint = false} : vector<5000x128xbf16>, vector<128x384xbf16>, vector<5000x384xf32> -> vector<5000x384xf32>
    %get3A_17 = arith.constant 0 : index
    %get3A_18 = arith.constant 0 : index
    %get3A_19 = vector.load %arg5[%get3A_17, %get3A_18] : memref<1x384xf32, #tpu.memory_space<vmem>>, vector<1x384xf32>
    %add3A_20 = vector.broadcast %get3A_19 : vector<1x384xf32> to vector<5000x384xf32>
    %add3A_21 = arith.addf %dot_general3A_16, %add3A_20 : vector<5000x384xf32>
    %get3A_22 = arith.constant 0 : index
    %get3A_23 = arith.constant 0 : index
    %get3A_24 = vector.load %arg6[%get3A_22, %get3A_23] : memref<128x384xf32, #tpu.memory_space<vmem>>, vector<128x384xf32>
    %convert_element_type3A_25 = arith.truncf %get3A_11 : vector<5000x128xf32> to vector<5000x128xbf16>
    %convert_element_type3A_26 = arith.truncf %get3A_24 : vector<128x384xf32> to vector<128x384xbf16>
    %dot_general3A_27 = arith.constant dense<0.000000e+00> : vector<5000x384xf32>
    %dot_general3A_28 = tpu.matmul %convert_element_type3A_25, %convert_element_type3A_26, %dot_general3A_27 {dimension_numbers = #tpu.dot_dimension_numbers<[1], [0], [0], [1], [0, 0, 1, 1], [], []>, transpose_lhs_hint = false} : vector<5000x128xbf16>, vector<128x384xbf16>, vector<5000x384xf32> -> vector<5000x384xf32>
    %get3A_29 = arith.constant 0 : index
    %get3A_30 = arith.constant 0 : index
    %get3A_31 = vector.load %arg7[%get3A_29, %get3A_30] : memref<1x384xf32, #tpu.memory_space<vmem>>, vector<1x384xf32>
    %add3A_32 = vector.broadcast %get3A_31 : vector<1x384xf32> to vector<5000x384xf32>
    %add3A_33 = arith.addf %dot_general3A_28, %add3A_32 : vector<5000x384xf32>
    %slice3A = vector.extract_strided_slice %add3A_21 {offsets = [0, 0], sizes = [5000, 128], strides = [1, 1]} : vector<5000x384xf32> to vector<5000x128xf32>
    %slice3A_34 = vector.extract_strided_slice %add3A_33 {offsets = [0, 0], sizes = [5000, 128], strides = [1, 1]} : vector<5000x384xf32> to vector<5000x128xf32>
    %add3A_35 = arith.addf %slice3A, %slice3A_34 : vector<5000x128xf32>
    %logistic3A = arith.negf %add3A_35 : vector<5000x128xf32>
    %logistic3A_36 = math.exp %logistic3A : vector<5000x128xf32>
    %logistic3A_37 = arith.constant 1.000000e+00 : f32
    %logistic3A_38 = vector.broadcast %logistic3A_37 : f32 to vector<5000x128xf32>
    %logistic3A_39 = arith.addf %logistic3A_38, %logistic3A_36 : vector<5000x128xf32>
    %logistic3A_40 = arith.divf %logistic3A_38, %logistic3A_39 : vector<5000x128xf32>
    %slice3A_41 = vector.extract_strided_slice %add3A_21 {offsets = [0, 128], sizes = [5000, 128], strides = [1, 1]} : vector<5000x384xf32> to vector<5000x128xf32>
    %slice3A_42 = vector.extract_strided_slice %add3A_33 {offsets = [0, 128], sizes = [5000, 128], strides = [1, 1]} : vector<5000x384xf32> to vector<5000x128xf32>
    %add3A_43 = arith.addf %slice3A_41, %slice3A_42 : vector<5000x128xf32>
    %logistic3A_44 = arith.negf %add3A_43 : vector<5000x128xf32>
    %logistic3A_45 = math.exp %logistic3A_44 : vector<5000x128xf32>
    %logistic3A_46 = arith.constant 1.000000e+00 : f32
    %logistic3A_47 = vector.broadcast %logistic3A_46 : f32 to vector<5000x128xf32>
    %logistic3A_48 = arith.addf %logistic3A_47, %logistic3A_45 : vector<5000x128xf32>
    %logistic3A_49 = arith.divf %logistic3A_47, %logistic3A_48 : vector<5000x128xf32>
    %slice3A_50 = vector.extract_strided_slice %add3A_21 {offsets = [0, 256], sizes = [5000, 128], strides = [1, 1]} : vector<5000x384xf32> to vector<5000x128xf32>
    %slice3A_51 = vector.extract_strided_slice %add3A_33 {offsets = [0, 256], sizes = [5000, 128], strides = [1, 1]} : vector<5000x384xf32> to vector<5000x128xf32>
    %mul3A = arith.mulf %logistic3A_40, %slice3A_51 : vector<5000x128xf32>
    %add3A_52 = arith.addf %slice3A_50, %mul3A : vector<5000x128xf32>
    %tanh3A = math.tanh %add3A_52 : vector<5000x128xf32>
    %sub3A = arith.constant 1.000000e+00 : f32
    %sub3A_53 = vector.broadcast %sub3A : f32 to vector<5000x128xf32>
    %sub3A_54 = arith.subf %sub3A_53, %logistic3A_49 : vector<5000x128xf32>
    %mul3A_55 = arith.mulf %sub3A_54, %tanh3A : vector<5000x128xf32>
    %mul3A_56 = arith.mulf %logistic3A_49, %get3A_11 : vector<5000x128xf32>
    %add3A_57 = arith.addf %mul3A_55, %mul3A_56 : vector<5000x128xf32>
    %swap3A = arith.constant 0 : index
    %swap3A_58 = arith.constant 0 : index
    %swap3A_59 = vector.load %arg10[%swap3A, %swap3A_58] : memref<5000x128xf32, #tpu.memory_space<vmem>>, vector<5000x128xf32>
    tpu.vector_store %arg10[%swap3A, %swap3A_58], %add3A_57 {strides = array<i32>} : memref<5000x128xf32, #tpu.memory_space<vmem>>, vector<5000x128xf32>,
    %get3A_60 = arith.constant 0 : index
    %get3A_61 = arith.constant 0 : index
    %get3A_62 = vector.load %arg8[%get3A_60, %get3A_61] : memref<128x128xf32, #tpu.memory_space<vmem>>, vector<128x128xf32>
    %convert_element_type3A_63 = arith.truncf %add3A_57 : vector<5000x128xf32> to vector<5000x128xbf16>
    %convert_element_type3A_64 = arith.truncf %get3A_62 : vector<128x128xf32> to vector<128x128xbf16>
    %dot_general3A_65 = arith.constant dense<0.000000e+00> : vector<5000x128xf32>
    %dot_general3A_66 = tpu.matmul %convert_element_type3A_63, %convert_element_type3A_64, %dot_general3A_65 {dimension_numbers = #tpu.dot_dimension_numbers<[1], [0], [0], [1], [0, 0, 1, 1], [], []>, transpose_lhs_hint = false} : vector<5000x128xbf16>, vector<128x128xbf16>, vector<5000x128xf32> -> vector<5000x128xf32>
    %get3A_67 = arith.constant 0 : index
    %get3A_68 = arith.constant 0 : index
    %get3A_69 = vector.load %arg9[%get3A_67, %get3A_68] : memref<1x128xf32, #tpu.memory_space<vmem>>, vector<1x128xf32>
    %add3A_70 = vector.broadcast %get3A_69 : vector<1x128xf32> to vector<5000x128xf32>
    %add3A_71 = arith.addf %dot_general3A_66, %add3A_70 : vector<5000x128xf32>
    %swap3A_72 = arith.constant 0 : index
    %swap3A_73 = arith.constant 0 : index
    %swap3A_74 = vector.load %arg11[%swap3A_72, %swap3A_73] : memref<5000x128xf32, #tpu.memory_space<vmem>>, vector<5000x128xf32>
    tpu.vector_store %arg11[%swap3A_72, %swap3A_73], %add3A_71 {strides = array<i32>} : memref<5000x128xf32, #tpu.memory_space<vmem>>, vector<5000x128xf32>,
    return
  }
  func.func @transform_0(%arg0: i32) -> (i32, i32, i32) {
    %c0_i32 = arith.constant 0 : i32
    %c0_i32_0 = arith.constant 0 : i32
    %c0_i32_1 = arith.constant 0 : i32
    return %c0_i32, %arg0, %c0_i32_0 : i32, i32, i32
  }
  func.func @transform_1(%arg0: i32) -> (i32, i32, i32) {
    %c1_i32 = arith.constant 1 : i32
    %c0_i32 = arith.constant 0 : i32
    %c0_i32_0 = arith.constant 0 : i32
    return %c1_i32, %arg0, %c0_i32 : i32, i32, i32
  }
  func.func @transform_2(%arg0: i32) -> (i32, i32) {
    %c0_i32 = arith.constant 0 : i32
    %c0_i32_0 = arith.constant 0 : i32
    return %arg0, %c0_i32 : i32, i32
  }
  func.func @transform_3(%arg0: i32) -> (i32, i32) {
    %c0_i32 = arith.constant 0 : i32
    %c0_i32_0 = arith.constant 0 : i32
    %c0_i32_1 = arith.constant 0 : i32
    return %c0_i32, %c0_i32_0 : i32, i32
  }
  func.func @transform_4(%arg0: i32) -> (i32, i32) {
    %c0_i32 = arith.constant 0 : i32
    %c0_i32_0 = arith.constant 0 : i32
    %c0_i32_1 = arith.constant 0 : i32
    return %c0_i32, %c0_i32_0 : i32, i32
  }
  func.func @transform_5(%arg0: i32) -> (i32, i32) {
    %c0_i32 = arith.constant 0 : i32
    %c0_i32_0 = arith.constant 0 : i32
    %c0_i32_1 = arith.constant 0 : i32
    return %c0_i32, %c0_i32_0 : i32, i32
  }
  func.func @transform_6(%arg0: i32) -> (i32, i32) {
    %c0_i32 = arith.constant 0 : i32
    %c0_i32_0 = arith.constant 0 : i32
    %c0_i32_1 = arith.constant 0 : i32
    return %c0_i32, %c0_i32_0 : i32, i32
  }
  func.func @transform_7(%arg0: i32) -> (i32, i32) {
    %c0_i32 = arith.constant 0 : i32
    %c0_i32_0 = arith.constant 0 : i32
    %c0_i32_1 = arith.constant 0 : i32
    return %c0_i32, %c0_i32_0 : i32, i32
  }
  func.func @transform_8(%arg0: i32) -> (i32, i32) {
    %c0_i32 = arith.constant 0 : i32
    %c0_i32_0 = arith.constant 0 : i32
    %c0_i32_1 = arith.constant 0 : i32
    return %c0_i32, %c0_i32_0 : i32, i32
  }
  func.func @transform_9(%arg0: i32) -> (i32, i32) {
    %c0_i32 = arith.constant 0 : i32
    %c0_i32_0 = arith.constant 0 : i32
    return %arg0, %c0_i32 : i32, i32
  }
  func.func @transform_10(%arg0: i32) -> (i32, i32) {
    %c0_i32 = arith.constant 0 : i32
    %c0_i32_0 = arith.constant 0 : i32
    return %arg0, %c0_i32 : i32, i32
  }
}

module attributes {stable_mosaic.version = 14 : i64} {
  func.func @_gru_last_body(%arg0: i32, %arg1: memref<1x5000x128xf32, #tpu.memory_space<vmem>>, %arg2: memref<1x5000x128xf32, #tpu.memory_space<vmem>>, %arg3: memref<5000x128xf32, #tpu.memory_space<vmem>>, %arg4: memref<128x384xf32, #tpu.memory_space<vmem>>, %arg5: memref<1x384xf32, #tpu.memory_space<vmem>>, %arg6: memref<128x384xf32, #tpu.memory_space<vmem>>, %arg7: memref<1x384xf32, #tpu.memory_space<vmem>>, %arg8: memref<128x128xf32, #tpu.memory_space<vmem>>, %arg9: memref<1x128xf32, #tpu.memory_space<vmem>>, %arg10: memref<5000x128xf32, #tpu.memory_space<vmem>>) attributes {dimension_semantics = [#tpu.dimension_semantics<arbitrary>], iteration_bounds = array<i64: 2>, scalar_prefetch = 0 : i64, scratch_operands = 0 : i64, tpu.core_type = #tpu.core_type<tc>, window_params = [{transform_indices = @transform_0, window_bounds = array<i64: 1, 5000, 128>}, {transform_indices = @transform_1, window_bounds = array<i64: 1, 5000, 128>}, {transform_indices = @transform_2, window_bounds = array<i64: 5000, 128>}, {pipeline_mode = #tpu.pipeline_mode<synchronous>, transform_indices = @transform_3, window_bounds = array<i64: 128, 384>}, {pipeline_mode = #tpu.pipeline_mode<synchronous>, transform_indices = @transform_4, window_bounds = array<i64: 1, 384>}, {pipeline_mode = #tpu.pipeline_mode<synchronous>, transform_indices = @transform_5, window_bounds = array<i64: 128, 384>}, {pipeline_mode = #tpu.pipeline_mode<synchronous>, transform_indices = @transform_6, window_bounds = array<i64: 1, 384>}, {pipeline_mode = #tpu.pipeline_mode<synchronous>, transform_indices = @transform_7, window_bounds = array<i64: 128, 128>}, {pipeline_mode = #tpu.pipeline_mode<synchronous>, transform_indices = @transform_8, window_bounds = array<i64: 1, 128>}, {transform_indices = @transform_9, window_bounds = array<i64: 5000, 128>}]} {
    %get3A = arith.constant 0 : index
    %get3A_0 = arith.constant 0 : index
    %get3A_1 = arith.constant 0 : index
    %get3A_2 = vector.load %arg1[%get3A, %get3A_0, %get3A_1] : memref<1x5000x128xf32, #tpu.memory_space<vmem>>, vector<1x5000x128xf32>
    %get3A_3 = vector.shape_cast %get3A_2 : vector<1x5000x128xf32> to vector<5000x128xf32>
    %get3A_4 = arith.constant 0 : index
    %get3A_5 = arith.constant 0 : index
    %get3A_6 = arith.constant 0 : index
    %get3A_7 = vector.load %arg2[%get3A_4, %get3A_5, %get3A_6] : memref<1x5000x128xf32, #tpu.memory_space<vmem>>, vector<1x5000x128xf32>
    %get3A_8 = vector.shape_cast %get3A_7 : vector<1x5000x128xf32> to vector<5000x128xf32>
    %add3A = arith.addf %get3A_3, %get3A_8 : vector<5000x128xf32>
    %get3A_9 = arith.constant 0 : index
    %get3A_10 = arith.constant 0 : index
    %get3A_11 = vector.load %arg3[%get3A_9, %get3A_10] : memref<5000x128xf32, #tpu.memory_space<vmem>>, vector<5000x128xf32>
    %get3A_12 = arith.constant 0 : index
    %get3A_13 = arith.constant 0 : index
    %get3A_14 = vector.load %arg4[%get3A_12, %get3A_13] : memref<128x384xf32, #tpu.memory_space<vmem>>, vector<128x384xf32>
    %convert_element_type3A = arith.truncf %add3A : vector<5000x128xf32> to vector<5000x128xbf16>
    %convert_element_type3A_15 = arith.truncf %get3A_14 : vector<128x384xf32> to vector<128x384xbf16>
    %dot_general3A = arith.constant dense<0.000000e+00> : vector<5000x384xf32>
    %dot_general3A_16 = tpu.matmul %convert_element_type3A, %convert_element_type3A_15, %dot_general3A {dimension_numbers = #tpu.dot_dimension_numbers<[1], [0], [0], [1], [0, 0, 1, 1], [], []>, transpose_lhs_hint = false} : vector<5000x128xbf16>, vector<128x384xbf16>, vector<5000x384xf32> -> vector<5000x384xf32>
    %get3A_17 = arith.constant 0 : index
    %get3A_18 = arith.constant 0 : index
    %get3A_19 = vector.load %arg5[%get3A_17, %get3A_18] : memref<1x384xf32, #tpu.memory_space<vmem>>, vector<1x384xf32>
    %add3A_20 = vector.broadcast %get3A_19 : vector<1x384xf32> to vector<5000x384xf32>
    %add3A_21 = arith.addf %dot_general3A_16, %add3A_20 : vector<5000x384xf32>
    %get3A_22 = arith.constant 0 : index
    %get3A_23 = arith.constant 0 : index
    %get3A_24 = vector.load %arg6[%get3A_22, %get3A_23] : memref<128x384xf32, #tpu.memory_space<vmem>>, vector<128x384xf32>
    %convert_element_type3A_25 = arith.truncf %get3A_11 : vector<5000x128xf32> to vector<5000x128xbf16>
    %convert_element_type3A_26 = arith.truncf %get3A_24 : vector<128x384xf32> to vector<128x384xbf16>
    %dot_general3A_27 = arith.constant dense<0.000000e+00> : vector<5000x384xf32>
    %dot_general3A_28 = tpu.matmul %convert_element_type3A_25, %convert_element_type3A_26, %dot_general3A_27 {dimension_numbers = #tpu.dot_dimension_numbers<[1], [0], [0], [1], [0, 0, 1, 1], [], []>, transpose_lhs_hint = false} : vector<5000x128xbf16>, vector<128x384xbf16>, vector<5000x384xf32> -> vector<5000x384xf32>
    %get3A_29 = arith.constant 0 : index
    %get3A_30 = arith.constant 0 : index
    %get3A_31 = vector.load %arg7[%get3A_29, %get3A_30] : memref<1x384xf32, #tpu.memory_space<vmem>>, vector<1x384xf32>
    %add3A_32 = vector.broadcast %get3A_31 : vector<1x384xf32> to vector<5000x384xf32>
    %add3A_33 = arith.addf %dot_general3A_28, %add3A_32 : vector<5000x384xf32>
    %slice3A = vector.extract_strided_slice %add3A_21 {offsets = [0, 0], sizes = [5000, 128], strides = [1, 1]} : vector<5000x384xf32> to vector<5000x128xf32>
    %slice3A_34 = vector.extract_strided_slice %add3A_33 {offsets = [0, 0], sizes = [5000, 128], strides = [1, 1]} : vector<5000x384xf32> to vector<5000x128xf32>
    %add3A_35 = arith.addf %slice3A, %slice3A_34 : vector<5000x128xf32>
    %logistic3A = arith.negf %add3A_35 : vector<5000x128xf32>
    %logistic3A_36 = math.exp %logistic3A : vector<5000x128xf32>
    %logistic3A_37 = arith.constant 1.000000e+00 : f32
    %logistic3A_38 = vector.broadcast %logistic3A_37 : f32 to vector<5000x128xf32>
    %logistic3A_39 = arith.addf %logistic3A_38, %logistic3A_36 : vector<5000x128xf32>
    %logistic3A_40 = arith.divf %logistic3A_38, %logistic3A_39 : vector<5000x128xf32>
    %slice3A_41 = vector.extract_strided_slice %add3A_21 {offsets = [0, 128], sizes = [5000, 128], strides = [1, 1]} : vector<5000x384xf32> to vector<5000x128xf32>
    %slice3A_42 = vector.extract_strided_slice %add3A_33 {offsets = [0, 128], sizes = [5000, 128], strides = [1, 1]} : vector<5000x384xf32> to vector<5000x128xf32>
    %add3A_43 = arith.addf %slice3A_41, %slice3A_42 : vector<5000x128xf32>
    %logistic3A_44 = arith.negf %add3A_43 : vector<5000x128xf32>
    %logistic3A_45 = math.exp %logistic3A_44 : vector<5000x128xf32>
    %logistic3A_46 = arith.constant 1.000000e+00 : f32
    %logistic3A_47 = vector.broadcast %logistic3A_46 : f32 to vector<5000x128xf32>
    %logistic3A_48 = arith.addf %logistic3A_47, %logistic3A_45 : vector<5000x128xf32>
    %logistic3A_49 = arith.divf %logistic3A_47, %logistic3A_48 : vector<5000x128xf32>
    %slice3A_50 = vector.extract_strided_slice %add3A_21 {offsets = [0, 256], sizes = [5000, 128], strides = [1, 1]} : vector<5000x384xf32> to vector<5000x128xf32>
    %slice3A_51 = vector.extract_strided_slice %add3A_33 {offsets = [0, 256], sizes = [5000, 128], strides = [1, 1]} : vector<5000x384xf32> to vector<5000x128xf32>
    %mul3A = arith.mulf %logistic3A_40, %slice3A_51 : vector<5000x128xf32>
    %add3A_52 = arith.addf %slice3A_50, %mul3A : vector<5000x128xf32>
    %tanh3A = math.tanh %add3A_52 : vector<5000x128xf32>
    %sub3A = arith.constant 1.000000e+00 : f32
    %sub3A_53 = vector.broadcast %sub3A : f32 to vector<5000x128xf32>
    %sub3A_54 = arith.subf %sub3A_53, %logistic3A_49 : vector<5000x128xf32>
    %mul3A_55 = arith.mulf %sub3A_54, %tanh3A : vector<5000x128xf32>
    %mul3A_56 = arith.mulf %logistic3A_49, %get3A_11 : vector<5000x128xf32>
    %add3A_57 = arith.addf %mul3A_55, %mul3A_56 : vector<5000x128xf32>
    %get3A_58 = arith.constant 0 : index
    %get3A_59 = arith.constant 0 : index
    %get3A_60 = vector.load %arg8[%get3A_58, %get3A_59] : memref<128x128xf32, #tpu.memory_space<vmem>>, vector<128x128xf32>
    %convert_element_type3A_61 = arith.truncf %add3A_57 : vector<5000x128xf32> to vector<5000x128xbf16>
    %convert_element_type3A_62 = arith.truncf %get3A_60 : vector<128x128xf32> to vector<128x128xbf16>
    %dot_general3A_63 = arith.constant dense<0.000000e+00> : vector<5000x128xf32>
    %dot_general3A_64 = tpu.matmul %convert_element_type3A_61, %convert_element_type3A_62, %dot_general3A_63 {dimension_numbers = #tpu.dot_dimension_numbers<[1], [0], [0], [1], [0, 0, 1, 1], [], []>, transpose_lhs_hint = false} : vector<5000x128xbf16>, vector<128x128xbf16>, vector<5000x128xf32> -> vector<5000x128xf32>
    %get3A_65 = arith.constant 0 : index
    %get3A_66 = arith.constant 0 : index
    %get3A_67 = vector.load %arg9[%get3A_65, %get3A_66] : memref<1x128xf32, #tpu.memory_space<vmem>>, vector<1x128xf32>
    %add3A_68 = vector.broadcast %get3A_67 : vector<1x128xf32> to vector<5000x128xf32>
    %add3A_69 = arith.addf %dot_general3A_64, %add3A_68 : vector<5000x128xf32>
    %tanh3A_70 = math.tanh %add3A_69 : vector<5000x128xf32>
    %swap3A = arith.constant 0 : index
    %swap3A_71 = arith.constant 0 : index
    %swap3A_72 = vector.load %arg10[%swap3A, %swap3A_71] : memref<5000x128xf32, #tpu.memory_space<vmem>>, vector<5000x128xf32>
    tpu.vector_store %arg10[%swap3A, %swap3A_71], %tanh3A_70 {strides = array<i32>} : memref<5000x128xf32, #tpu.memory_space<vmem>>, vector<5000x128xf32>,
    return
  }
  func.func @transform_0(%arg0: i32) -> (i32, i32, i32) {
    %c0_i32 = arith.constant 0 : i32
    %c0_i32_0 = arith.constant 0 : i32
    %c0_i32_1 = arith.constant 0 : i32
    return %c0_i32, %arg0, %c0_i32_0 : i32, i32, i32
  }
  func.func @transform_1(%arg0: i32) -> (i32, i32, i32) {
    %c1_i32 = arith.constant 1 : i32
    %c0_i32 = arith.constant 0 : i32
    %c0_i32_0 = arith.constant 0 : i32
    return %c1_i32, %arg0, %c0_i32 : i32, i32, i32
  }
  func.func @transform_2(%arg0: i32) -> (i32, i32) {
    %c0_i32 = arith.constant 0 : i32
    %c0_i32_0 = arith.constant 0 : i32
    return %arg0, %c0_i32 : i32, i32
  }
  func.func @transform_3(%arg0: i32) -> (i32, i32) {
    %c0_i32 = arith.constant 0 : i32
    %c0_i32_0 = arith.constant 0 : i32
    %c0_i32_1 = arith.constant 0 : i32
    return %c0_i32, %c0_i32_0 : i32, i32
  }
  func.func @transform_4(%arg0: i32) -> (i32, i32) {
    %c0_i32 = arith.constant 0 : i32
    %c0_i32_0 = arith.constant 0 : i32
    %c0_i32_1 = arith.constant 0 : i32
    return %c0_i32, %c0_i32_0 : i32, i32
  }
  func.func @transform_5(%arg0: i32) -> (i32, i32) {
    %c0_i32 = arith.constant 0 : i32
    %c0_i32_0 = arith.constant 0 : i32
    %c0_i32_1 = arith.constant 0 : i32
    return %c0_i32, %c0_i32_0 : i32, i32
  }
  func.func @transform_6(%arg0: i32) -> (i32, i32) {
    %c0_i32 = arith.constant 0 : i32
    %c0_i32_0 = arith.constant 0 : i32
    %c0_i32_1 = arith.constant 0 : i32
    return %c0_i32, %c0_i32_0 : i32, i32
  }
  func.func @transform_7(%arg0: i32) -> (i32, i32) {
    %c0_i32 = arith.constant 0 : i32
    %c0_i32_0 = arith.constant 0 : i32
    %c0_i32_1 = arith.constant 0 : i32
    return %c0_i32, %c0_i32_0 : i32, i32
  }
  func.func @transform_8(%arg0: i32) -> (i32, i32) {
    %c0_i32 = arith.constant 0 : i32
    %c0_i32_0 = arith.constant 0 : i32
    %c0_i32_1 = arith.constant 0 : i32
    return %c0_i32, %c0_i32_0 : i32, i32
  }
  func.func @transform_9(%arg0: i32) -> (i32, i32) {
    %c0_i32 = arith.constant 0 : i32
    %c0_i32_0 = arith.constant 0 : i32
    return %arg0, %c0_i32 : i32, i32
  }
}

</mosaic_0001>

<sc_bundles>
// kernel: kernel.12.cloned.1.call-start
scs
__scs_entry_jumppad:
0x0: {  	(pc) =	sbr.rel $0x88, $3  }
0x1: {  	(tag) =	ssettag $0x0;
	lr =	simm.s32 $0x1  }
0x2: {  	[smem:$0x3F95] =	sst lr;
	_ =	strace $0xD0000000  }
0x3: {  	_ = 	snop  }
0x4: {  	_ = 	snop  }
0x5: {  	_ = 	snop  }
0x6: {  	_ = 	snop  }
0x7: {  	_ = 	snop  }
__scs_overlays_trampoline_lowered:
0x8: {  	[smem:$0x3FA4] =	sst s0  }
0x9: {  	[smem:$0x3FA5] =	sst s1  }
0xa: {  	[smem:$0x3FA6] =	sst s2  }
0xb: {  	[smem:$0x3FA7] =	sst s3  }
0xc: {  	[smem:$0x3FA8] =	sst s4  }
0xd: {  	[smem:$0x3FA9] =	sst s5  }
0xe: {  	[smem:$0x3FAA] =	sst s6  }
0xf: {  	[smem:$0x3FAB] =	sst s7  }
0x10: {  	[smem:$0x3FAC] =	sst s8  }
0x11: {  	[smem:$0x3FAD] =	sst s9;
	s0 =	simm.s32 @!p0 $0x0  }
0x12: {  	s1 =	sld [smem:$0x3F93];
	s0 =	simm.s32 @p0 $0x1  }
0x13: {  	[smem:$0x3FAE] =	sst s0;
	s0 =	simm.s32 @!p1 $0x0  }
0x14: {  	s2 =	sld [smem:$0x3F92];
	s0 =	simm.s32 @p1 $0x1  }
0x15: {  	[smem:$0x3FAF] =	sst s0;
	s0 =	simm.s32 @!p2 $0x0  }
0x16: {  	s3 =	sld [smem:$0x3FDB];
	s0 =	simm.s32 @p2 $0x1  }
0x17: {  	s4 =	simm.s32 $0x1BF5;
	[smem:$0x3FB1] =	sst s0  }
0x18: {  	s0 =	sld [smem:$0x3F94];
	_ =	swait.ge [sflag:s4], $0x0  }
0x19: {  	s7 =	sld [smem:$0x3F95]  }
0x1a: {  	s8 =	sadd.s32 $0xFFFFE003, lr  }
0x1b: {  	s9 =	sadd.s32 $0xFFFFFEF7, lr;
	s5 =	simm.s32 $0xFFFFFFFF;
	p2 =	slt.u32 s8, $0xFFFFF086  }
0x1c: {  	p1 =	slt.u32 s9, $0xF7A;
	s5 =	simm.s32 @!p2 $0x0  }
0x1d: {  	s5 =	simm.s32 @p1 $0x1;
	p0 =	seq.s32 s7, s2  }
0x1e: {  	s7 =	smul.u32 @!p0 $0xF7A, s2;
	p2 =	seq.s32 @!p0 s5, $0x0  }
0x1f: {  	s9 =	smul.u32 $0xF7A, s1;
	s8 =	simm.s32 @!p0 $0x1BF5;
	p2 =	por !p2, p0  }
0x20: {  	[sflag:s8] =	ssyncset.s32 @!p0 $0xFFFFF086;
	s6 =	sadd.s32 @!p0 s3, s7;
	s7 =	simm.s32 @!p0 $0x108  }
0x21: {  	s3 =	sadd.s32 s3, s9;
	s6 =	sadd.s32 @!p0 $0x88, s6;
	s7 =	simm.s32 @p2 $0x1082  }
0x22: {  	[simem:s7], [sflag:s8] =	dma.local @!p0 [hbm:s6], $0xF7A  }
0x23: {  	s9 =	sor.u32 $0xD0000000, s2;
	s6 =	simm.s32 $0x108;
	_ =	swait.ge @!p0 [sflag:s8], $0x0  }
0x24: {  	s3 =	sadd.s32 $0x88, s3;
	s6 =	simm.s32 @!p1 $0x1082;
	[sflag:s4] =	ssyncset.s32 $0xFFFFF086  }
0x25: {  	[simem:s6], [sflag:s4] =	dma.local [hbm:s3], $0xF7A  }
0x26: {  	[smem:$0x3F95] =	sst s1;
	(tag) =	ssettag s2;
	_ =	strace s9  }
0x27: {  	s1 =	sld [smem:$0x3FA5]  }
0x28: {  	s2 =	sld [smem:$0x3FA6]  }
0x29: {  	s4 =	sld [smem:$0x3FA8]  }
0x2a: {  	p0 =	seq.s32 s5, $0x0;
	s5 =	sld [smem:$0x3FA9]  }
0x2b: {  	s6 =	sld [smem:$0x3FAA]  }
0x2c: {  	s7 =	sld [smem:$0x3FAB]  }
0x2d: {  	s3 =	simm.s32 $0x108;
	s8 =	sld [smem:$0x3FAC]  }
0x2e: {  	s3 =	simm.s32 @!p0 $0x1082;
	s9 =	sld [smem:$0x3FAD]  }
0x2f: {  	lr =	sadd.s32 s0, s3;
	s0 =	sld [smem:$0x3FA4]  }
0x30: {  	s3 =	sld [smem:$0x3FA7]  }
0x31: {  	[smem:$0x3FB0] =	sst s10  }
0x32: {  	s10 =	sld [smem:$0x3FAE];
	_ =	sdelay $0x3  }
0x33: {  	p0 =	seq.s32 s10, $0x1;
	s10 =	sld [smem:$0x3FB0];
	_ =	sdelay $0x3  }
0x34: {  	[smem:$0x3FB0] =	sst s10  }
0x35: {  	s10 =	sld [smem:$0x3FAF];
	_ =	sdelay $0x3  }
0x36: {  	p1 =	seq.s32 s10, $0x1;
	s10 =	sld [smem:$0x3FB0];
	_ =	sdelay $0x3  }
0x37: {  	[smem:$0x3FB0] =	sst s10  }
0x38: {  	s10 =	sld [smem:$0x3FB1]  }
0x39: {  	_ = 	snop;
	(pc) =	sbr.ind lr, $3  }
0x3a: {  	_ = 	snop  }
0x3b: {  	_ = 	snop  }
0x3c: {  	p2 =	seq.s32 s10, $0x1;
	s10 =	sld [smem:$0x3FB0]  }
0x3d: {  	_ =	shalt  }
0x3e: {  	_ =	shalt  }
0x3f: {  	_ =	shalt  }
0x40: {  	_ =	shalt  }
0x41: {  	_ =	shalt  }
0x42: {  	_ =	shalt  }
0x43: {  	_ =	shalt  }
0x44: {  	_ =	shalt  }
0x45: {  	_ =	shalt  }
0x46: {  	_ =	shalt  }
0x47: {  	_ =	shalt  }
0x48: {  	_ =	shalt  }
0x49: {  	_ =	shalt  }
0x4a: {  	_ =	shalt  }
0x4b: {  	_ =	shalt  }
0x4c: {  	_ =	shalt  }
0x4d: {  	_ =	shalt  }
0x4e: {  	_ =	shalt  }
0x4f: {  	_ =	shalt  }
0x50: {  	_ =	shalt  }
0x51: {  	_ =	shalt  }
0x52: {  	_ =	shalt  }
0x53: {  	_ =	shalt  }
0x54: {  	_ =	shalt  }
0x55: {  	_ =	shalt  }
0x56: {  	_ =	shalt  }
0x57: {  	_ =	shalt  }
0x58: {  	_ =	shalt  }
0x59: {  	_ =	shalt  }
0x5a: {  	_ =	shalt  }
0x5b: {  	_ =	shalt  }
0x5c: {  	_ =	shalt  }
0x5d: {  	_ =	shalt  }
0x5e: {  	_ =	shalt  }
0x5f: {  	_ =	shalt  }
0x60: {  	_ =	shalt  }
0x61: {  	_ =	shalt  }
0x62: {  	_ =	shalt  }
0x63: {  	_ =	shalt  }
0x64: {  	_ =	shalt  }
0x65: {  	_ =	shalt  }
0x66: {  	_ =	shalt  }
0x67: {  	_ =	shalt  }
0x68: {  	_ =	shalt  }
0x69: {  	_ =	shalt  }
0x6a: {  	_ =	shalt  }
0x6b: {  	_ =	shalt  }
0x6c: {  	_ =	shalt  }
0x6d: {  	_ =	shalt  }
0x6e: {  	_ =	shalt  }
0x6f: {  	_ =	shalt  }
0x70: {  	_ =	shalt  }
0x71: {  	_ =	shalt  }
0x72: {  	_ =	shalt  }
0x73: {  	_ =	shalt  }
0x74: {  	_ =	shalt  }
0x75: {  	_ =	shalt  }
0x76: {  	_ =	shalt  }
0x77: {  	_ =	shalt  }
0x78: {  	_ =	shalt  }
0x79: {  	_ =	shalt  }
0x7a: {  	_ =	shalt  }
0x7b: {  	_ =	shalt  }
0x7c: {  	_ =	shalt  }
0x7d: {  	_ =	shalt  }
0x7e: {  	_ =	shalt  }
0x7f: {  	_ =	shalt  }
0x80: {  	_ =	shalt  }
0x81: {  	_ =	shalt  }
0x82: {  	_ =	shalt  }
0x83: {  	_ =	shalt  }
0x84: {  	_ =	shalt  }
0x85: {  	_ =	shalt  }
0x86: {  	_ =	shalt  }
0x87: {  	_ =	shalt  }
.Lfunc_end0:
.L_simem_size_0:
called_computation.1_lowered:
.L_overlay_start_0:
0x88: {  	s2 =	sld [smem:$0x3FD9]  }
0x89: {  	s3 =	sld [smem:$0x3FFE];
	_ =	sdelay $0x1  }
0x8a: {  	s1 =	srdreg.scid  }
0x8b: {  	s0 =	sand.u32 $0x1, s1  }
0x8c: {  	s17 =	sshll.u32 s0, $0xA;
	s2 =	sadd.s32 s3, s2  }
0x8d: {  	s2 =	sadd.s32 s2, s17  }
0x8e: {  	[smem:$0x3FBC] =	sst s2  }
0x8f: {  	_ = 	snop  }
0x90: {  	s2 =	sld [smem:$0x3FD0];
	(tm) =	ssettm $0x1  }
0x91: {  	s18 =	sld [smem:$0x3FFB];
	_ =	sdelay $0x3  }
0x92: {  	_ =	strace s18  }
0x93: {  	s3 =	sld [smem:$0x3FFC];
	_ =	sdelay $0x3  }
0x94: {  	_ =	strace s3  }
0x95: {  	s3 =	sld [smem:$0x3FFD];
	_ =	sdelay $0x3  }
0x96: {  	_ =	strace s3  }
0x97: {  	_ =	strace $0x8FFFFFFF  }
0x98: {  	s19 =	sld [smem:$0x3FDB];
	_ =	sdelay $0x1  }
0x99: {  	s4 =	simm.s32 $_scs_section_size  }
0x9a: {  	s5 =	simm.s32 $_size__tile_overlayer_lowered;
	s6 =	simm.s32 $_tile_overlayer_lowered  }
0x9b: {  	s22 =	simm.s32 $0x1BFF;
	s21 =	sshll.u32 s6, $0x1;
	s3 =	sadd.s32 s4, s19  }
0x9c: {  	s7 =	simm.s32 $0x0;
	s20 =	sshll.u32 s5, $0x1;
	s5 =	sadd.s32 s21, s3  }
0x9d: {  	[timem:s7], [sflag:s22] =	dma.local [hbm:s5], s20  }
0x9e: {  	_ =	swait.ge [sflag:s22], s20  }
0x9f: {  	s4 =	ssub.s32 $0x0, s20;
	[sflag:s22] =	ssyncset.done $0x0  }
0xa0: {  	[sflag:s22] =	ssyncadd.s32 s4;
	_ =	sdelay $0x1  }
0xa1: {  	s23 =	simm.s32 $0x1B8B  }
0xa2: {  	_ =	swait.ge [sflag:s23], $0x1  }
0xa3: {  	[sflag:s23] =	ssyncset.done $0x0  }
0xa4: {  	s25 =	simm.s32 $0x1B8E;
	s24 =	sld [smem:$0x3FFE];
	[sflag:s23] =	ssyncadd.s32 $0xFFFFFFFF  }
0xa5: {  	s26 =	simm.s32 $execute0_lowered;
	[smem:$0x3FD2] =	sst s25  }
0xa6: {  	s5 =	sshll.u32 s26, $0x1;
	_ =	strace $0x80000049;
	[dreg:$0x1] =	wrdreg $0xFFFFFFFF  }
0xa7: {  	s28 =	simm.s32 $_size_execute0_lowered;
	s3 =	sadd.s32 s3, s5;
	[dreg:$0x0] =	wrdreg $0x0  }
0xa8: {  	s5 =	sshll.u32 s28, $0x1;
	[dreg:$0x2] =	wrdreg s3  }
0xa9: {  	[dreg:$0x3] =	wrdreg s5  }
0xaa: {  	[dreg:$0x4] =	wrdreg $0xC0  }
0xab: {  	_ =	task [dreg:s7], $0x5FFFF  }
0xac: {  	[dreg:$0x1] =	wrdreg $0xFFFFFFFF  }
0xad: {  	[dreg:$0x0] =	wrdreg $0x60  }
0xae: {  	[dreg:$0x2] =	wrdreg s2  }
0xaf: {  	[dreg:$0x3] =	wrdreg s24  }
0xb0: {  	[dreg:$0x4] =	wrdreg $0xC4000  }
0xb1: {  	[dreg:$0x5] =	wrdreg $0x9  }
0xb2: {  	_ =	task.clear_ibuf [dreg:s7], $0x6FFFF;
	_ =	strace $0x90000049  }
0xb3: {  	s29 =	simm.s32 $0x9;
	_ =	strace $0x8000004B  }
0xb4: {  	_ =	swait.ge [sflag:s29], $0x1  }
0xb5: {  	[sflag:s29] =	ssyncadd.s32 $0xFFFFFFFF  }
0xb6: {  	_ =	strace $0x9000004B  }
0xb7: {  	_ =	sfence  }
0xb8: {  	s30 =	sld [smem:$0x0];
	_ =	sdelay $0x2  }
0xb9: {  	s31 =	sshll.u32 s1, $0xD;
	s1 =	sshrl.u32 s1, $0x2  }
0xba: {  	s3 =	sand.u32 $0x4000, s31;
	s1 =	sadd.s32 s1, s30  }
0xbb: {  	s0 =	sor.u32 s3, s0;
	s1 =	sshll.u32 s1, $0x11  }
0xbc: {  	s0 =	sor.u32 s1, s0  }
0xbd: {  	s0 =	sadd.s32 $0x8F2B, s0  }
0xbe: {  	[sflag:s0] =	ssyncadd.remote.s32 $0x1  }
0xbf: {  	_ =	sfence.sel $0xFFFF  }
0xc0: {  	[dreg:$0x0] =	wrdreg $0xFFFFFFFF;
	(pc) =	sbr.abs _section_cstart, $3  }
0xc1: {  	[dreg:$0x1] =	wrdreg $0xFFFFFFFF  }
0xc2: {  	_ =	task.clear_ibuf [dreg:s7], $0x2FFFF;
	_ =	strace $0x9FFFFFFF  }
0xc3: {  	(tm) =	ssettm $0x7FFFFFFF  }
tec
execute0_lowered:
.L_overlay_start_1:
0x0: {  	(tag) =	ssettag $0x1  }
0x1: {  	s2 =	rddreg [dreg:$0x0]  }
0x2: {  	s0 =	rddreg [dreg:$0x1]  }
0x3: {  	s3 =	rddreg [dreg:$0x2]  }
0x4: {  	s4 =	stileid.u32;
	s1 =	srdreg.scid  }
0x5: {  	s5 =	simm.s32 $0x0;
	s7 =	smul.u32 $0x13C00, s4;
	s1 =	sand.u32 $0x1, s1  }
0x6: {  	[smem:$0x7FF] =	sst s5;
	s19 =	sadd.s32 $0x2C00, s0;
	s11 =	smul.u32 $0x4F000, s4  }
0x7: {  	s12 =	sadd.s32 $0xDC00, s0;
	s31 =	sshll.u32 s4, $0x6;
	s8 =	smul.u32 $0x13C000, s1  }
0x8: {  	_ =	strace $0x8000004A;
	s9 =	sshll.u32 s1, $0x4;
	s1 =	ssub.s32 $0x2, s1  }
0x9: {  	s9 =	sor.u32 s4, s9;
	s10 =	sshrl.u32 s7, $0x3;
	s25 =	sshrl.u32 s11, $0x2  }
0xa: {  	s21 =	sshrl.u32 s1, $0x1;
	s6 =	smul.u32 $0x2C00, s9;
	s28 =	sadd.s32 s25, s3  }
0xb: {  	s8 =	sadd.s32 s7, s8;
	s20 =	sadd.s32 s10, s0;
	[dreg:$0x9] =	wrdreg s28  }
0xc: {  	s1 =	ssub.s32 s1, s21;
	s29 =	sadd.s32 $0x18C00, s20;
	[dreg:$0x4] =	wrdreg s6  }
0xd: {  	s30 =	smax.u32 s1, $0x1;
	s22 =	sshrl.u32 s6, $0x3;
	[dreg:$0xa] =	wrdreg s29  }
0xe: {  	s8 =	sshrl.u32 s8, $0x3;
	[dreg:$0xc] =	wrdreg s30;
	s6 =	sadd.s32 s19, s22  }
0xf: {  	s0 =	sadd.s32 s8, s0;
	s24 =	sadd.s32 s12, s22;
	[dreg:$0x5] =	wrdreg s6  }
0x10: {  	s23 =	sadd.s32 $0x80, s22;
	s0 =	sadd.s32 $0x40400, s0;
	[dreg:$0x6] =	wrdreg s24  }
0x11: {  	s7 =	smov.u32 s12;
	s5 =	sadd.s32 s19, s23;
	[dreg:$0xb] =	wrdreg s0  }
0x12: {  	s21 =	simm.s32 $0x78;
	s26 =	sadd.s32 s12, s23;
	[dreg:$0x7] =	wrdreg s5  }
0x13: {  	s1 =	simm.s32 $0x0;
	[dreg:$0x8] =	wrdreg s26;
	s5 =	sor.u32 $0x1C0B, s31  }
0x14: {  	s8 =	simm.s32 $0xB;
	s6 =	smov.u32 s19;
	[dreg:$0xd] =	wrdreg s5  }
.LBB2_1:
0x15: {  	[dreg:$0xe] =	wrdreg s1  }
0x16: {  	s0 =	simm.s32 $0x0;
	s17 =	rddreg [dreg:$0x5]  }
0x17: {  	[tilespmem:s0], [sflag:$0x7] =	stream.linear.gather [hbm4b:s17+s0], $0x400, $0x38;
	v63 =	vld [tilespmem:$0x0]  }
0x18: {  	s18 =	rddreg [dreg:$0x6];
	s4 =	simm.s32 $0x800  }
0x19: {  	[tilespmem:s4], [sflag:$0x9] =	stream.linear.gather [hbm4b:s18+s0], $0x400, $0x38;
	v63 =	vld [tilespmem:$0x0]  }
0x1a: {  	s19 =	rddreg [dreg:$0x7];
	s20 =	simm.s32 $0x400  }
0x1b: {  	[tilespmem:s20], [sflag:$0x8] =	stream.linear.gather [hbm4b:s19+s0], $0x400, $0x38;
	v63 =	vld [tilespmem:$0x0]  }
0x1c: {  	s22 =	rddreg [dreg:$0x8];
	s23 =	simm.s32 $0xC00;
	s24 =	simm.s32 $0x7  }
0x1d: {  	[tilespmem:s23], [sflag:$0xA] =	stream.linear.gather [hbm4b:s22+s0], $0x400, $0x38;
	v63 =	vld [tilespmem:$0x0]  }
0x1e: {  	_ =	swait.ge [sflag:s24], $0x400  }
0x1f: {  	[sflag:s24] =	ssyncset.done $0x0  }
0x20: {  	s25 =	simm.s32 $0x9;
	[sflag:s24] =	ssyncadd.s32 $0xFFFFFC00  }
0x21: {  	_ =	swait.ge [sflag:s25], $0x400  }
0x22: {  	s14 =	simm.s32 $0x1000;
	[sflag:s25] =	ssyncset.done $0x0;
	s29 =	rddreg [dreg:$0x9]  }
0x23: {  	s31 =	rddreg [dreg:$0xa];
	[sflag:s25] =	ssyncadd.s32 $0xFFFFFC00;
	s30 =	sshrl.u32 s29, $0x3  }
0x24: {  	[tilespmem:s14], [sflag:$0x1] =	stream.indirect.gather [hbm4b:s2+s21], $0x80, s0, s21, $0xb8;
	v63 =	vld [tilespmem:$0x0]  }
0x25: {  	s26 =	simm.s32 $0x80;
	s28 =	simm.s32 $0x4C00;
	[dreg:$0xf] =	wrdreg s30  }
0x26: {  	[tilespmem:s28], [sflag:$0x2] =	stream.indirect.gather [hbm4b:s2+s21], $0x80, s26, s21, $0xb8;
	v63 =	vld [tilespmem:$0x0]  }
0x27: {  	[spmem:s30], [sflag:s5] =	dma.local [hbm:s31], $0x2780  }
0x28: {  	_ =	swait.ge [sflag:s8], $0x2780  }
0x29: {  	p0 =	por $0x0, $0x0;
	s15 =	simm.s32 $0x100;
	[sflag:s8] =	ssyncset.done $0x0  }
0x2a: {  	s16 =	simm.s32 $0x0;
	s17 =	simm.s32 $0x0;
	[sflag:s8] =	ssyncadd.s32 $0xFFFFD880  }
0x2b: {  	s20 =	simm.s32 $0xFFFFFFFF;
	s19 =	simm.s32 $0x0;
	[bflag:$0x0] =	sbarrier.arrive $0xFFFF  }
.LBB2_2:
0x2c: {  	s0 =	simm.s32 $0x1;
	s18 =	sadd.s32 $0x1, s17;
	s4 =	rddreg [dreg:$0x4]  }
0x2d: {  	s13 =	simm.s32 $0x0;
	s30 =	smov.u32 s14;
	s31 =	smov.u32 s20  }
0x2e: {  	s0 =	simm.s32 @!p0 $0x0;
	s1 =	sshll.u32 s18, $0xA;
	s11 =	sand.u32 $0x1, s18  }
0x2f: {  	s0 =	sshll.u32 s0, $0xA;
	s1 =	sadd.s32 s4, s1;
	s23 =	sshll.u32 s11, $0xA  }
0x30: {  	s8 =	sadd.s32 $0x7, s11;
	s11 =	sadd.s32 $0x9, s11;
	s22 =	sor.u32 $0x800, s0  }
0x31: {  	s29 =	sshrl.u32 s1, $0x3;
	s10 =	sor.u32 $0x800, s23;
	s0 =	smov.u32 s15  }
0x32: {  	s1 =	smov.u32 s19;
	s9 =	sadd.s32 s6, s29;
	s12 =	sadd.s32 s7, s29  }
.LBB2_3:
0x33: {  	p1 =	sne.s32 s13, $0x4  }
0x34: {  	p2 =	seq.s32 @p1 s17, $0xA  }
0x35: {  	p3 =	por p2, !p1  }
0x36: {  	p3 =	sne.s32 @!p3 s13, $0x18  }
0x37: {  	p2 =	por @p1 p3, p2  }
0x38: {  	p2 =	por p2, !p1  }
0x39: {  	s24 =	smulhi.u32 $0xAAAAAAAB, s1;
	p3 =	seq.s32 @!p1 s17, $0x0;
	_ =	swait.ge @!p2 [sflag:s8], $0x400  }
0x3a: {  	s26 =	smulhi.u32 $0xAAAAAAAB, s31;
	p4 =	por p3, p1;
	[sflag:s8] =	ssyncset.done @!p2 $0x0  }
0x3b: {  	s24 =	sshrl.u32 s24, $0x1;
	p4 =	seq.s32 @!p4 s17, $0xA;
	[sflag:s8] =	ssyncadd.s32 @!p2 $0xFFFFFC00  }
0x3c: {  	s4 =	smul.u32 $0xFFFFFFF4, s24;
	p3 =	por @!p1 p4, p3;
	_ =	swait.ge @!p2 [sflag:s11], $0x400  }
0x3d: {  	s26 =	sshrl.u32 s26, $0x1;
	p1 =	por p3, p1;
	[sflag:s11] =	ssyncset.done @!p2 $0x0  }
0x3e: {  	s4 =	sshra.s32 s4, $0x2;
	s25 =	simm.s32 @!p1 $0x0;
	[sflag:s11] =	ssyncadd.s32 @!p2 $0xFFFFFC00  }
0x3f: {  	[tilespmem:s23], [sflag:s8] =	stream.linear.gather @!p1 [hbm4b:s9+s25], $0x400, $0x38;
	v63 =	vld [tilespmem:$0x0]  }
0x40: {  	s29 =	sshra.s32 s16, $0x2;
	s26 =	smul.u32 $0xFFFFFFF4, s26;
	s28 =	sadd.s32 $0x1, s4  }
0x41: {  	[tilespmem:s10], [sflag:s11] =	stream.linear.gather @!p1 [hbm4b:s12+s25], $0x400, $0x38;
	v63 =	vld [tilespmem:$0x0]  }
0x42: {  	s24 =	smul.u32 $0xFFFD3000, s24;
	s25 =	sadd.s32 s29, s28;
	s28 =	sshra.s32 s13, $0x2  }
0x43: {  	s5 =	sadd.s32 s13, s16;
	s26 =	sshra.s32 s26, $0x2;
	s25 =	sadd.s32 s28, s25  }
0x44: {  	s24 =	sshra.s32 s24, $0x2;
	s4 =	sadd.s32 $0x4, s4;
	_ =	swait.ge [sflag:s25], $0x3C00  }
0x45: {  	s24 =	sadd.s32 s24, s30;
	s4 =	sadd.s32 s29, s4;
	[sflag:s25] =	ssyncset.done $0x0  }
0x46: {  	p1 =	seq.s32 s5, $0x0;
	s4 =	sadd.s32 s28, s4;
	[sflag:s25] =	ssyncadd.s32 $0xFFFFC400  }
0x47: {  	[spmem:s3] =	stream.indirect.scatter.add.f32 [tilespmem:s24], [sflag:s4], $0x80, s22, s21, $0xb8;
	v63 =	vld [tilespmem:$0x0]  }
0x48: {  	s5 =	sshra.s32 @!p1 s16, $0x2;
	s4 =	sadd.s32 $0x3, s26  }
0x49: {  	s4 =	sadd.s32 @!p1 s5, s4;
	s5 =	sshra.s32 @!p1 s13, $0x2  }
0x4a: {  	s4 =	sadd.s32 @!p1 s5, s4  }
0x4b: {  	p2 =	sgt.u32 @!p1 s1, $0x55;
	_ =	swait.ge @!p1 [sflag:s4], $0x3C00  }
0x4c: {  	p2 =	por p1, !p2;
	[sflag:s4] =	ssyncset.done @!p1 $0x0  }
0x4d: {  	[sflag:s4] =	ssyncadd.s32 @!p1 $0xFFFFC400;
	s4 =	sadd.s32 @p2 $0x2, s1  }
0x4e: {  	s5 =	smul.u32 @p2 $0xAB, s4;
	_ =	sdelay $0x1  }
0x4f: {  	s5 =	sshrl.u32 @p2 s5, $0x9  }
0x50: {  	s5 =	sand.u32 @p2 $0x7F, s5  }
0x51: {  	s5 =	smul.u32 @p2 $0x3, s5;
	_ =	sdelay $0x1  }
0x52: {  	s4 =	ssub.s32 @p2 s4, s5  }
0x53: {  	s13 =	sadd.s32 $0x4, s13;
	s4 =	sand.u32 @p2 $0xFF, s4  }
0x54: {  	p1 =	sne.s32 s13, $0x20;
	s5 =	smul.u32 @p2 $0xF000, s4  }
.Ltmp0:
0x55: {  	_ = 	snop;
	(pc) =	sbr.rel @p1 .LBB2_3-.Ltmp0, $4  }
0x56: {  	s31 =	sadd.s32 $0x1, s31;
	s30 =	sadd.s32 $0x3C00, s30;
	s24 =	sand.u32 @p2 $0x780, s0  }
0x57: {  	s22 =	sadd.s32 $0x80, s22;
	s0 =	sadd.s32 $0x80, s0;
	s5 =	sshrl.u32 @p2 s5, $0x2  }
0x58: {  	s1 =	sadd.s32 $0x1, s1;
	s4 =	sadd.s32 @p2 $0x1, s4;
	s5 =	sadd.s32 @p2 $0x1000, s5  }
0x59: {  	[tilespmem:s5], [sflag:s4] =	stream.indirect.gather @p2 [hbm4b:s2+s21], $0x80, s24, s21, $0xb8;
	v63 =	vld [tilespmem:$0x0]  }
0x5a: {  	p1 =	sne.s32 s18, $0xB  }
.Ltmp1:
0x5b: {  	_ = 	snop;
	(pc) =	sbr.rel @p1 .LBB2_2-.Ltmp1, $4  }
0x5c: {  	_ = 	snop  }
0x5d: {  	p0 =	por !p0, !p0  }
0x5e: {  	s16 =	sadd.s32 $0x20, s16;
	s20 =	sadd.s32 $0x8, s20;
	s19 =	sadd.s32 $0x8, s19  }
0x5f: {  	s15 =	sadd.s32 $0x400, s15;
	s14 =	sadd.s32 $0x1E000, s14;
	s17 =	smov.u32 s18  }
0x60: {  	s0 =	simm.s32 $0x4  }
0x61: {  	_ =	swait.ge [sflag:s0], $0x3C00  }
0x62: {  	[sflag:s0] =	ssyncset.done $0x0  }
0x63: {  	[sflag:s0] =	ssyncadd.s32 $0xFFFFC400  }
0x64: {  	[bflag:$0x0] =	sbarrier.arrive $0xFFFF  }
0x65: {  	s29 =	rddreg [dreg:$0xb]  }
0x66: {  	s5 =	rddreg [dreg:$0xd]  }
0x67: {  	s8 =	simm.s32 $0xB;
	s1 =	rddreg [dreg:$0xf]  }
0x68: {  	[hbm:s29], [sflag:s5] =	dma.local [spmem:s1], $0x2780  }
0x69: {  	_ =	swait.ge [sflag:s8], $0x2780  }
0x6a: {  	s30 =	rddreg [dreg:$0xe]  }
0x6b: {  	s31 =	rddreg [dreg:$0xc];
	s1 =	sadd.s32 $0x1, s30  }
0x6c: {  	p0 =	sne.s32 s1, s31  }
.Ltmp2:
0x6d: {  	_ = 	snop;
	(pc) =	sbr.rel @p0 .LBB2_1-.Ltmp2, $3  }
0x6e: {  	_ =	sdelay $0x1  }
0x6f: {  	[sflag:s8] =	ssyncset.done $0x0  }
0x70: {  	[sflag:s8] =	ssyncadd.s32 $0xFFFFD880  }
0x71: {  	_ =	sfence.sel $0x180000  }
0x72: {  	[bflag:$0x0] =	sbarrier.arrive $0xFFFF  }
0x73: {  	_ =	strace $0x9000004A  }
0x74: {  	s0 =	stileid.u32;
	[bflag:$0x2] =	sbarrier.arrive $0xFFFF  }
0x75: {  	p0 =	sne.s32 s0, $0x0;
	s0 =	rddreg [dreg:$0x3]  }
0x76: {  	s0 =	sadd.s32 @!p0 $0x100000, s0  }
0x77: {  	[sflag:s0] =	ssyncadd.tile.s32 @!p0 $0x1;
	_ =	shalt  }
.Lfunc_end2:
_tile_overlayer_lowered:
.L_overlay_start_2:
0x78: {  	(tag) =	ssettag $0x2  }
0x79: {  	s0 =	rddreg [dreg:$0x0];
	s2 =	stileid.u32  }
0x7a: {  	s1 =	rddreg [dreg:$0x1];
	p0 =	sne.s32 s2, $0x0  }
0x7b: {  	s3 =	rddreg [dreg:$0x2];
	[bflag:$0x3] =	sbarrier.arrive $0xFFFF;
	s2 =	simm.s32 @!p0 $0x1C0B  }
0x7c: {  	[timem:s3], [sflag:s2] =	dma.local @!p0 [hbm:s0], s1  }
0x7d: {  	s0 =	simm.s32 @!p0 $0xB  }
0x7e: {  	_ =	swait.ge @!p0 [sflag:s0], s1  }
0x7f: {  	s1 =	ssub.s32 @!p0 $0x0, s1;
	[sflag:s0] =	ssyncset.done @!p0 $0x0  }
0x80: {  	[sflag:s0] =	ssyncadd.s32 @!p0 s1  }
0x81: {  	[bflag:$0x3] =	sbarrier.arrive $0xFFFF  }
0x82: {  	_ =	shalt  }

// kernel: kernel.15.cloned.1.call-start
scs
__scs_entry_jumppad:
0x0: {  	(pc) =	sbr.rel $0x88, $3  }
0x1: {  	(tag) =	ssettag $0x0;
	lr =	simm.s32 $0x1  }
0x2: {  	[smem:$0x3F95] =	sst lr;
	_ =	strace $0xD0000000  }
0x3: {  	_ = 	snop  }
0x4: {  	_ = 	snop  }
0x5: {  	_ = 	snop  }
0x6: {  	_ = 	snop  }
0x7: {  	_ = 	snop  }
__scs_overlays_trampoline_lowered:
0x8: {  	[smem:$0x3FA4] =	sst s0  }
0x9: {  	[smem:$0x3FA5] =	sst s1  }
0xa: {  	[smem:$0x3FA6] =	sst s2  }
0xb: {  	[smem:$0x3FA7] =	sst s3  }
0xc: {  	[smem:$0x3FA8] =	sst s4  }
0xd: {  	[smem:$0x3FA9] =	sst s5  }
0xe: {  	[smem:$0x3FAA] =	sst s6  }
0xf: {  	[smem:$0x3FAB] =	sst s7  }
0x10: {  	[smem:$0x3FAC] =	sst s8  }
0x11: {  	[smem:$0x3FAD] =	sst s9;
	s0 =	simm.s32 @!p0 $0x0  }
0x12: {  	s1 =	sld [smem:$0x3F93];
	s0 =	simm.s32 @p0 $0x1  }
0x13: {  	[smem:$0x3FAE] =	sst s0;
	s0 =	simm.s32 @!p1 $0x0  }
0x14: {  	s2 =	sld [smem:$0x3F92];
	s0 =	simm.s32 @p1 $0x1  }
0x15: {  	[smem:$0x3FAF] =	sst s0;
	s0 =	simm.s32 @!p2 $0x0  }
0x16: {  	s3 =	sld [smem:$0x3FDB];
	s0 =	simm.s32 @p2 $0x1  }
0x17: {  	s4 =	simm.s32 $0x1BF5;
	[smem:$0x3FB1] =	sst s0  }
0x18: {  	s0 =	sld [smem:$0x3F94];
	_ =	swait.ge [sflag:s4], $0x0  }
0x19: {  	s7 =	sld [smem:$0x3F95]  }
0x1a: {  	s8 =	sadd.s32 $0xFFFFE003, lr  }
0x1b: {  	s9 =	sadd.s32 $0xFFFFFEF7, lr;
	s5 =	simm.s32 $0xFFFFFFFF;
	p2 =	slt.u32 s8, $0xFFFFF086  }
0x1c: {  	p1 =	slt.u32 s9, $0xF7A;
	s5 =	simm.s32 @!p2 $0x0  }
0x1d: {  	s5 =	simm.s32 @p1 $0x1;
	p0 =	seq.s32 s7, s2  }
0x1e: {  	s7 =	smul.u32 @!p0 $0xF7A, s2;
	p2 =	seq.s32 @!p0 s5, $0x0  }
0x1f: {  	s9 =	smul.u32 $0xF7A, s1;
	s8 =	simm.s32 @!p0 $0x1BF5;
	p2 =	por !p2, p0  }
0x20: {  	[sflag:s8] =	ssyncset.s32 @!p0 $0xFFFFF086;
	s6 =	sadd.s32 @!p0 s3, s7;
	s7 =	simm.s32 @!p0 $0x108  }
0x21: {  	s3 =	sadd.s32 s3, s9;
	s6 =	sadd.s32 @!p0 $0x88, s6;
	s7 =	simm.s32 @p2 $0x1082  }
0x22: {  	[simem:s7], [sflag:s8] =	dma.local @!p0 [hbm:s6], $0xF7A  }
0x23: {  	s9 =	sor.u32 $0xD0000000, s2;
	s6 =	simm.s32 $0x108;
	_ =	swait.ge @!p0 [sflag:s8], $0x0  }
0x24: {  	s3 =	sadd.s32 $0x88, s3;
	s6 =	simm.s32 @!p1 $0x1082;
	[sflag:s4] =	ssyncset.s32 $0xFFFFF086  }
0x25: {  	[simem:s6], [sflag:s4] =	dma.local [hbm:s3], $0xF7A  }
0x26: {  	[smem:$0x3F95] =	sst s1;
	(tag) =	ssettag s2;
	_ =	strace s9  }
0x27: {  	s1 =	sld [smem:$0x3FA5]  }
0x28: {  	s2 =	sld [smem:$0x3FA6]  }
0x29: {  	s4 =	sld [smem:$0x3FA8]  }
0x2a: {  	p0 =	seq.s32 s5, $0x0;
	s5 =	sld [smem:$0x3FA9]  }
0x2b: {  	s6 =	sld [smem:$0x3FAA]  }
0x2c: {  	s7 =	sld [smem:$0x3FAB]  }
0x2d: {  	s3 =	simm.s32 $0x108;
	s8 =	sld [smem:$0x3FAC]  }
0x2e: {  	s3 =	simm.s32 @!p0 $0x1082;
	s9 =	sld [smem:$0x3FAD]  }
0x2f: {  	lr =	sadd.s32 s0, s3;
	s0 =	sld [smem:$0x3FA4]  }
0x30: {  	s3 =	sld [smem:$0x3FA7]  }
0x31: {  	[smem:$0x3FB0] =	sst s10  }
0x32: {  	s10 =	sld [smem:$0x3FAE];
	_ =	sdelay $0x3  }
0x33: {  	p0 =	seq.s32 s10, $0x1;
	s10 =	sld [smem:$0x3FB0];
	_ =	sdelay $0x3  }
0x34: {  	[smem:$0x3FB0] =	sst s10  }
0x35: {  	s10 =	sld [smem:$0x3FAF];
	_ =	sdelay $0x3  }
0x36: {  	p1 =	seq.s32 s10, $0x1;
	s10 =	sld [smem:$0x3FB0];
	_ =	sdelay $0x3  }
0x37: {  	[smem:$0x3FB0] =	sst s10  }
0x38: {  	s10 =	sld [smem:$0x3FB1]  }
0x39: {  	_ = 	snop;
	(pc) =	sbr.ind lr, $3  }
0x3a: {  	_ = 	snop  }
0x3b: {  	_ = 	snop  }
0x3c: {  	p2 =	seq.s32 s10, $0x1;
	s10 =	sld [smem:$0x3FB0]  }
0x3d: {  	_ =	shalt  }
0x3e: {  	_ =	shalt  }
0x3f: {  	_ =	shalt  }
0x40: {  	_ =	shalt  }
0x41: {  	_ =	shalt  }
0x42: {  	_ =	shalt  }
0x43: {  	_ =	shalt  }
0x44: {  	_ =	shalt  }
0x45: {  	_ =	shalt  }
0x46: {  	_ =	shalt  }
0x47: {  	_ =	shalt  }
0x48: {  	_ =	shalt  }
0x49: {  	_ =	shalt  }
0x4a: {  	_ =	shalt  }
0x4b: {  	_ =	shalt  }
0x4c: {  	_ =	shalt  }
0x4d: {  	_ =	shalt  }
0x4e: {  	_ =	shalt  }
0x4f: {  	_ =	shalt  }
0x50: {  	_ =	shalt  }
0x51: {  	_ =	shalt  }
0x52: {  	_ =	shalt  }
0x53: {  	_ =	shalt  }
0x54: {  	_ =	shalt  }
0x55: {  	_ =	shalt  }
0x56: {  	_ =	shalt  }
0x57: {  	_ =	shalt  }
0x58: {  	_ =	shalt  }
0x59: {  	_ =	shalt  }
0x5a: {  	_ =	shalt  }
0x5b: {  	_ =	shalt  }
0x5c: {  	_ =	shalt  }
0x5d: {  	_ =	shalt  }
0x5e: {  	_ =	shalt  }
0x5f: {  	_ =	shalt  }
0x60: {  	_ =	shalt  }
0x61: {  	_ =	shalt  }
0x62: {  	_ =	shalt  }
0x63: {  	_ =	shalt  }
0x64: {  	_ =	shalt  }
0x65: {  	_ =	shalt  }
0x66: {  	_ =	shalt  }
0x67: {  	_ =	shalt  }
0x68: {  	_ =	shalt  }
0x69: {  	_ =	shalt  }
0x6a: {  	_ =	shalt  }
0x6b: {  	_ =	shalt  }
0x6c: {  	_ =	shalt  }
0x6d: {  	_ =	shalt  }
0x6e: {  	_ =	shalt  }
0x6f: {  	_ =	shalt  }
0x70: {  	_ =	shalt  }
0x71: {  	_ =	shalt  }
0x72: {  	_ =	shalt  }
0x73: {  	_ =	shalt  }
0x74: {  	_ =	shalt  }
0x75: {  	_ =	shalt  }
0x76: {  	_ =	shalt  }
0x77: {  	_ =	shalt  }
0x78: {  	_ =	shalt  }
0x79: {  	_ =	shalt  }
0x7a: {  	_ =	shalt  }
0x7b: {  	_ =	shalt  }
0x7c: {  	_ =	shalt  }
0x7d: {  	_ =	shalt  }
0x7e: {  	_ =	shalt  }
0x7f: {  	_ =	shalt  }
0x80: {  	_ =	shalt  }
0x81: {  	_ =	shalt  }
0x82: {  	_ =	shalt  }
0x83: {  	_ =	shalt  }
0x84: {  	_ =	shalt  }
0x85: {  	_ =	shalt  }
0x86: {  	_ =	shalt  }
0x87: {  	_ =	shalt  }
.Lfunc_end0:
.L_simem_size_0:
called_computation.2_lowered:
.L_overlay_start_0:
0x88: {  	s2 =	sld [smem:$0x3FD9]  }
0x89: {  	s3 =	sld [smem:$0x3FFE];
	_ =	sdelay $0x1  }
0x8a: {  	s1 =	srdreg.scid  }
0x8b: {  	s0 =	sand.u32 $0x1, s1  }
0x8c: {  	s17 =	sshll.u32 s0, $0xA;
	s2 =	sadd.s32 s3, s2  }
0x8d: {  	s2 =	sadd.s32 s2, s17  }
0x8e: {  	[smem:$0x3FBC] =	sst s2  }
0x8f: {  	_ = 	snop  }
0x90: {  	s2 =	sld [smem:$0x3FD0];
	(tm) =	ssettm $0x1  }
0x91: {  	s18 =	sld [smem:$0x3FFB];
	_ =	sdelay $0x3  }
0x92: {  	_ =	strace s18  }
0x93: {  	s3 =	sld [smem:$0x3FFC];
	_ =	sdelay $0x3  }
0x94: {  	_ =	strace s3  }
0x95: {  	s3 =	sld [smem:$0x3FFD];
	_ =	sdelay $0x3  }
0x96: {  	_ =	strace s3  }
0x97: {  	_ =	strace $0x8FFFFFFF  }
0x98: {  	s19 =	sld [smem:$0x3FDB];
	_ =	sdelay $0x1  }
0x99: {  	s4 =	simm.s32 $_scs_section_size  }
0x9a: {  	s5 =	simm.s32 $_size__tile_overlayer_lowered;
	s6 =	simm.s32 $_tile_overlayer_lowered  }
0x9b: {  	s22 =	simm.s32 $0x1BFF;
	s21 =	sshll.u32 s6, $0x1;
	s3 =	sadd.s32 s4, s19  }
0x9c: {  	s7 =	simm.s32 $0x0;
	s20 =	sshll.u32 s5, $0x1;
	s5 =	sadd.s32 s21, s3  }
0x9d: {  	[timem:s7], [sflag:s22] =	dma.local [hbm:s5], s20  }
0x9e: {  	_ =	swait.ge [sflag:s22], s20  }
0x9f: {  	s4 =	ssub.s32 $0x0, s20;
	[sflag:s22] =	ssyncset.done $0x0  }
0xa0: {  	[sflag:s22] =	ssyncadd.s32 s4;
	_ =	sdelay $0x1  }
0xa1: {  	s23 =	simm.s32 $0x1B8B  }
0xa2: {  	_ =	swait.ge [sflag:s23], $0x1  }
0xa3: {  	[sflag:s23] =	ssyncset.done $0x0  }
0xa4: {  	s25 =	simm.s32 $0x1B8E;
	s24 =	sld [smem:$0x3FFE];
	[sflag:s23] =	ssyncadd.s32 $0xFFFFFFFF  }
0xa5: {  	s26 =	simm.s32 $execute0_lowered;
	[smem:$0x3FD2] =	sst s25  }
0xa6: {  	s5 =	sshll.u32 s26, $0x1;
	_ =	strace $0x8000004C;
	[dreg:$0x1] =	wrdreg $0xFFFFFFFF  }
0xa7: {  	s28 =	simm.s32 $_size_execute0_lowered;
	s3 =	sadd.s32 s3, s5;
	[dreg:$0x0] =	wrdreg $0x0  }
0xa8: {  	s5 =	sshll.u32 s28, $0x1;
	[dreg:$0x2] =	wrdreg s3  }
0xa9: {  	[dreg:$0x3] =	wrdreg s5  }
0xaa: {  	[dreg:$0x4] =	wrdreg $0xC0  }
0xab: {  	_ =	task [dreg:s7], $0x5FFFF  }
0xac: {  	[dreg:$0x1] =	wrdreg $0xFFFFFFFF  }
0xad: {  	[dreg:$0x0] =	wrdreg $0x60  }
0xae: {  	[dreg:$0x2] =	wrdreg s2  }
0xaf: {  	[dreg:$0x3] =	wrdreg s24  }
0xb0: {  	[dreg:$0x4] =	wrdreg $0xC4000  }
0xb1: {  	[dreg:$0x5] =	wrdreg $0x9  }
0xb2: {  	_ =	task.clear_ibuf [dreg:s7], $0x6FFFF;
	_ =	strace $0x9000004C  }
0xb3: {  	s29 =	simm.s32 $0x9;
	_ =	strace $0x8000004E  }
0xb4: {  	_ =	swait.ge [sflag:s29], $0x1  }
0xb5: {  	[sflag:s29] =	ssyncadd.s32 $0xFFFFFFFF  }
0xb6: {  	_ =	strace $0x9000004E  }
0xb7: {  	_ =	sfence  }
0xb8: {  	s30 =	sld [smem:$0x0];
	_ =	sdelay $0x2  }
0xb9: {  	s31 =	sshll.u32 s1, $0xD;
	s1 =	sshrl.u32 s1, $0x2  }
0xba: {  	s3 =	sand.u32 $0x4000, s31;
	s1 =	sadd.s32 s1, s30  }
0xbb: {  	s0 =	sor.u32 s3, s0;
	s1 =	sshll.u32 s1, $0x11  }
0xbc: {  	s0 =	sor.u32 s1, s0  }
0xbd: {  	s0 =	sadd.s32 $0x8F2B, s0  }
0xbe: {  	[sflag:s0] =	ssyncadd.remote.s32 $0x1  }
0xbf: {  	_ =	sfence.sel $0xFFFF  }
0xc0: {  	[dreg:$0x0] =	wrdreg $0xFFFFFFFF;
	(pc) =	sbr.abs _section_cstart, $3  }
0xc1: {  	[dreg:$0x1] =	wrdreg $0xFFFFFFFF  }
0xc2: {  	_ =	task.clear_ibuf [dreg:s7], $0x2FFFF;
	_ =	strace $0x9FFFFFFF  }
0xc3: {  	(tm) =	ssettm $0x7FFFFFFF  }
tec
execute0_lowered:
.L_overlay_start_1:
0x0: {  	(tag) =	ssettag $0x1  }
0x1: {  	s2 =	rddreg [dreg:$0x0]  }
0x2: {  	s0 =	rddreg [dreg:$0x1]  }
0x3: {  	s3 =	rddreg [dreg:$0x2]  }
0x4: {  	s4 =	stileid.u32;
	s1 =	srdreg.scid  }
0x5: {  	s5 =	simm.s32 $0x0;
	s7 =	smul.u32 $0x13C00, s4;
	s1 =	sand.u32 $0x1, s1  }
0x6: {  	[smem:$0x7FF] =	sst s5;
	s19 =	sadd.s32 $0x2C00, s0;
	s11 =	smul.u32 $0x4F000, s4  }
0x7: {  	s12 =	sadd.s32 $0xDC00, s0;
	s31 =	sshll.u32 s4, $0x6;
	s8 =	smul.u32 $0x13C000, s1  }
0x8: {  	_ =	strace $0x8000004D;
	s9 =	sshll.u32 s1, $0x4;
	s1 =	ssub.s32 $0x2, s1  }
0x9: {  	s9 =	sor.u32 s4, s9;
	s10 =	sshrl.u32 s7, $0x3;
	s25 =	sshrl.u32 s11, $0x2  }
0xa: {  	s21 =	sshrl.u32 s1, $0x1;
	s6 =	smul.u32 $0x2C00, s9;
	s28 =	sadd.s32 s25, s3  }
0xb: {  	s8 =	sadd.s32 s7, s8;
	s20 =	sadd.s32 s10, s0;
	[dreg:$0x9] =	wrdreg s28  }
0xc: {  	s1 =	ssub.s32 s1, s21;
	s29 =	sadd.s32 $0x18C00, s20;
	[dreg:$0x4] =	wrdreg s6  }
0xd: {  	s30 =	smax.u32 s1, $0x1;
	s22 =	sshrl.u32 s6, $0x3;
	[dreg:$0xa] =	wrdreg s29  }
0xe: {  	s8 =	sshrl.u32 s8, $0x3;
	[dreg:$0xc] =	wrdreg s30;
	s6 =	sadd.s32 s19, s22  }
0xf: {  	s0 =	sadd.s32 s8, s0;
	s24 =	sadd.s32 s12, s22;
	[dreg:$0x5] =	wrdreg s6  }
0x10: {  	s23 =	sadd.s32 $0x80, s22;
	s0 =	sadd.s32 $0x40400, s0;
	[dreg:$0x6] =	wrdreg s24  }
0x11: {  	s7 =	smov.u32 s12;
	s5 =	sadd.s32 s19, s23;
	[dreg:$0xb] =	wrdreg s0  }
0x12: {  	s21 =	simm.s32 $0x78;
	s26 =	sadd.s32 s12, s23;
	[dreg:$0x7] =	wrdreg s5  }
0x13: {  	s1 =	simm.s32 $0x0;
	[dreg:$0x8] =	wrdreg s26;
	s5 =	sor.u32 $0x1C0B, s31  }
0x14: {  	s8 =	simm.s32 $0xB;
	s6 =	smov.u32 s19;
	[dreg:$0xd] =	wrdreg s5  }
.LBB2_1:
0x15: {  	[dreg:$0xe] =	wrdreg s1  }
0x16: {  	s0 =	simm.s32 $0x0;
	s17 =	rddreg [dreg:$0x5]  }
0x17: {  	[tilespmem:s0], [sflag:$0x7] =	stream.linear.gather [hbm4b:s17+s0], $0x400, $0x38;
	v63 =	vld [tilespmem:$0x0]  }
0x18: {  	s18 =	rddreg [dreg:$0x6];
	s4 =	simm.s32 $0x800  }
0x19: {  	[tilespmem:s4], [sflag:$0x9] =	stream.linear.gather [hbm4b:s18+s0], $0x400, $0x38;
	v63 =	vld [tilespmem:$0x0]  }
0x1a: {  	s19 =	rddreg [dreg:$0x7];
	s20 =	simm.s32 $0x400  }
0x1b: {  	[tilespmem:s20], [sflag:$0x8] =	stream.linear.gather [hbm4b:s19+s0], $0x400, $0x38;
	v63 =	vld [tilespmem:$0x0]  }
0x1c: {  	s22 =	rddreg [dreg:$0x8];
	s23 =	simm.s32 $0xC00;
	s24 =	simm.s32 $0x7  }
0x1d: {  	[tilespmem:s23], [sflag:$0xA] =	stream.linear.gather [hbm4b:s22+s0], $0x400, $0x38;
	v63 =	vld [tilespmem:$0x0]  }
0x1e: {  	_ =	swait.ge [sflag:s24], $0x400  }
0x1f: {  	[sflag:s24] =	ssyncset.done $0x0  }
0x20: {  	s25 =	simm.s32 $0x9;
	[sflag:s24] =	ssyncadd.s32 $0xFFFFFC00  }
0x21: {  	_ =	swait.ge [sflag:s25], $0x400  }
0x22: {  	s14 =	simm.s32 $0x1000;
	[sflag:s25] =	ssyncset.done $0x0;
	s29 =	rddreg [dreg:$0x9]  }
0x23: {  	s31 =	rddreg [dreg:$0xa];
	[sflag:s25] =	ssyncadd.s32 $0xFFFFFC00;
	s30 =	sshrl.u32 s29, $0x3  }
0x24: {  	[tilespmem:s14], [sflag:$0x1] =	stream.indirect.gather [hbm4b:s2+s21], $0x80, s0, s21, $0xb8;
	v63 =	vld [tilespmem:$0x0]  }
0x25: {  	s26 =	simm.s32 $0x80;
	s28 =	simm.s32 $0x4C00;
	[dreg:$0xf] =	wrdreg s30  }
0x26: {  	[tilespmem:s28], [sflag:$0x2] =	stream.indirect.gather [hbm4b:s2+s21], $0x80, s26, s21, $0xb8;
	v63 =	vld [tilespmem:$0x0]  }
0x27: {  	[spmem:s30], [sflag:s5] =	dma.local [hbm:s31], $0x2780  }
0x28: {  	_ =	swait.ge [sflag:s8], $0x2780  }
0x29: {  	p0 =	por $0x0, $0x0;
	s15 =	simm.s32 $0x100;
	[sflag:s8] =	ssyncset.done $0x0  }
0x2a: {  	s16 =	simm.s32 $0x0;
	s17 =	simm.s32 $0x0;
	[sflag:s8] =	ssyncadd.s32 $0xFFFFD880  }
0x2b: {  	s20 =	simm.s32 $0xFFFFFFFF;
	s19 =	simm.s32 $0x0;
	[bflag:$0x0] =	sbarrier.arrive $0xFFFF  }
.LBB2_2:
0x2c: {  	s0 =	simm.s32 $0x1;
	s18 =	sadd.s32 $0x1, s17;
	s4 =	rddreg [dreg:$0x4]  }
0x2d: {  	s13 =	simm.s32 $0x0;
	s30 =	smov.u32 s14;
	s31 =	smov.u32 s20  }
0x2e: {  	s0 =	simm.s32 @!p0 $0x0;
	s1 =	sshll.u32 s18, $0xA;
	s11 =	sand.u32 $0x1, s18  }
0x2f: {  	s0 =	sshll.u32 s0, $0xA;
	s1 =	sadd.s32 s4, s1;
	s23 =	sshll.u32 s11, $0xA  }
0x30: {  	s8 =	sadd.s32 $0x7, s11;
	s11 =	sadd.s32 $0x9, s11;
	s22 =	sor.u32 $0x800, s0  }
0x31: {  	s29 =	sshrl.u32 s1, $0x3;
	s10 =	sor.u32 $0x800, s23;
	s0 =	smov.u32 s15  }
0x32: {  	s1 =	smov.u32 s19;
	s9 =	sadd.s32 s6, s29;
	s12 =	sadd.s32 s7, s29  }
.LBB2_3:
0x33: {  	p1 =	sne.s32 s13, $0x4  }
0x34: {  	p2 =	seq.s32 @p1 s17, $0xA  }
0x35: {  	p3 =	por p2, !p1  }
0x36: {  	p3 =	sne.s32 @!p3 s13, $0x18  }
0x37: {  	p2 =	por @p1 p3, p2  }
0x38: {  	p2 =	por p2, !p1  }
0x39: {  	s24 =	smulhi.u32 $0xAAAAAAAB, s1;
	p3 =	seq.s32 @!p1 s17, $0x0;
	_ =	swait.ge @!p2 [sflag:s8], $0x400  }
0x3a: {  	s26 =	smulhi.u32 $0xAAAAAAAB, s31;
	p4 =	por p3, p1;
	[sflag:s8] =	ssyncset.done @!p2 $0x0  }
0x3b: {  	s24 =	sshrl.u32 s24, $0x1;
	p4 =	seq.s32 @!p4 s17, $0xA;
	[sflag:s8] =	ssyncadd.s32 @!p2 $0xFFFFFC00  }
0x3c: {  	s4 =	smul.u32 $0xFFFFFFF4, s24;
	p3 =	por @!p1 p4, p3;
	_ =	swait.ge @!p2 [sflag:s11], $0x400  }
0x3d: {  	s26 =	sshrl.u32 s26, $0x1;
	p1 =	por p3, p1;
	[sflag:s11] =	ssyncset.done @!p2 $0x0  }
0x3e: {  	s4 =	sshra.s32 s4, $0x2;
	s25 =	simm.s32 @!p1 $0x0;
	[sflag:s11] =	ssyncadd.s32 @!p2 $0xFFFFFC00  }
0x3f: {  	[tilespmem:s23], [sflag:s8] =	stream.linear.gather @!p1 [hbm4b:s9+s25], $0x400, $0x38;
	v63 =	vld [tilespmem:$0x0]  }
0x40: {  	s29 =	sshra.s32 s16, $0x2;
	s26 =	smul.u32 $0xFFFFFFF4, s26;
	s28 =	sadd.s32 $0x1, s4  }
0x41: {  	[tilespmem:s10], [sflag:s11] =	stream.linear.gather @!p1 [hbm4b:s12+s25], $0x400, $0x38;
	v63 =	vld [tilespmem:$0x0]  }
0x42: {  	s24 =	smul.u32 $0xFFFD3000, s24;
	s25 =	sadd.s32 s29, s28;
	s28 =	sshra.s32 s13, $0x2  }
0x43: {  	s5 =	sadd.s32 s13, s16;
	s26 =	sshra.s32 s26, $0x2;
	s25 =	sadd.s32 s28, s25  }
0x44: {  	s24 =	sshra.s32 s24, $0x2;
	s4 =	sadd.s32 $0x4, s4;
	_ =	swait.ge [sflag:s25], $0x3C00  }
0x45: {  	s24 =	sadd.s32 s24, s30;
	s4 =	sadd.s32 s29, s4;
	[sflag:s25] =	ssyncset.done $0x0  }
0x46: {  	p1 =	seq.s32 s5, $0x0;
	s4 =	sadd.s32 s28, s4;
	[sflag:s25] =	ssyncadd.s32 $0xFFFFC400  }
0x47: {  	[spmem:s3] =	stream.indirect.scatter.add.f32 [tilespmem:s24], [sflag:s4], $0x80, s22, s21, $0xb8;
	v63 =	vld [tilespmem:$0x0]  }
0x48: {  	s5 =	sshra.s32 @!p1 s16, $0x2;
	s4 =	sadd.s32 $0x3, s26  }
0x49: {  	s4 =	sadd.s32 @!p1 s5, s4;
	s5 =	sshra.s32 @!p1 s13, $0x2  }
0x4a: {  	s4 =	sadd.s32 @!p1 s5, s4  }
0x4b: {  	p2 =	sgt.u32 @!p1 s1, $0x55;
	_ =	swait.ge @!p1 [sflag:s4], $0x3C00  }
0x4c: {  	p2 =	por p1, !p2;
	[sflag:s4] =	ssyncset.done @!p1 $0x0  }
0x4d: {  	[sflag:s4] =	ssyncadd.s32 @!p1 $0xFFFFC400;
	s4 =	sadd.s32 @p2 $0x2, s1  }
0x4e: {  	s5 =	smul.u32 @p2 $0xAB, s4;
	_ =	sdelay $0x1  }
0x4f: {  	s5 =	sshrl.u32 @p2 s5, $0x9  }
0x50: {  	s5 =	sand.u32 @p2 $0x7F, s5  }
0x51: {  	s5 =	smul.u32 @p2 $0x3, s5;
	_ =	sdelay $0x1  }
0x52: {  	s4 =	ssub.s32 @p2 s4, s5  }
0x53: {  	s13 =	sadd.s32 $0x4, s13;
	s4 =	sand.u32 @p2 $0xFF, s4  }
0x54: {  	p1 =	sne.s32 s13, $0x20;
	s5 =	smul.u32 @p2 $0xF000, s4  }
.Ltmp0:
0x55: {  	_ = 	snop;
	(pc) =	sbr.rel @p1 .LBB2_3-.Ltmp0, $4  }
0x56: {  	s31 =	sadd.s32 $0x1, s31;
	s30 =	sadd.s32 $0x3C00, s30;
	s24 =	sand.u32 @p2 $0x780, s0  }
0x57: {  	s22 =	sadd.s32 $0x80, s22;
	s0 =	sadd.s32 $0x80, s0;
	s5 =	sshrl.u32 @p2 s5, $0x2  }
0x58: {  	s1 =	sadd.s32 $0x1, s1;
	s4 =	sadd.s32 @p2 $0x1, s4;
	s5 =	sadd.s32 @p2 $0x1000, s5  }
0x59: {  	[tilespmem:s5], [sflag:s4] =	stream.indirect.gather @p2 [hbm4b:s2+s21], $0x80, s24, s21, $0xb8;
	v63 =	vld [tilespmem:$0x0]  }
0x5a: {  	p1 =	sne.s32 s18, $0xB  }
.Ltmp1:
0x5b: {  	_ = 	snop;
	(pc) =	sbr.rel @p1 .LBB2_2-.Ltmp1, $4  }
0x5c: {  	_ = 	snop  }
0x5d: {  	p0 =	por !p0, !p0  }
0x5e: {  	s16 =	sadd.s32 $0x20, s16;
	s20 =	sadd.s32 $0x8, s20;
	s19 =	sadd.s32 $0x8, s19  }
0x5f: {  	s15 =	sadd.s32 $0x400, s15;
	s14 =	sadd.s32 $0x1E000, s14;
	s17 =	smov.u32 s18  }
0x60: {  	s0 =	simm.s32 $0x4  }
0x61: {  	_ =	swait.ge [sflag:s0], $0x3C00  }
0x62: {  	[sflag:s0] =	ssyncset.done $0x0  }
0x63: {  	[sflag:s0] =	ssyncadd.s32 $0xFFFFC400  }
0x64: {  	[bflag:$0x0] =	sbarrier.arrive $0xFFFF  }
0x65: {  	s29 =	rddreg [dreg:$0xb]  }
0x66: {  	s5 =	rddreg [dreg:$0xd]  }
0x67: {  	s8 =	simm.s32 $0xB;
	s1 =	rddreg [dreg:$0xf]  }
0x68: {  	[hbm:s29], [sflag:s5] =	dma.local [spmem:s1], $0x2780  }
0x69: {  	_ =	swait.ge [sflag:s8], $0x2780  }
0x6a: {  	s30 =	rddreg [dreg:$0xe]  }
0x6b: {  	s31 =	rddreg [dreg:$0xc];
	s1 =	sadd.s32 $0x1, s30  }
0x6c: {  	p0 =	sne.s32 s1, s31  }
.Ltmp2:
0x6d: {  	_ = 	snop;
	(pc) =	sbr.rel @p0 .LBB2_1-.Ltmp2, $3  }
0x6e: {  	_ =	sdelay $0x1  }
0x6f: {  	[sflag:s8] =	ssyncset.done $0x0  }
0x70: {  	[sflag:s8] =	ssyncadd.s32 $0xFFFFD880  }
0x71: {  	_ =	sfence.sel $0x180000  }
0x72: {  	[bflag:$0x0] =	sbarrier.arrive $0xFFFF  }
0x73: {  	_ =	strace $0x9000004D  }
0x74: {  	s0 =	stileid.u32;
	[bflag:$0x2] =	sbarrier.arrive $0xFFFF  }
0x75: {  	p0 =	sne.s32 s0, $0x0;
	s0 =	rddreg [dreg:$0x3]  }
0x76: {  	s0 =	sadd.s32 @!p0 $0x100000, s0  }
0x77: {  	[sflag:s0] =	ssyncadd.tile.s32 @!p0 $0x1;
	_ =	shalt  }
.Lfunc_end2:
_tile_overlayer_lowered:
.L_overlay_start_2:
0x78: {  	(tag) =	ssettag $0x2  }
0x79: {  	s0 =	rddreg [dreg:$0x0];
	s2 =	stileid.u32  }
0x7a: {  	s1 =	rddreg [dreg:$0x1];
	p0 =	sne.s32 s2, $0x0  }
0x7b: {  	s3 =	rddreg [dreg:$0x2];
	[bflag:$0x3] =	sbarrier.arrive $0xFFFF;
	s2 =	simm.s32 @!p0 $0x1C0B  }
0x7c: {  	[timem:s3], [sflag:s2] =	dma.local @!p0 [hbm:s0], s1  }
0x7d: {  	s0 =	simm.s32 @!p0 $0xB  }
0x7e: {  	_ =	swait.ge @!p0 [sflag:s0], s1  }
0x7f: {  	s1 =	ssub.s32 @!p0 $0x0, s1;
	[sflag:s0] =	ssyncset.done @!p0 $0x0  }
0x80: {  	[sflag:s0] =	ssyncadd.s32 @!p0 s1  }
0x81: {  	[bflag:$0x3] =	sbarrier.arrive $0xFFFF  }
0x82: {  	_ =	shalt  }

// kernel: kernel.9.cloned.1.call-start
scs
__scs_entry_jumppad:
0x0: {  	(pc) =	sbr.rel $0x88, $3  }
0x1: {  	(tag) =	ssettag $0x0;
	lr =	simm.s32 $0x1  }
0x2: {  	[smem:$0x3F95] =	sst lr;
	_ =	strace $0xD0000000  }
0x3: {  	_ = 	snop  }
0x4: {  	_ = 	snop  }
0x5: {  	_ = 	snop  }
0x6: {  	_ = 	snop  }
0x7: {  	_ = 	snop  }
__scs_overlays_trampoline_lowered:
0x8: {  	[smem:$0x3FA4] =	sst s0  }
0x9: {  	[smem:$0x3FA5] =	sst s1  }
0xa: {  	[smem:$0x3FA6] =	sst s2  }
0xb: {  	[smem:$0x3FA7] =	sst s3  }
0xc: {  	[smem:$0x3FA8] =	sst s4  }
0xd: {  	[smem:$0x3FA9] =	sst s5  }
0xe: {  	[smem:$0x3FAA] =	sst s6  }
0xf: {  	[smem:$0x3FAB] =	sst s7  }
0x10: {  	[smem:$0x3FAC] =	sst s8  }
0x11: {  	[smem:$0x3FAD] =	sst s9;
	s0 =	simm.s32 @!p0 $0x0  }
0x12: {  	s1 =	sld [smem:$0x3F93];
	s0 =	simm.s32 @p0 $0x1  }
0x13: {  	[smem:$0x3FAE] =	sst s0;
	s0 =	simm.s32 @!p1 $0x0  }
0x14: {  	s2 =	sld [smem:$0x3F92];
	s0 =	simm.s32 @p1 $0x1  }
0x15: {  	[smem:$0x3FAF] =	sst s0;
	s0 =	simm.s32 @!p2 $0x0  }
0x16: {  	s3 =	sld [smem:$0x3FDB];
	s0 =	simm.s32 @p2 $0x1  }
0x17: {  	s4 =	simm.s32 $0x1BF5;
	[smem:$0x3FB1] =	sst s0  }
0x18: {  	s0 =	sld [smem:$0x3F94];
	_ =	swait.ge [sflag:s4], $0x0  }
0x19: {  	s7 =	sld [smem:$0x3F95]  }
0x1a: {  	s8 =	sadd.s32 $0xFFFFE003, lr  }
0x1b: {  	s9 =	sadd.s32 $0xFFFFFEF7, lr;
	s5 =	simm.s32 $0xFFFFFFFF;
	p2 =	slt.u32 s8, $0xFFFFF086  }
0x1c: {  	p1 =	slt.u32 s9, $0xF7A;
	s5 =	simm.s32 @!p2 $0x0  }
0x1d: {  	s5 =	simm.s32 @p1 $0x1;
	p0 =	seq.s32 s7, s2  }
0x1e: {  	s7 =	smul.u32 @!p0 $0xF7A, s2;
	p2 =	seq.s32 @!p0 s5, $0x0  }
0x1f: {  	s9 =	smul.u32 $0xF7A, s1;
	s8 =	simm.s32 @!p0 $0x1BF5;
	p2 =	por !p2, p0  }
0x20: {  	[sflag:s8] =	ssyncset.s32 @!p0 $0xFFFFF086;
	s6 =	sadd.s32 @!p0 s3, s7;
	s7 =	simm.s32 @!p0 $0x108  }
0x21: {  	s3 =	sadd.s32 s3, s9;
	s6 =	sadd.s32 @!p0 $0x88, s6;
	s7 =	simm.s32 @p2 $0x1082  }
0x22: {  	[simem:s7], [sflag:s8] =	dma.local @!p0 [hbm:s6], $0xF7A  }
0x23: {  	s9 =	sor.u32 $0xD0000000, s2;
	s6 =	simm.s32 $0x108;
	_ =	swait.ge @!p0 [sflag:s8], $0x0  }
0x24: {  	s3 =	sadd.s32 $0x88, s3;
	s6 =	simm.s32 @!p1 $0x1082;
	[sflag:s4] =	ssyncset.s32 $0xFFFFF086  }
0x25: {  	[simem:s6], [sflag:s4] =	dma.local [hbm:s3], $0xF7A  }
0x26: {  	[smem:$0x3F95] =	sst s1;
	(tag) =	ssettag s2;
	_ =	strace s9  }
0x27: {  	s1 =	sld [smem:$0x3FA5]  }
0x28: {  	s2 =	sld [smem:$0x3FA6]  }
0x29: {  	s4 =	sld [smem:$0x3FA8]  }
0x2a: {  	p0 =	seq.s32 s5, $0x0;
	s5 =	sld [smem:$0x3FA9]  }
0x2b: {  	s6 =	sld [smem:$0x3FAA]  }
0x2c: {  	s7 =	sld [smem:$0x3FAB]  }
0x2d: {  	s3 =	simm.s32 $0x108;
	s8 =	sld [smem:$0x3FAC]  }
0x2e: {  	s3 =	simm.s32 @!p0 $0x1082;
	s9 =	sld [smem:$0x3FAD]  }
0x2f: {  	lr =	sadd.s32 s0, s3;
	s0 =	sld [smem:$0x3FA4]  }
0x30: {  	s3 =	sld [smem:$0x3FA7]  }
0x31: {  	[smem:$0x3FB0] =	sst s10  }
0x32: {  	s10 =	sld [smem:$0x3FAE];
	_ =	sdelay $0x3  }
0x33: {  	p0 =	seq.s32 s10, $0x1;
	s10 =	sld [smem:$0x3FB0];
	_ =	sdelay $0x3  }
0x34: {  	[smem:$0x3FB0] =	sst s10  }
0x35: {  	s10 =	sld [smem:$0x3FAF];
	_ =	sdelay $0x3  }
0x36: {  	p1 =	seq.s32 s10, $0x1;
	s10 =	sld [smem:$0x3FB0];
	_ =	sdelay $0x3  }
0x37: {  	[smem:$0x3FB0] =	sst s10  }
0x38: {  	s10 =	sld [smem:$0x3FB1]  }
0x39: {  	_ = 	snop;
	(pc) =	sbr.ind lr, $3  }
0x3a: {  	_ = 	snop  }
0x3b: {  	_ = 	snop  }
0x3c: {  	p2 =	seq.s32 s10, $0x1;
	s10 =	sld [smem:$0x3FB0]  }
0x3d: {  	_ =	shalt  }
0x3e: {  	_ =	shalt  }
0x3f: {  	_ =	shalt  }
0x40: {  	_ =	shalt  }
0x41: {  	_ =	shalt  }
0x42: {  	_ =	shalt  }
0x43: {  	_ =	shalt  }
0x44: {  	_ =	shalt  }
0x45: {  	_ =	shalt  }
0x46: {  	_ =	shalt  }
0x47: {  	_ =	shalt  }
0x48: {  	_ =	shalt  }
0x49: {  	_ =	shalt  }
0x4a: {  	_ =	shalt  }
0x4b: {  	_ =	shalt  }
0x4c: {  	_ =	shalt  }
0x4d: {  	_ =	shalt  }
0x4e: {  	_ =	shalt  }
0x4f: {  	_ =	shalt  }
0x50: {  	_ =	shalt  }
0x51: {  	_ =	shalt  }
0x52: {  	_ =	shalt  }
0x53: {  	_ =	shalt  }
0x54: {  	_ =	shalt  }
0x55: {  	_ =	shalt  }
0x56: {  	_ =	shalt  }
0x57: {  	_ =	shalt  }
0x58: {  	_ =	shalt  }
0x59: {  	_ =	shalt  }
0x5a: {  	_ =	shalt  }
0x5b: {  	_ =	shalt  }
0x5c: {  	_ =	shalt  }
0x5d: {  	_ =	shalt  }
0x5e: {  	_ =	shalt  }
0x5f: {  	_ =	shalt  }
0x60: {  	_ =	shalt  }
0x61: {  	_ =	shalt  }
0x62: {  	_ =	shalt  }
0x63: {  	_ =	shalt  }
0x64: {  	_ =	shalt  }
0x65: {  	_ =	shalt  }
0x66: {  	_ =	shalt  }
0x67: {  	_ =	shalt  }
0x68: {  	_ =	shalt  }
0x69: {  	_ =	shalt  }
0x6a: {  	_ =	shalt  }
0x6b: {  	_ =	shalt  }
0x6c: {  	_ =	shalt  }
0x6d: {  	_ =	shalt  }
0x6e: {  	_ =	shalt  }
0x6f: {  	_ =	shalt  }
0x70: {  	_ =	shalt  }
0x71: {  	_ =	shalt  }
0x72: {  	_ =	shalt  }
0x73: {  	_ =	shalt  }
0x74: {  	_ =	shalt  }
0x75: {  	_ =	shalt  }
0x76: {  	_ =	shalt  }
0x77: {  	_ =	shalt  }
0x78: {  	_ =	shalt  }
0x79: {  	_ =	shalt  }
0x7a: {  	_ =	shalt  }
0x7b: {  	_ =	shalt  }
0x7c: {  	_ =	shalt  }
0x7d: {  	_ =	shalt  }
0x7e: {  	_ =	shalt  }
0x7f: {  	_ =	shalt  }
0x80: {  	_ =	shalt  }
0x81: {  	_ =	shalt  }
0x82: {  	_ =	shalt  }
0x83: {  	_ =	shalt  }
0x84: {  	_ =	shalt  }
0x85: {  	_ =	shalt  }
0x86: {  	_ =	shalt  }
0x87: {  	_ =	shalt  }
.Lfunc_end0:
.L_simem_size_0:
called_computation_lowered:
.L_overlay_start_0:
0x88: {  	s2 =	sld [smem:$0x3FD9]  }
0x89: {  	s3 =	sld [smem:$0x3FFE];
	_ =	sdelay $0x1  }
0x8a: {  	s1 =	srdreg.scid  }
0x8b: {  	s0 =	sand.u32 $0x1, s1  }
0x8c: {  	s17 =	sshll.u32 s0, $0xA;
	s2 =	sadd.s32 s3, s2  }
0x8d: {  	s2 =	sadd.s32 s2, s17  }
0x8e: {  	[smem:$0x3FBC] =	sst s2  }
0x8f: {  	_ = 	snop  }
0x90: {  	s2 =	sld [smem:$0x3FD0];
	(tm) =	ssettm $0x1  }
0x91: {  	s18 =	sld [smem:$0x3FFB];
	_ =	sdelay $0x3  }
0x92: {  	_ =	strace s18  }
0x93: {  	s3 =	sld [smem:$0x3FFC];
	_ =	sdelay $0x3  }
0x94: {  	_ =	strace s3  }
0x95: {  	s3 =	sld [smem:$0x3FFD];
	_ =	sdelay $0x3  }
0x96: {  	_ =	strace s3  }
0x97: {  	_ =	strace $0x8FFFFFFF  }
0x98: {  	s19 =	sld [smem:$0x3FDB];
	_ =	sdelay $0x1  }
0x99: {  	s4 =	simm.s32 $_scs_section_size  }
0x9a: {  	s5 =	simm.s32 $_size__tile_overlayer_lowered;
	s6 =	simm.s32 $_tile_overlayer_lowered  }
0x9b: {  	s22 =	simm.s32 $0x1BFF;
	s21 =	sshll.u32 s6, $0x1;
	s3 =	sadd.s32 s4, s19  }
0x9c: {  	s7 =	simm.s32 $0x0;
	s20 =	sshll.u32 s5, $0x1;
	s5 =	sadd.s32 s21, s3  }
0x9d: {  	[timem:s7], [sflag:s22] =	dma.local [hbm:s5], s20  }
0x9e: {  	_ =	swait.ge [sflag:s22], s20  }
0x9f: {  	s4 =	ssub.s32 $0x0, s20;
	[sflag:s22] =	ssyncset.done $0x0  }
0xa0: {  	[sflag:s22] =	ssyncadd.s32 s4;
	_ =	sdelay $0x1  }
0xa1: {  	s23 =	simm.s32 $0x1B8B  }
0xa2: {  	_ =	swait.ge [sflag:s23], $0x1  }
0xa3: {  	[sflag:s23] =	ssyncset.done $0x0  }
0xa4: {  	s25 =	simm.s32 $0x1B8E;
	s24 =	sld [smem:$0x3FFE];
	[sflag:s23] =	ssyncadd.s32 $0xFFFFFFFF  }
0xa5: {  	s26 =	simm.s32 $execute0_lowered;
	[smem:$0x3FD2] =	sst s25  }
0xa6: {  	s5 =	sshll.u32 s26, $0x1;
	_ =	strace $0x80000046;
	[dreg:$0x1] =	wrdreg $0xFFFFFFFF  }
0xa7: {  	s28 =	simm.s32 $_size_execute0_lowered;
	s3 =	sadd.s32 s3, s5;
	[dreg:$0x0] =	wrdreg $0x0  }
0xa8: {  	s5 =	sshll.u32 s28, $0x1;
	[dreg:$0x2] =	wrdreg s3  }
0xa9: {  	[dreg:$0x3] =	wrdreg s5  }
0xaa: {  	[dreg:$0x4] =	wrdreg $0xC0  }
0xab: {  	_ =	task [dreg:s7], $0x5FFFF  }
0xac: {  	[dreg:$0x1] =	wrdreg $0xFFFFFFFF  }
0xad: {  	[dreg:$0x0] =	wrdreg $0x60  }
0xae: {  	[dreg:$0x2] =	wrdreg s2  }
0xaf: {  	[dreg:$0x3] =	wrdreg s24  }
0xb0: {  	[dreg:$0x4] =	wrdreg $0xC4000  }
0xb1: {  	[dreg:$0x5] =	wrdreg $0x9  }
0xb2: {  	_ =	task.clear_ibuf [dreg:s7], $0x6FFFF;
	_ =	strace $0x90000046  }
0xb3: {  	s29 =	simm.s32 $0x9;
	_ =	strace $0x80000048  }
0xb4: {  	_ =	swait.ge [sflag:s29], $0x1  }
0xb5: {  	[sflag:s29] =	ssyncadd.s32 $0xFFFFFFFF  }
0xb6: {  	_ =	strace $0x90000048  }
0xb7: {  	_ =	sfence  }
0xb8: {  	s30 =	sld [smem:$0x0];
	_ =	sdelay $0x2  }
0xb9: {  	s31 =	sshll.u32 s1, $0xD;
	s1 =	sshrl.u32 s1, $0x2  }
0xba: {  	s3 =	sand.u32 $0x4000, s31;
	s1 =	sadd.s32 s1, s30  }
0xbb: {  	s0 =	sor.u32 s3, s0;
	s1 =	sshll.u32 s1, $0x11  }
0xbc: {  	s0 =	sor.u32 s1, s0  }
0xbd: {  	s0 =	sadd.s32 $0x8F2B, s0  }
0xbe: {  	[sflag:s0] =	ssyncadd.remote.s32 $0x1  }
0xbf: {  	_ =	sfence.sel $0xFFFF  }
0xc0: {  	[dreg:$0x0] =	wrdreg $0xFFFFFFFF;
	(pc) =	sbr.abs _section_cstart, $3  }
0xc1: {  	[dreg:$0x1] =	wrdreg $0xFFFFFFFF  }
0xc2: {  	_ =	task.clear_ibuf [dreg:s7], $0x2FFFF;
	_ =	strace $0x9FFFFFFF  }
0xc3: {  	(tm) =	ssettm $0x7FFFFFFF  }
tec
execute0_lowered:
.L_overlay_start_1:
0x0: {  	(tag) =	ssettag $0x1  }
0x1: {  	s2 =	rddreg [dreg:$0x0]  }
0x2: {  	s0 =	rddreg [dreg:$0x1]  }
0x3: {  	s3 =	rddreg [dreg:$0x2]  }
0x4: {  	s4 =	stileid.u32;
	s1 =	srdreg.scid  }
0x5: {  	s5 =	simm.s32 $0x0;
	s7 =	smul.u32 $0x13C00, s4;
	s1 =	sand.u32 $0x1, s1  }
0x6: {  	[smem:$0x7FF] =	sst s5;
	s19 =	sadd.s32 $0x2C00, s0;
	s11 =	smul.u32 $0x4F000, s4  }
0x7: {  	s12 =	sadd.s32 $0xDC00, s0;
	s31 =	sshll.u32 s4, $0x6;
	s8 =	smul.u32 $0x13C000, s1  }
0x8: {  	_ =	strace $0x80000047;
	s9 =	sshll.u32 s1, $0x4;
	s1 =	ssub.s32 $0x2, s1  }
0x9: {  	s9 =	sor.u32 s4, s9;
	s10 =	sshrl.u32 s7, $0x3;
	s25 =	sshrl.u32 s11, $0x2  }
0xa: {  	s21 =	sshrl.u32 s1, $0x1;
	s6 =	smul.u32 $0x2C00, s9;
	s28 =	sadd.s32 s25, s3  }
0xb: {  	s8 =	sadd.s32 s7, s8;
	s20 =	sadd.s32 s10, s0;
	[dreg:$0x9] =	wrdreg s28  }
0xc: {  	s1 =	ssub.s32 s1, s21;
	s29 =	sadd.s32 $0x18C00, s20;
	[dreg:$0x4] =	wrdreg s6  }
0xd: {  	s30 =	smax.u32 s1, $0x1;
	s22 =	sshrl.u32 s6, $0x3;
	[dreg:$0xa] =	wrdreg s29  }
0xe: {  	s8 =	sshrl.u32 s8, $0x3;
	[dreg:$0xc] =	wrdreg s30;
	s6 =	sadd.s32 s19, s22  }
0xf: {  	s0 =	sadd.s32 s8, s0;
	s24 =	sadd.s32 s12, s22;
	[dreg:$0x5] =	wrdreg s6  }
0x10: {  	s23 =	sadd.s32 $0x80, s22;
	s0 =	sadd.s32 $0x40400, s0;
	[dreg:$0x6] =	wrdreg s24  }
0x11: {  	s7 =	smov.u32 s12;
	s5 =	sadd.s32 s19, s23;
	[dreg:$0xb] =	wrdreg s0  }
0x12: {  	s21 =	simm.s32 $0x78;
	s26 =	sadd.s32 s12, s23;
	[dreg:$0x7] =	wrdreg s5  }
0x13: {  	s1 =	simm.s32 $0x0;
	[dreg:$0x8] =	wrdreg s26;
	s5 =	sor.u32 $0x1C0B, s31  }
0x14: {  	s8 =	simm.s32 $0xB;
	s6 =	smov.u32 s19;
	[dreg:$0xd] =	wrdreg s5  }
.LBB2_1:
0x15: {  	[dreg:$0xe] =	wrdreg s1  }
0x16: {  	s0 =	simm.s32 $0x0;
	s17 =	rddreg [dreg:$0x5]  }
0x17: {  	[tilespmem:s0], [sflag:$0x7] =	stream.linear.gather [hbm4b:s17+s0], $0x400, $0x38;
	v63 =	vld [tilespmem:$0x0]  }
0x18: {  	s18 =	rddreg [dreg:$0x6];
	s4 =	simm.s32 $0x800  }
0x19: {  	[tilespmem:s4], [sflag:$0x9] =	stream.linear.gather [hbm4b:s18+s0], $0x400, $0x38;
	v63 =	vld [tilespmem:$0x0]  }
0x1a: {  	s19 =	rddreg [dreg:$0x7];
	s20 =	simm.s32 $0x400  }
0x1b: {  	[tilespmem:s20], [sflag:$0x8] =	stream.linear.gather [hbm4b:s19+s0], $0x400, $0x38;
	v63 =	vld [tilespmem:$0x0]  }
0x1c: {  	s22 =	rddreg [dreg:$0x8];
	s23 =	simm.s32 $0xC00;
	s24 =	simm.s32 $0x7  }
0x1d: {  	[tilespmem:s23], [sflag:$0xA] =	stream.linear.gather [hbm4b:s22+s0], $0x400, $0x38;
	v63 =	vld [tilespmem:$0x0]  }
0x1e: {  	_ =	swait.ge [sflag:s24], $0x400  }
0x1f: {  	[sflag:s24] =	ssyncset.done $0x0  }
0x20: {  	s25 =	simm.s32 $0x9;
	[sflag:s24] =	ssyncadd.s32 $0xFFFFFC00  }
0x21: {  	_ =	swait.ge [sflag:s25], $0x400  }
0x22: {  	s14 =	simm.s32 $0x1000;
	[sflag:s25] =	ssyncset.done $0x0;
	s29 =	rddreg [dreg:$0x9]  }
0x23: {  	s31 =	rddreg [dreg:$0xa];
	[sflag:s25] =	ssyncadd.s32 $0xFFFFFC00;
	s30 =	sshrl.u32 s29, $0x3  }
0x24: {  	[tilespmem:s14], [sflag:$0x1] =	stream.indirect.gather [hbm4b:s2+s21], $0x80, s0, s21, $0xb8;
	v63 =	vld [tilespmem:$0x0]  }
0x25: {  	s26 =	simm.s32 $0x80;
	s28 =	simm.s32 $0x4C00;
	[dreg:$0xf] =	wrdreg s30  }
0x26: {  	[tilespmem:s28], [sflag:$0x2] =	stream.indirect.gather [hbm4b:s2+s21], $0x80, s26, s21, $0xb8;
	v63 =	vld [tilespmem:$0x0]  }
0x27: {  	[spmem:s30], [sflag:s5] =	dma.local [hbm:s31], $0x2780  }
0x28: {  	_ =	swait.ge [sflag:s8], $0x2780  }
0x29: {  	p0 =	por $0x0, $0x0;
	s15 =	simm.s32 $0x100;
	[sflag:s8] =	ssyncset.done $0x0  }
0x2a: {  	s16 =	simm.s32 $0x0;
	s17 =	simm.s32 $0x0;
	[sflag:s8] =	ssyncadd.s32 $0xFFFFD880  }
0x2b: {  	s20 =	simm.s32 $0xFFFFFFFF;
	s19 =	simm.s32 $0x0;
	[bflag:$0x0] =	sbarrier.arrive $0xFFFF  }
.LBB2_2:
0x2c: {  	s0 =	simm.s32 $0x1;
	s18 =	sadd.s32 $0x1, s17;
	s4 =	rddreg [dreg:$0x4]  }
0x2d: {  	s13 =	simm.s32 $0x0;
	s30 =	smov.u32 s14;
	s31 =	smov.u32 s20  }
0x2e: {  	s0 =	simm.s32 @!p0 $0x0;
	s1 =	sshll.u32 s18, $0xA;
	s11 =	sand.u32 $0x1, s18  }
0x2f: {  	s0 =	sshll.u32 s0, $0xA;
	s1 =	sadd.s32 s4, s1;
	s23 =	sshll.u32 s11, $0xA  }
0x30: {  	s8 =	sadd.s32 $0x7, s11;
	s11 =	sadd.s32 $0x9, s11;
	s22 =	sor.u32 $0x800, s0  }
0x31: {  	s29 =	sshrl.u32 s1, $0x3;
	s10 =	sor.u32 $0x800, s23;
	s0 =	smov.u32 s15  }
0x32: {  	s1 =	smov.u32 s19;
	s9 =	sadd.s32 s6, s29;
	s12 =	sadd.s32 s7, s29  }
.LBB2_3:
0x33: {  	p1 =	sne.s32 s13, $0x4  }
0x34: {  	p2 =	seq.s32 @p1 s17, $0xA  }
0x35: {  	p3 =	por p2, !p1  }
0x36: {  	p3 =	sne.s32 @!p3 s13, $0x18  }
0x37: {  	p2 =	por @p1 p3, p2  }
0x38: {  	p2 =	por p2, !p1  }
0x39: {  	s24 =	smulhi.u32 $0xAAAAAAAB, s1;
	p3 =	seq.s32 @!p1 s17, $0x0;
	_ =	swait.ge @!p2 [sflag:s8], $0x400  }
0x3a: {  	s26 =	smulhi.u32 $0xAAAAAAAB, s31;
	p4 =	por p3, p1;
	[sflag:s8] =	ssyncset.done @!p2 $0x0  }
0x3b: {  	s24 =	sshrl.u32 s24, $0x1;
	p4 =	seq.s32 @!p4 s17, $0xA;
	[sflag:s8] =	ssyncadd.s32 @!p2 $0xFFFFFC00  }
0x3c: {  	s4 =	smul.u32 $0xFFFFFFF4, s24;
	p3 =	por @!p1 p4, p3;
	_ =	swait.ge @!p2 [sflag:s11], $0x400  }
0x3d: {  	s26 =	sshrl.u32 s26, $0x1;
	p1 =	por p3, p1;
	[sflag:s11] =	ssyncset.done @!p2 $0x0  }
0x3e: {  	s4 =	sshra.s32 s4, $0x2;
	s25 =	simm.s32 @!p1 $0x0;
	[sflag:s11] =	ssyncadd.s32 @!p2 $0xFFFFFC00  }
0x3f: {  	[tilespmem:s23], [sflag:s8] =	stream.linear.gather @!p1 [hbm4b:s9+s25], $0x400, $0x38;
	v63 =	vld [tilespmem:$0x0]  }
0x40: {  	s29 =	sshra.s32 s16, $0x2;
	s26 =	smul.u32 $0xFFFFFFF4, s26;
	s28 =	sadd.s32 $0x1, s4  }
0x41: {  	[tilespmem:s10], [sflag:s11] =	stream.linear.gather @!p1 [hbm4b:s12+s25], $0x400, $0x38;
	v63 =	vld [tilespmem:$0x0]  }
0x42: {  	s24 =	smul.u32 $0xFFFD3000, s24;
	s25 =	sadd.s32 s29, s28;
	s28 =	sshra.s32 s13, $0x2  }
0x43: {  	s5 =	sadd.s32 s13, s16;
	s26 =	sshra.s32 s26, $0x2;
	s25 =	sadd.s32 s28, s25  }
0x44: {  	s24 =	sshra.s32 s24, $0x2;
	s4 =	sadd.s32 $0x4, s4;
	_ =	swait.ge [sflag:s25], $0x3C00  }
0x45: {  	s24 =	sadd.s32 s24, s30;
	s4 =	sadd.s32 s29, s4;
	[sflag:s25] =	ssyncset.done $0x0  }
0x46: {  	p1 =	seq.s32 s5, $0x0;
	s4 =	sadd.s32 s28, s4;
	[sflag:s25] =	ssyncadd.s32 $0xFFFFC400  }
0x47: {  	[spmem:s3] =	stream.indirect.scatter.add.f32 [tilespmem:s24], [sflag:s4], $0x80, s22, s21, $0xb8;
	v63 =	vld [tilespmem:$0x0]  }
0x48: {  	s5 =	sshra.s32 @!p1 s16, $0x2;
	s4 =	sadd.s32 $0x3, s26  }
0x49: {  	s4 =	sadd.s32 @!p1 s5, s4;
	s5 =	sshra.s32 @!p1 s13, $0x2  }
0x4a: {  	s4 =	sadd.s32 @!p1 s5, s4  }
0x4b: {  	p2 =	sgt.u32 @!p1 s1, $0x55;
	_ =	swait.ge @!p1 [sflag:s4], $0x3C00  }
0x4c: {  	p2 =	por p1, !p2;
	[sflag:s4] =	ssyncset.done @!p1 $0x0  }
0x4d: {  	[sflag:s4] =	ssyncadd.s32 @!p1 $0xFFFFC400;
	s4 =	sadd.s32 @p2 $0x2, s1  }
0x4e: {  	s5 =	smul.u32 @p2 $0xAB, s4;
	_ =	sdelay $0x1  }
0x4f: {  	s5 =	sshrl.u32 @p2 s5, $0x9  }
0x50: {  	s5 =	sand.u32 @p2 $0x7F, s5  }
0x51: {  	s5 =	smul.u32 @p2 $0x3, s5;
	_ =	sdelay $0x1  }
0x52: {  	s4 =	ssub.s32 @p2 s4, s5  }
0x53: {  	s13 =	sadd.s32 $0x4, s13;
	s4 =	sand.u32 @p2 $0xFF, s4  }
0x54: {  	p1 =	sne.s32 s13, $0x20;
	s5 =	smul.u32 @p2 $0xF000, s4  }
.Ltmp0:
0x55: {  	_ = 	snop;
	(pc) =	sbr.rel @p1 .LBB2_3-.Ltmp0, $4  }
0x56: {  	s31 =	sadd.s32 $0x1, s31;
	s30 =	sadd.s32 $0x3C00, s30;
	s24 =	sand.u32 @p2 $0x780, s0  }
0x57: {  	s22 =	sadd.s32 $0x80, s22;
	s0 =	sadd.s32 $0x80, s0;
	s5 =	sshrl.u32 @p2 s5, $0x2  }
0x58: {  	s1 =	sadd.s32 $0x1, s1;
	s4 =	sadd.s32 @p2 $0x1, s4;
	s5 =	sadd.s32 @p2 $0x1000, s5  }
0x59: {  	[tilespmem:s5], [sflag:s4] =	stream.indirect.gather @p2 [hbm4b:s2+s21], $0x80, s24, s21, $0xb8;
	v63 =	vld [tilespmem:$0x0]  }
0x5a: {  	p1 =	sne.s32 s18, $0xB  }
.Ltmp1:
0x5b: {  	_ = 	snop;
	(pc) =	sbr.rel @p1 .LBB2_2-.Ltmp1, $4  }
0x5c: {  	_ = 	snop  }
0x5d: {  	p0 =	por !p0, !p0  }
0x5e: {  	s16 =	sadd.s32 $0x20, s16;
	s20 =	sadd.s32 $0x8, s20;
	s19 =	sadd.s32 $0x8, s19  }
0x5f: {  	s15 =	sadd.s32 $0x400, s15;
	s14 =	sadd.s32 $0x1E000, s14;
	s17 =	smov.u32 s18  }
0x60: {  	s0 =	simm.s32 $0x4  }
0x61: {  	_ =	swait.ge [sflag:s0], $0x3C00  }
0x62: {  	[sflag:s0] =	ssyncset.done $0x0  }
0x63: {  	[sflag:s0] =	ssyncadd.s32 $0xFFFFC400  }
0x64: {  	[bflag:$0x0] =	sbarrier.arrive $0xFFFF  }
0x65: {  	s29 =	rddreg [dreg:$0xb]  }
0x66: {  	s5 =	rddreg [dreg:$0xd]  }
0x67: {  	s8 =	simm.s32 $0xB;
	s1 =	rddreg [dreg:$0xf]  }
0x68: {  	[hbm:s29], [sflag:s5] =	dma.local [spmem:s1], $0x2780  }
0x69: {  	_ =	swait.ge [sflag:s8], $0x2780  }
0x6a: {  	s30 =	rddreg [dreg:$0xe]  }
0x6b: {  	s31 =	rddreg [dreg:$0xc];
	s1 =	sadd.s32 $0x1, s30  }
0x6c: {  	p0 =	sne.s32 s1, s31  }
.Ltmp2:
0x6d: {  	_ = 	snop;
	(pc) =	sbr.rel @p0 .LBB2_1-.Ltmp2, $3  }
0x6e: {  	_ =	sdelay $0x1  }
0x6f: {  	[sflag:s8] =	ssyncset.done $0x0  }
0x70: {  	[sflag:s8] =	ssyncadd.s32 $0xFFFFD880  }
0x71: {  	_ =	sfence.sel $0x180000  }
0x72: {  	[bflag:$0x0] =	sbarrier.arrive $0xFFFF  }
0x73: {  	_ =	strace $0x90000047  }
0x74: {  	s0 =	stileid.u32;
	[bflag:$0x2] =	sbarrier.arrive $0xFFFF  }
0x75: {  	p0 =	sne.s32 s0, $0x0;
	s0 =	rddreg [dreg:$0x3]  }
0x76: {  	s0 =	sadd.s32 @!p0 $0x100000, s0  }
0x77: {  	[sflag:s0] =	ssyncadd.tile.s32 @!p0 $0x1;
	_ =	shalt  }
.Lfunc_end2:
_tile_overlayer_lowered:
.L_overlay_start_2:
0x78: {  	(tag) =	ssettag $0x2  }
0x79: {  	s0 =	rddreg [dreg:$0x0];
	s2 =	stileid.u32  }
0x7a: {  	s1 =	rddreg [dreg:$0x1];
	p0 =	sne.s32 s2, $0x0  }
0x7b: {  	s3 =	rddreg [dreg:$0x2];
	[bflag:$0x3] =	sbarrier.arrive $0xFFFF;
	s2 =	simm.s32 @!p0 $0x1C0B  }
0x7c: {  	[timem:s3], [sflag:s2] =	dma.local @!p0 [hbm:s0], s1  }
0x7d: {  	s0 =	simm.s32 @!p0 $0xB  }
0x7e: {  	_ =	swait.ge @!p0 [sflag:s0], s1  }
0x7f: {  	s1 =	ssub.s32 @!p0 $0x0, s1;
	[sflag:s0] =	ssyncset.done @!p0 $0x0  }
0x80: {  	[sflag:s0] =	ssyncadd.s32 @!p0 s1  }
0x81: {  	[bflag:$0x3] =	sbarrier.arrive $0xFFFF  }
0x82: {  	_ =	shalt  }

</sc_bundles>
